<compile_context>
chip_gen: v7x
topology: tpu7x:2x2x1
jax: 0.10.2.dev20260603
libtpu: 0.0.44.dev20260713+nightly
codegen_flags: <defaults>
</compile_context>

<pallas_src>
import functools

import jax
import jax.numpy as jnp
from jax import lax
from jax.experimental import pallas as pl
from jax.experimental.pallas import tpu as pltpu
from jax.experimental.pallas import tpu_sc as plsc

N = 4096 * 4096
NROWS = 4096
NCOLS = 4096
NW = 32
ROWS_PER_W = NROWS // NW
PIECE_ROWS = 8
PIECE = PIECE_ROWS * NCOLS
NPIECES = ROWS_PER_W // PIECE_ROWS
UNROLL = 8
BINS1 = 1 << 12
BINS2 = 1 << 12
BINS3 = 1 << 7

_mesh = plsc.VectorSubcoreMesh(core_axis_name="c", subcore_axis_name="s")
_sc_params = pltpu.CompilerParams(needs_layout_passes=False)


def _worker_id():
    return lax.axis_index("s") * 2 + lax.axis_index("c")


def _make_hist_kernel(nbins, bin_fn, masked):

    stride = nbins + 1
    nbanks = 15
    hist_words = (nbanks * stride + 15) // 16 * 16
    scratch = [
        pltpu.VMEM((PIECE_ROWS, NCOLS), jnp.float32),
        pltpu.VMEM((PIECE_ROWS, NCOLS), jnp.float32),
        pltpu.VMEM((hist_words,), jnp.int32),
        pltpu.SemaphoreType.DMA,
        pltpu.SemaphoreType.DMA,
    ]
    if masked:
        scratch.append(pltpu.VMEM((16,), jnp.int32))

    def body(x_hbm, *rest):
        if masked:
            bsel_hbm, out_hbm, data0, data1, hist_v, sem0, sem1, b_v = rest
        else:
            out_hbm, data0, data1, hist_v, sem0, sem1 = rest
        wid = _worker_id()
        rowbase = wid * ROWS_PER_W

        def start(p, buf, sem):
            row0 = pl.multiple_of(rowbase + p * PIECE_ROWS, PIECE_ROWS)
            return pltpu.async_copy(x_hbm.at[pl.ds(row0, PIECE_ROWS)],
                                    buf, sem)

        def wait(p, buf, sem):
            row0 = pl.multiple_of(rowbase + p * PIECE_ROWS, PIECE_ROWS)
            pltpu.make_async_copy(x_hbm.at[pl.ds(row0, PIECE_ROWS)],
                                  buf, sem).wait()

        start(0, data0, sem0)

        zeros = jnp.zeros((16,), jnp.int32)

        @plsc.parallel_loop(0, hist_words // 16, unroll=8)
        def _(i):
            hist_v[pl.ds(i * 16, 16)] = zeros

        if masked:
            pltpu.sync_copy(bsel_hbm.at[pl.ds(0, 16)], b_v)
            bvec = b_v[...]
        ones = jnp.full((16,), 1, jnp.int32)
        lane = lax.broadcasted_iota(jnp.int32, (16,), 0)
        lane_off = jnp.minimum(lane, nbanks - 1) * stride

        def process(buf):
            @plsc.parallel_loop(0, PIECE // 16, unroll=UNROLL)
            def _(i):
                rr = i >> 8
                cc = (i & 255) * 16
                v = buf[rr, pl.ds(cc, 16)]
                bits = plsc.bitcast(v, jnp.int32) & jnp.int32(0x7FFFFFFF)
                b, key = bin_fn(bits)
                addr = b + lane_off
                if masked:
                    plsc.addupdate_scatter(hist_v, [addr], ones,
                                           mask=key == bvec)
                else:
                    plsc.addupdate_scatter(hist_v, [addr], ones)

        def pair_body(q, carry):
            pa = 2 * q
            start(pa + 1, data1, sem1)
            wait(pa, data0, sem0)
            process(data0)

            @pl.when(q < NPIECES // 2 - 1)
            def _():
                start(pa + 2, data0, sem0)

            wait(pa + 1, data1, sem1)
            process(data1)
            return carry

        lax.fori_loop(0, NPIECES // 2, pair_body, 0)

        @plsc.parallel_loop(0, nbins // 16, unroll=2)
        def _(i):
            acc = hist_v[pl.ds(i * 16, 16)]
            for l in range(1, nbanks):
                acc = acc + hist_v[pl.ds(l * stride + i * 16, 16)]
            hist_v[pl.ds(i * 16, 16)] = acc

        pltpu.sync_copy(hist_v.at[pl.ds(0, nbins)], out_hbm.at[wid])

    return pl.kernel(
        body,
        out_type=jax.ShapeDtypeStruct((NW, nbins), jnp.int32),
        mesh=_mesh,
        scratch_types=scratch,
        compiler_params=_sc_params,
    )


_hist1 = _make_hist_kernel(
    BINS1, lambda bits: (bits >> 19, None), masked=False)
_hist2 = _make_hist_kernel(
    BINS2, lambda bits: ((bits >> 7) & jnp.int32(0xFFF), bits >> 19),
    masked=True)
_hist3 = _make_hist_kernel(
    BINS3, lambda bits: (bits & jnp.int32(0x7F), bits >> 7), masked=True)


def _cumsum_rows(c):
    nrows = c.shape[0]
    k = 1
    while k < nrows:
        shifted = jnp.concatenate(
            [jnp.zeros((k, 1), jnp.int32), c[:-k]], axis=0)
        c = c + shifted
        k *= 2
    return c


def _cumsum_lanes(c):
    k = 1
    while k < 128:
        shifted = jnp.concatenate(
            [jnp.zeros((1, k), jnp.int32), c[:, :-k]], axis=1)
        c = c + shifted
        k *= 2
    return c


def _select_bin(h2d, r, nrows):
    rows = jnp.sum(h2d, axis=1, keepdims=True)
    cum_rows = _cumsum_rows(rows)
    lt = cum_rows < r
    row_idx = jnp.sum(lt.astype(jnp.int32))
    base = jnp.max(jnp.where(lt, cum_rows, 0))
    rowsel = lax.broadcasted_iota(jnp.int32, (nrows, 128), 0) == row_idx
    row = jnp.sum(jnp.where(rowsel, h2d, 0), axis=0, keepdims=True)
    cum_in = _cumsum_lanes(row)
    lt2 = (base + cum_in) < r
    col_idx = jnp.sum(lt2.astype(jnp.int32))
    prev = base + jnp.max(jnp.where(lt2, cum_in, 0))
    return row_idx * 128 + col_idx, prev


def _find1_body(h_ref, r_ref, out_ref):
    r = r_ref[0, 0]
    h = jnp.sum(h_ref[...], axis=0)
    b1, prev = _select_bin(h, r, BINS1 // 128)
    r2 = r - prev
    rowi = lax.broadcasted_iota(jnp.int32, (8, 128), 0)
    out_ref[...] = jnp.where(rowi == 0, b1, r2)


def _find2_body(h_ref, br_ref, out_ref):
    b1 = br_ref[0, 0]
    r2 = br_ref[1, 0]
    h = jnp.sum(h_ref[...], axis=0)
    b2, prev = _select_bin(h, r2, BINS2 // 128)
    b12 = b1 * BINS2 + b2
    r3 = r2 - prev
    rowi = lax.broadcasted_iota(jnp.int32, (8, 128), 0)
    out_ref[...] = jnp.where(rowi == 0, b12, r3)


def _find3_body(h_ref, br_ref, out_ref):
    b12 = br_ref[0, 0]
    r3 = br_ref[1, 0]
    h = jnp.sum(h_ref[...], axis=0)
    cum = _cumsum_lanes(h)
    b3 = jnp.sum((cum < r3).astype(jnp.int32))
    tbits = b12 * BINS3 + b3
    out_ref[...] = jnp.full((1, 1), lax.bitcast_convert_type(tbits, jnp.float32))


def _mask_body(x_ref, t_ref, out_ref):
    t = t_ref[0, 0]
    xv = x_ref[...]
    out_ref[...] = jnp.where(jnp.abs(xv) > t, xv, 0.0)


_find1 = pl.pallas_call(
    _find1_body, out_shape=jax.ShapeDtypeStruct((8, 128), jnp.int32))
_find2 = pl.pallas_call(
    _find2_body, out_shape=jax.ShapeDtypeStruct((8, 128), jnp.int32))
_find3 = pl.pallas_call(
    _find3_body, out_shape=jax.ShapeDtypeStruct((1, 1), jnp.float32))

_ROWS_PER_BLOCK = 256

_apply_mask = pl.pallas_call(
    _mask_body,
    grid=(4096 // _ROWS_PER_BLOCK,),
    in_specs=[
        pl.BlockSpec((_ROWS_PER_BLOCK, 4096), lambda i: (i, 0)),
        pl.BlockSpec((1, 1), lambda i: (0, 0)),
    ],
    out_specs=pl.BlockSpec((_ROWS_PER_BLOCK, 4096), lambda i: (i, 0)),
    out_shape=jax.ShapeDtypeStruct((4096, 4096), jnp.float32),
)


def kernel(x, sparsity, mask):
    del mask
    xi = x
    s = sparsity.reshape(())
    idx = jnp.clip((s * N - 1.0).astype(jnp.int32), 0, N - 1)
    r = (idx + 1).reshape(1, 1)
    h1 = _hist1(xi)
    br1 = _find1(h1.reshape(NW, BINS1 // 128, 128), r)
    h2 = _hist2(xi, br1.reshape(-1))
    br2 = _find2(h2.reshape(NW, BINS2 // 128, 128), br1)
    h3 = _hist3(xi, br2.reshape(-1))
    thr = _find3(h3.reshape(NW, 1, BINS3), br2)
    return _apply_mask(x, thr)

# --- scband reference (transcript-rebuilt; emitter-appended) ---
"""Pipeline reference for scband-magnitude-pruning-callback-34093450395848 (READ-ONLY COPY).

The authoritative reference and input builder live on the scoring server;
editing this copy changes nothing except your own understanding.
"""

import jax, jax.numpy as jnp
import numpy as np


def setup_inputs(seed: int = 0) -> dict:
    key = jax.random.key(seed)
    k1, k2 = jax.random.split(key, 2)
    x = jax.random.normal(k1, (4096, 4096), dtype=jnp.float32)
    sparsity = jax.random.uniform(k2, (1,), dtype=jnp.float32)
    mask = jnp.ones((4096, 4096), dtype=jnp.float32)
    return {"x": x, "sparsity": sparsity, "mask": mask}


def reference(x, sparsity, mask):
    # MagnitudePruningCallback.forward in training mode, first step (t=0),
    # running_average=False, use_gradient=False.
    # Path taken: initialize (no-op), receive_input/update_magnitude (no-op since
    # running_average=False), then since sparsity >= 0, t % interval == 0, and
    # (t > 0 or not running_average) is True -> prune_and_update_mask:
    #   importance = squeeze_tensor_to_shape(x.abs(), mask.shape)  (identity here,
    #   mask.shape == x.shape), mask = calculate_mask_given_importance(importance, sparsity),
    #   out = x * mask.
    s = sparsity.reshape(())
    importance = jnp.abs(x)
    vals = jnp.sort(importance.reshape(-1))
    n = vals.shape[0]
    # qsparse calculate_mask_given_importance: idx = max(int(sparsity*n - 1), 0);
    # threshold = sorted_values[idx]; mask = importance > threshold
    idx = jnp.clip((s * n - 1.0).astype(jnp.int32), 0, n - 1)
    threshold = vals[idx]
    new_mask = (importance > threshold).astype(x.dtype)
    return x * new_mask

if __name__ == "__main__":
    import jax
    _d = setup_inputs()
    print(jax.jit(kernel)(*tuple(_d.values())))

</pallas_src>

<mosaic_0001>
#map = affine_map<(d0, d1) -> (0, 0)>
#map1 = affine_map<(d0, d1) -> (0)>
module attributes {stable_mosaic.version = 14 : i64} {
  func.func @body(%arg0: i32, %arg1: i32, %arg2: memref<4096x4096xf32, #tpu.memory_space<hbm>>, %arg3: memref<1024xi32, #tpu.memory_space<hbm>>, %arg4: memref<32x128xi32, #tpu.memory_space<hbm>>, %arg5: memref<8x4096xf32, #tpu.memory_space<vmem>>, %arg6: memref<8x4096xf32, #tpu.memory_space<vmem>>, %arg7: memref<1936xi32, #tpu.memory_space<vmem>>, %arg8: memref<!tpu.dma_semaphore, #tpu.memory_space<semaphore_mem>>, %arg9: memref<!tpu.dma_semaphore, #tpu.memory_space<semaphore_mem>>, %arg10: memref<16xi32, #tpu.memory_space<vmem>>) attributes {dimension_semantics = [#tpu.dimension_semantics<core_parallel>, #tpu.dimension_semantics<subcore_parallel>], iteration_bounds = array<i64: 2, 16>, scalar_prefetch = 0 : i64, scratch_operands = 6 : i64, tpu.core_type = #tpu.core_type<sc_vector_subcore>, window_params = [{transform_indices = #map}, {transform_indices = #map1}, {transform_indices = #map}]} {
    %mul3A = arith.constant 2 : i32
    %mul3A_0 = arith.muli %arg1, %mul3A : i32
    %add3A = arith.addi %mul3A_0, %arg0 : i32
    %mul3A_1 = arith.constant 128 : i32
    %mul3A_2 = arith.muli %add3A, %mul3A_1 : i32
    %add3A_3 = arith.constant 0 : i32
    %add3A_4 = arith.addi %mul3A_2, %add3A_3 : i32
    %multiple_of3A = tpu.assume_multiple %add3A_4, 8 : i32
    %dma_start3A = arith.constant 0 : i32
    %dma_start3A_5 = tpu.memref_slice %arg2[%multiple_of3A, %dma_start3A] : memref<4096x4096xf32, #tpu.memory_space<hbm>> -> memref<8x4096xf32, #tpu.memory_space<hbm>>
    %dma_start3A_6 = arith.constant 0 : i32
    %dma_start3A_7 = tpu.memref_slice %arg2[%multiple_of3A, %dma_start3A_6] : memref<4096x4096xf32, #tpu.memory_space<hbm>> -> memref<8x4096xf32, #tpu.memory_space<hbm>>
    tpu.enqueue_dma source(%dma_start3A_7 : memref<8x4096xf32, #tpu.memory_space<hbm>>) target(%arg5 : memref<8x4096xf32, #tpu.memory_space<vmem>>) target_semaphore(%arg8 : memref<!tpu.dma_semaphore, #tpu.memory_space<semaphore_mem>>)
    %broadcast_in_dim3A = arith.constant 0 : i32
    %broadcast_in_dim3A_8 = vector.broadcast %broadcast_in_dim3A : i32 to vector<16xi32>
    %parallel_loop3A = arith.constant 0 : i32
    %parallel_loop3A_9 = arith.constant 121 : i32
    %parallel_loop3A_10 = arith.constant 1 : i32
    scf.for %parallel_loop3A_27 = %parallel_loop3A to %parallel_loop3A_9 step %parallel_loop3A_10  : i32 {
      %parallel_loop3A_28 = arith.constant 16 : i32
      %parallel_loop3A_29 = arith.muli %parallel_loop3A_27, %parallel_loop3A_28 : i32
      %parallel_loop3A_30 = arith.index_cast %parallel_loop3A_29 : i32 to index
      %parallel_loop3A_31 = tpu.vector_load %arg7[%parallel_loop3A_30] {strides = array<i32>} : memref<1936xi32, #tpu.memory_space<vmem>>, vector<16xi32>,
      tpu.vector_store %arg7[%parallel_loop3A_30], %broadcast_in_dim3A_8 {strides = array<i32>} : memref<1936xi32, #tpu.memory_space<vmem>>, vector<16xi32>,
    } {sc.loop_unroll_factor = 8 : i64, sc.parallel_access}
    "tpu.region"() ({
      %run_scoped3A = tpu.sem_alloc : memref<!tpu.dma_semaphore, #tpu.memory_space<semaphore_mem>>
      %dma_start3A_27 = arith.constant 0 : i32
      %dma_start3A_28 = tpu.memref_slice %arg3[%dma_start3A_27] : memref<1024xi32, #tpu.memory_space<hbm>> -> memref<16xi32, #tpu.memory_space<hbm>>
      %dma_start3A_29 = arith.constant 0 : i32
      %dma_start3A_30 = tpu.memref_slice %arg3[%dma_start3A_29] : memref<1024xi32, #tpu.memory_space<hbm>> -> memref<16xi32, #tpu.memory_space<hbm>>
      tpu.enqueue_dma source(%dma_start3A_30 : memref<16xi32, #tpu.memory_space<hbm>>) target(%arg10 : memref<16xi32, #tpu.memory_space<vmem>>) target_semaphore(%run_scoped3A : memref<!tpu.dma_semaphore, #tpu.memory_space<semaphore_mem>>)
      %dma_wait3A = arith.constant 0 : i32
      %dma_wait3A_31 = tpu.memref_slice %arg3[%dma_wait3A] : memref<1024xi32, #tpu.memory_space<hbm>> -> memref<16xi32, #tpu.memory_space<hbm>>
      %dma_wait3A_32 = arith.constant 0 : i32
      %dma_wait3A_33 = tpu.memref_slice %arg3[%dma_wait3A_32] : memref<1024xi32, #tpu.memory_space<hbm>> -> memref<16xi32, #tpu.memory_space<hbm>>
      tpu.wait_dma2 semaphore(%run_scoped3A : memref<!tpu.dma_semaphore, #tpu.memory_space<semaphore_mem>>) src(%dma_wait3A_33 : memref<16xi32, #tpu.memory_space<hbm>>) dst(%arg10 : memref<16xi32, #tpu.memory_space<vmem>>)
      tpu.yield
    }) : () -> ()
    %get3A = arith.constant 0 : index
    %get3A_11 = tpu.vector_load %arg10[%get3A] {strides = array<i32>} : memref<16xi32, #tpu.memory_space<vmem>>, vector<16xi32>,
    %broadcast_in_dim3A_12 = arith.constant 1 : i32
    %broadcast_in_dim3A_13 = vector.broadcast %broadcast_in_dim3A_12 : i32 to vector<16xi32>
    %iota3A = tpu.iota {dimensions = array<i32: 0>} : vector<16xi32>
    %min3A = arith.constant 14 : i32
    %min3A_14 = vector.broadcast %min3A : i32 to vector<16xi32>
    %min3A_15 = arith.minsi %iota3A, %min3A_14 : vector<16xi32>
    %mul3A_16 = arith.constant 129 : i32
    %mul3A_17 = vector.broadcast %mul3A_16 : i32 to vector<16xi32>
    %mul3A_18 = arith.muli %min3A_15, %mul3A_17 : vector<16xi32>
    %scan3A = arith.constant 0 : i32
    %scan3A_19 = arith.constant 0 : i32
    %scan3A_20 = arith.constant 8 : i32
    %scan3A_21 = arith.addi %scan3A_19, %scan3A_20 : i32
    %scan3A_22 = arith.constant 1 : i32
    scf.for %scan3A_27 = %scan3A_19 to %scan3A_21 step %scan3A_22  : i32 {
      %mul3A_28 = arith.constant 2 : i32
      %mul3A_29 = arith.muli %mul3A_28, %scan3A_27 : i32
      %add3A_30 = arith.constant 1 : i32
      %add3A_31 = arith.addi %mul3A_29, %add3A_30 : i32
      %mul3A_32 = arith.constant 8 : i32
      %mul3A_33 = arith.muli %add3A_31, %mul3A_32 : i32
      %add3A_34 = arith.addi %mul3A_2, %mul3A_33 : i32
      %multiple_of3A_35 = tpu.assume_multiple %add3A_34, 8 : i32
      %dma_start3A_36 = arith.constant 0 : i32
      %dma_start3A_37 = tpu.memref_slice %arg2[%multiple_of3A_35, %dma_start3A_36] : memref<4096x4096xf32, #tpu.memory_space<hbm>> -> memref<8x4096xf32, #tpu.memory_space<hbm>>
      %dma_start3A_38 = arith.constant 0 : i32
      %dma_start3A_39 = tpu.memref_slice %arg2[%multiple_of3A_35, %dma_start3A_38] : memref<4096x4096xf32, #tpu.memory_space<hbm>> -> memref<8x4096xf32, #tpu.memory_space<hbm>>
      tpu.enqueue_dma source(%dma_start3A_39 : memref<8x4096xf32, #tpu.memory_space<hbm>>) target(%arg6 : memref<8x4096xf32, #tpu.memory_space<vmem>>) target_semaphore(%arg9 : memref<!tpu.dma_semaphore, #tpu.memory_space<semaphore_mem>>)
      %mul3A_40 = arith.constant 8 : i32
      %mul3A_41 = arith.muli %mul3A_29, %mul3A_40 : i32
      %add3A_42 = arith.addi %mul3A_2, %mul3A_41 : i32
      %multiple_of3A_43 = tpu.assume_multiple %add3A_42, 8 : i32
      %dma_wait3A = arith.constant 0 : i32
      %dma_wait3A_44 = tpu.memref_slice %arg2[%multiple_of3A_43, %dma_wait3A] : memref<4096x4096xf32, #tpu.memory_space<hbm>> -> memref<8x4096xf32, #tpu.memory_space<hbm>>
      %dma_wait3A_45 = arith.constant 0 : i32
      %dma_wait3A_46 = tpu.memref_slice %arg2[%multiple_of3A_43, %dma_wait3A_45] : memref<4096x4096xf32, #tpu.memory_space<hbm>> -> memref<8x4096xf32, #tpu.memory_space<hbm>>
      tpu.wait_dma2 semaphore(%arg8 : memref<!tpu.dma_semaphore, #tpu.memory_space<semaphore_mem>>) src(%dma_wait3A_46 : memref<8x4096xf32, #tpu.memory_space<hbm>>) dst(%arg5 : memref<8x4096xf32, #tpu.memory_space<vmem>>)
      %parallel_loop3A_47 = arith.constant 0 : i32
      %parallel_loop3A_48 = arith.constant 2048 : i32
      %parallel_loop3A_49 = arith.constant 1 : i32
      scf.for %parallel_loop3A_65 = %parallel_loop3A_47 to %parallel_loop3A_48 step %parallel_loop3A_49  : i32 {
        %parallel_loop3A_66 = arith.constant 8 : i32
        %parallel_loop3A_67 = arith.shrsi %parallel_loop3A_65, %parallel_loop3A_66 : i32
        %parallel_loop3A_68 = arith.constant 255 : i32
        %parallel_loop3A_69 = arith.andi %parallel_loop3A_65, %parallel_loop3A_68 : i32
        %parallel_loop3A_70 = arith.constant 16 : i32
        %parallel_loop3A_71 = arith.muli %parallel_loop3A_69, %parallel_loop3A_70 : i32
        %parallel_loop3A_72 = arith.index_cast %parallel_loop3A_67 : i32 to index
        %parallel_loop3A_73 = arith.index_cast %parallel_loop3A_71 : i32 to index
        %parallel_loop3A_74 = tpu.vector_load %arg5[%parallel_loop3A_72, %parallel_loop3A_73] {strides = array<i32>} : memref<8x4096xf32, #tpu.memory_space<vmem>>, vector<16xf32>,
        %parallel_loop3A_75 = vector.bitcast %parallel_loop3A_74 : vector<16xf32> to vector<16xi32>
        %parallel_loop3A_76 = arith.constant 2147483647 : i32
        %parallel_loop3A_77 = vector.broadcast %parallel_loop3A_76 : i32 to vector<16xi32>
        %parallel_loop3A_78 = arith.andi %parallel_loop3A_75, %parallel_loop3A_77 : vector<16xi32>
        %parallel_loop3A_79 = arith.constant 127 : i32
        %parallel_loop3A_80 = vector.broadcast %parallel_loop3A_79 : i32 to vector<16xi32>
        %parallel_loop3A_81 = arith.andi %parallel_loop3A_78, %parallel_loop3A_80 : vector<16xi32>
        %parallel_loop3A_82 = arith.constant 7 : i32
        %parallel_loop3A_83 = vector.broadcast %parallel_loop3A_82 : i32 to vector<16xi32>
        %parallel_loop3A_84 = arith.shrsi %parallel_loop3A_78, %parallel_loop3A_83 : vector<16xi32>
        %parallel_loop3A_85 = arith.addi %parallel_loop3A_81, %mul3A_18 : vector<16xi32>
        %parallel_loop3A_86 = arith.cmpi eq, %parallel_loop3A_84, %get3A_11 : vector<16xi32>
        tpu.vector_store_idx %arg7[%parallel_loop3A_85], %broadcast_in_dim3A_13 masked %parallel_loop3A_86 {add = true} : memref<1936xi32, #tpu.memory_space<vmem>>[vector<16xi32>], vector<16xi32>, vector<16xi1>
      } {sc.loop_unroll_factor = 8 : i64, sc.parallel_access}
      %lt3A = arith.constant 7 : i32
      %lt3A_50 = arith.cmpi slt, %scan3A_27, %lt3A : i32
      %convert_element_type3A = arith.extui %lt3A_50 : i1 to i32
      %cond3A = arith.constant 0 : i32
      %cond3A_51 = arith.cmpi ne, %convert_element_type3A, %cond3A : i32
      scf.if %cond3A_51 {
        %add3A_65 = arith.constant 2 : i32
        %add3A_66 = arith.addi %mul3A_29, %add3A_65 : i32
        %mul3A_67 = arith.constant 8 : i32
        %mul3A_68 = arith.muli %add3A_66, %mul3A_67 : i32
        %add3A_69 = arith.addi %mul3A_2, %mul3A_68 : i32
        %multiple_of3A_70 = tpu.assume_multiple %add3A_69, 8 : i32
        %dma_start3A_71 = arith.constant 0 : i32
        %dma_start3A_72 = tpu.memref_slice %arg2[%multiple_of3A_70, %dma_start3A_71] : memref<4096x4096xf32, #tpu.memory_space<hbm>> -> memref<8x4096xf32, #tpu.memory_space<hbm>>
        %dma_start3A_73 = arith.constant 0 : i32
        %dma_start3A_74 = tpu.memref_slice %arg2[%multiple_of3A_70, %dma_start3A_73] : memref<4096x4096xf32, #tpu.memory_space<hbm>> -> memref<8x4096xf32, #tpu.memory_space<hbm>>
        tpu.enqueue_dma source(%dma_start3A_74 : memref<8x4096xf32, #tpu.memory_space<hbm>>) target(%arg5 : memref<8x4096xf32, #tpu.memory_space<vmem>>) target_semaphore(%arg8 : memref<!tpu.dma_semaphore, #tpu.memory_space<semaphore_mem>>)
      } else {
      }
      %add3A_52 = arith.constant 1 : i32
      %add3A_53 = arith.addi %mul3A_29, %add3A_52 : i32
      %mul3A_54 = arith.constant 8 : i32
      %mul3A_55 = arith.muli %add3A_53, %mul3A_54 : i32
      %add3A_56 = arith.addi %mul3A_2, %mul3A_55 : i32
      %multiple_of3A_57 = tpu.assume_multiple %add3A_56, 8 : i32
      %dma_wait3A_58 = arith.constant 0 : i32
      %dma_wait3A_59 = tpu.memref_slice %arg2[%multiple_of3A_57, %dma_wait3A_58] : memref<4096x4096xf32, #tpu.memory_space<hbm>> -> memref<8x4096xf32, #tpu.memory_space<hbm>>
      %dma_wait3A_60 = arith.constant 0 : i32
      %dma_wait3A_61 = tpu.memref_slice %arg2[%multiple_of3A_57, %dma_wait3A_60] : memref<4096x4096xf32, #tpu.memory_space<hbm>> -> memref<8x4096xf32, #tpu.memory_space<hbm>>
      tpu.wait_dma2 semaphore(%arg9 : memref<!tpu.dma_semaphore, #tpu.memory_space<semaphore_mem>>) src(%dma_wait3A_61 : memref<8x4096xf32, #tpu.memory_space<hbm>>) dst(%arg6 : memref<8x4096xf32, #tpu.memory_space<vmem>>)
      %parallel_loop3A_62 = arith.constant 0 : i32
      %parallel_loop3A_63 = arith.constant 2048 : i32
      %parallel_loop3A_64 = arith.constant 1 : i32
      scf.for %parallel_loop3A_65 = %parallel_loop3A_62 to %parallel_loop3A_63 step %parallel_loop3A_64  : i32 {
        %parallel_loop3A_66 = arith.constant 8 : i32
        %parallel_loop3A_67 = arith.shrsi %parallel_loop3A_65, %parallel_loop3A_66 : i32
        %parallel_loop3A_68 = arith.constant 255 : i32
        %parallel_loop3A_69 = arith.andi %parallel_loop3A_65, %parallel_loop3A_68 : i32
        %parallel_loop3A_70 = arith.constant 16 : i32
        %parallel_loop3A_71 = arith.muli %parallel_loop3A_69, %parallel_loop3A_70 : i32
        %parallel_loop3A_72 = arith.index_cast %parallel_loop3A_67 : i32 to index
        %parallel_loop3A_73 = arith.index_cast %parallel_loop3A_71 : i32 to index
        %parallel_loop3A_74 = tpu.vector_load %arg6[%parallel_loop3A_72, %parallel_loop3A_73] {strides = array<i32>} : memref<8x4096xf32, #tpu.memory_space<vmem>>, vector<16xf32>,
        %parallel_loop3A_75 = vector.bitcast %parallel_loop3A_74 : vector<16xf32> to vector<16xi32>
        %parallel_loop3A_76 = arith.constant 2147483647 : i32
        %parallel_loop3A_77 = vector.broadcast %parallel_loop3A_76 : i32 to vector<16xi32>
        %parallel_loop3A_78 = arith.andi %parallel_loop3A_75, %parallel_loop3A_77 : vector<16xi32>
        %parallel_loop3A_79 = arith.constant 127 : i32
        %parallel_loop3A_80 = vector.broadcast %parallel_loop3A_79 : i32 to vector<16xi32>
        %parallel_loop3A_81 = arith.andi %parallel_loop3A_78, %parallel_loop3A_80 : vector<16xi32>
        %parallel_loop3A_82 = arith.constant 7 : i32
        %parallel_loop3A_83 = vector.broadcast %parallel_loop3A_82 : i32 to vector<16xi32>
        %parallel_loop3A_84 = arith.shrsi %parallel_loop3A_78, %parallel_loop3A_83 : vector<16xi32>
        %parallel_loop3A_85 = arith.addi %parallel_loop3A_81, %mul3A_18 : vector<16xi32>
        %parallel_loop3A_86 = arith.cmpi eq, %parallel_loop3A_84, %get3A_11 : vector<16xi32>
        tpu.vector_store_idx %arg7[%parallel_loop3A_85], %broadcast_in_dim3A_13 masked %parallel_loop3A_86 {add = true} : memref<1936xi32, #tpu.memory_space<vmem>>[vector<16xi32>], vector<16xi32>, vector<16xi1>
      } {sc.loop_unroll_factor = 8 : i64, sc.parallel_access}
    }
    %scan3A_23 = arith.constant 8 : i32
    %parallel_loop3A_24 = arith.constant 0 : i32
    %parallel_loop3A_25 = arith.constant 8 : i32
    %parallel_loop3A_26 = arith.constant 1 : i32
    scf.for %parallel_loop3A_27 = %parallel_loop3A_24 to %parallel_loop3A_25 step %parallel_loop3A_26  : i32 {
      %parallel_loop3A_28 = arith.constant 16 : i32
      %parallel_loop3A_29 = arith.muli %parallel_loop3A_27, %parallel_loop3A_28 : i32
      %parallel_loop3A_30 = arith.index_cast %parallel_loop3A_29 : i32 to index
      %parallel_loop3A_31 = tpu.vector_load %arg7[%parallel_loop3A_30] {strides = array<i32>} : memref<1936xi32, #tpu.memory_space<vmem>>, vector<16xi32>,
      %parallel_loop3A_32 = arith.constant 16 : i32
      %parallel_loop3A_33 = arith.muli %parallel_loop3A_27, %parallel_loop3A_32 : i32
      %parallel_loop3A_34 = arith.constant 129 : i32
      %parallel_loop3A_35 = arith.addi %parallel_loop3A_34, %parallel_loop3A_33 : i32
      %parallel_loop3A_36 = arith.index_cast %parallel_loop3A_35 : i32 to index
      %parallel_loop3A_37 = tpu.vector_load %arg7[%parallel_loop3A_36] {strides = array<i32>} : memref<1936xi32, #tpu.memory_space<vmem>>, vector<16xi32>,
      %parallel_loop3A_38 = arith.addi %parallel_loop3A_31, %parallel_loop3A_37 : vector<16xi32>
      %parallel_loop3A_39 = arith.constant 16 : i32
      %parallel_loop3A_40 = arith.muli %parallel_loop3A_27, %parallel_loop3A_39 : i32
      %parallel_loop3A_41 = arith.constant 258 : i32
      %parallel_loop3A_42 = arith.addi %parallel_loop3A_41, %parallel_loop3A_40 : i32
      %parallel_loop3A_43 = arith.index_cast %parallel_loop3A_42 : i32 to index
      %parallel_loop3A_44 = tpu.vector_load %arg7[%parallel_loop3A_43] {strides = array<i32>} : memref<1936xi32, #tpu.memory_space<vmem>>, vector<16xi32>,
      %parallel_loop3A_45 = arith.addi %parallel_loop3A_38, %parallel_loop3A_44 : vector<16xi32>
      %parallel_loop3A_46 = arith.constant 16 : i32
      %parallel_loop3A_47 = arith.muli %parallel_loop3A_27, %parallel_loop3A_46 : i32
      %parallel_loop3A_48 = arith.constant 387 : i32
      %parallel_loop3A_49 = arith.addi %parallel_loop3A_48, %parallel_loop3A_47 : i32
      %parallel_loop3A_50 = arith.index_cast %parallel_loop3A_49 : i32 to index
      %parallel_loop3A_51 = tpu.vector_load %arg7[%parallel_loop3A_50] {strides = array<i32>} : memref<1936xi32, #tpu.memory_space<vmem>>, vector<16xi32>,
      %parallel_loop3A_52 = arith.addi %parallel_loop3A_45, %parallel_loop3A_51 : vector<16xi32>
      %parallel_loop3A_53 = arith.constant 16 : i32
      %parallel_loop3A_54 = arith.muli %parallel_loop3A_27, %parallel_loop3A_53 : i32
      %parallel_loop3A_55 = arith.constant 516 : i32
      %parallel_loop3A_56 = arith.addi %parallel_loop3A_55, %parallel_loop3A_54 : i32
      %parallel_loop3A_57 = arith.index_cast %parallel_loop3A_56 : i32 to index
      %parallel_loop3A_58 = tpu.vector_load %arg7[%parallel_loop3A_57] {strides = array<i32>} : memref<1936xi32, #tpu.memory_space<vmem>>, vector<16xi32>,
      %parallel_loop3A_59 = arith.addi %parallel_loop3A_52, %parallel_loop3A_58 : vector<16xi32>
      %parallel_loop3A_60 = arith.constant 16 : i32
      %parallel_loop3A_61 = arith.muli %parallel_loop3A_27, %parallel_loop3A_60 : i32
      %parallel_loop3A_62 = arith.constant 645 : i32
      %parallel_loop3A_63 = arith.addi %parallel_loop3A_62, %parallel_loop3A_61 : i32
      %parallel_loop3A_64 = arith.index_cast %parallel_loop3A_63 : i32 to index
      %parallel_loop3A_65 = tpu.vector_load %arg7[%parallel_loop3A_64] {strides = array<i32>} : memref<1936xi32, #tpu.memory_space<vmem>>, vector<16xi32>,
      %parallel_loop3A_66 = arith.addi %parallel_loop3A_59, %parallel_loop3A_65 : vector<16xi32>
      %parallel_loop3A_67 = arith.constant 16 : i32
      %parallel_loop3A_68 = arith.muli %parallel_loop3A_27, %parallel_loop3A_67 : i32
      %parallel_loop3A_69 = arith.constant 774 : i32
      %parallel_loop3A_70 = arith.addi %parallel_loop3A_69, %parallel_loop3A_68 : i32
      %parallel_loop3A_71 = arith.index_cast %parallel_loop3A_70 : i32 to index
      %parallel_loop3A_72 = tpu.vector_load %arg7[%parallel_loop3A_71] {strides = array<i32>} : memref<1936xi32, #tpu.memory_space<vmem>>, vector<16xi32>,
      %parallel_loop3A_73 = arith.addi %parallel_loop3A_66, %parallel_loop3A_72 : vector<16xi32>
      %parallel_loop3A_74 = arith.constant 16 : i32
      %parallel_loop3A_75 = arith.muli %parallel_loop3A_27, %parallel_loop3A_74 : i32
      %parallel_loop3A_76 = arith.constant 903 : i32
      %parallel_loop3A_77 = arith.addi %parallel_loop3A_76, %parallel_loop3A_75 : i32
      %parallel_loop3A_78 = arith.index_cast %parallel_loop3A_77 : i32 to index
      %parallel_loop3A_79 = tpu.vector_load %arg7[%parallel_loop3A_78] {strides = array<i32>} : memref<1936xi32, #tpu.memory_space<vmem>>, vector<16xi32>,
      %parallel_loop3A_80 = arith.addi %parallel_loop3A_73, %parallel_loop3A_79 : vector<16xi32>
      %parallel_loop3A_81 = arith.constant 16 : i32
      %parallel_loop3A_82 = arith.muli %parallel_loop3A_27, %parallel_loop3A_81 : i32
      %parallel_loop3A_83 = arith.constant 1032 : i32
      %parallel_loop3A_84 = arith.addi %parallel_loop3A_83, %parallel_loop3A_82 : i32
      %parallel_loop3A_85 = arith.index_cast %parallel_loop3A_84 : i32 to index
      %parallel_loop3A_86 = tpu.vector_load %arg7[%parallel_loop3A_85] {strides = array<i32>} : memref<1936xi32, #tpu.memory_space<vmem>>, vector<16xi32>,
      %parallel_loop3A_87 = arith.addi %parallel_loop3A_80, %parallel_loop3A_86 : vector<16xi32>
      %parallel_loop3A_88 = arith.constant 16 : i32
      %parallel_loop3A_89 = arith.muli %parallel_loop3A_27, %parallel_loop3A_88 : i32
      %parallel_loop3A_90 = arith.constant 1161 : i32
      %parallel_loop3A_91 = arith.addi %parallel_loop3A_90, %parallel_loop3A_89 : i32
      %parallel_loop3A_92 = arith.index_cast %parallel_loop3A_91 : i32 to index
      %parallel_loop3A_93 = tpu.vector_load %arg7[%parallel_loop3A_92] {strides = array<i32>} : memref<1936xi32, #tpu.memory_space<vmem>>, vector<16xi32>,
      %parallel_loop3A_94 = arith.addi %parallel_loop3A_87, %parallel_loop3A_93 : vector<16xi32>
      %parallel_loop3A_95 = arith.constant 16 : i32
      %parallel_loop3A_96 = arith.muli %parallel_loop3A_27, %parallel_loop3A_95 : i32
      %parallel_loop3A_97 = arith.constant 1290 : i32
      %parallel_loop3A_98 = arith.addi %parallel_loop3A_97, %parallel_loop3A_96 : i32
      %parallel_loop3A_99 = arith.index_cast %parallel_loop3A_98 : i32 to index
      %parallel_loop3A_100 = tpu.vector_load %arg7[%parallel_loop3A_99] {strides = array<i32>} : memref<1936xi32, #tpu.memory_space<vmem>>, vector<16xi32>,
      %parallel_loop3A_101 = arith.addi %parallel_loop3A_94, %parallel_loop3A_100 : vector<16xi32>
      %parallel_loop3A_102 = arith.constant 16 : i32
      %parallel_loop3A_103 = arith.muli %parallel_loop3A_27, %parallel_loop3A_102 : i32
      %parallel_loop3A_104 = arith.constant 1419 : i32
      %parallel_loop3A_105 = arith.addi %parallel_loop3A_104, %parallel_loop3A_103 : i32
      %parallel_loop3A_106 = arith.index_cast %parallel_loop3A_105 : i32 to index
      %parallel_loop3A_107 = tpu.vector_load %arg7[%parallel_loop3A_106] {strides = array<i32>} : memref<1936xi32, #tpu.memory_space<vmem>>, vector<16xi32>,
      %parallel_loop3A_108 = arith.addi %parallel_loop3A_101, %parallel_loop3A_107 : vector<16xi32>
      %parallel_loop3A_109 = arith.constant 16 : i32
      %parallel_loop3A_110 = arith.muli %parallel_loop3A_27, %parallel_loop3A_109 : i32
      %parallel_loop3A_111 = arith.constant 1548 : i32
      %parallel_loop3A_112 = arith.addi %parallel_loop3A_111, %parallel_loop3A_110 : i32
      %parallel_loop3A_113 = arith.index_cast %parallel_loop3A_112 : i32 to index
      %parallel_loop3A_114 = tpu.vector_load %arg7[%parallel_loop3A_113] {strides = array<i32>} : memref<1936xi32, #tpu.memory_space<vmem>>, vector<16xi32>,
      %parallel_loop3A_115 = arith.addi %parallel_loop3A_108, %parallel_loop3A_114 : vector<16xi32>
      %parallel_loop3A_116 = arith.constant 16 : i32
      %parallel_loop3A_117 = arith.muli %parallel_loop3A_27, %parallel_loop3A_116 : i32
      %parallel_loop3A_118 = arith.constant 1677 : i32
      %parallel_loop3A_119 = arith.addi %parallel_loop3A_118, %parallel_loop3A_117 : i32
      %parallel_loop3A_120 = arith.index_cast %parallel_loop3A_119 : i32 to index
      %parallel_loop3A_121 = tpu.vector_load %arg7[%parallel_loop3A_120] {strides = array<i32>} : memref<1936xi32, #tpu.memory_space<vmem>>, vector<16xi32>,
      %parallel_loop3A_122 = arith.addi %parallel_loop3A_115, %parallel_loop3A_121 : vector<16xi32>
      %parallel_loop3A_123 = arith.constant 16 : i32
      %parallel_loop3A_124 = arith.muli %parallel_loop3A_27, %parallel_loop3A_123 : i32
      %parallel_loop3A_125 = arith.constant 1806 : i32
      %parallel_loop3A_126 = arith.addi %parallel_loop3A_125, %parallel_loop3A_124 : i32
      %parallel_loop3A_127 = arith.index_cast %parallel_loop3A_126 : i32 to index
      %parallel_loop3A_128 = tpu.vector_load %arg7[%parallel_loop3A_127] {strides = array<i32>} : memref<1936xi32, #tpu.memory_space<vmem>>, vector<16xi32>,
      %parallel_loop3A_129 = arith.addi %parallel_loop3A_122, %parallel_loop3A_128 : vector<16xi32>
      %parallel_loop3A_130 = arith.constant 16 : i32
      %parallel_loop3A_131 = arith.muli %parallel_loop3A_27, %parallel_loop3A_130 : i32
      %parallel_loop3A_132 = arith.index_cast %parallel_loop3A_131 : i32 to index
      %parallel_loop3A_133 = tpu.vector_load %arg7[%parallel_loop3A_132] {strides = array<i32>} : memref<1936xi32, #tpu.memory_space<vmem>>, vector<16xi32>,
      tpu.vector_store %arg7[%parallel_loop3A_132], %parallel_loop3A_129 {strides = array<i32>} : memref<1936xi32, #tpu.memory_space<vmem>>, vector<16xi32>,
    } {sc.loop_unroll_factor = 2 : i64, sc.parallel_access}
    "tpu.region"() ({
      %run_scoped3A = tpu.sem_alloc : memref<!tpu.dma_semaphore, #tpu.memory_space<semaphore_mem>>
      %dma_start3A_27 = arith.constant 0 : i32
      %dma_start3A_28 = tpu.memref_slice %arg7[%dma_start3A_27] : memref<1936xi32, #tpu.memory_space<vmem>> -> memref<128xi32, #tpu.memory_space<vmem>>
      %dma_start3A_29 = arith.constant 0 : i32
      %dma_start3A_30 = tpu.memref_slice %arg4[%add3A, %dma_start3A_29] : memref<32x128xi32, #tpu.memory_space<hbm>> -> memref<1x128xi32, #tpu.memory_space<hbm>>
      %dma_start3A_31 = tpu.memref_squeeze %dma_start3A_30 : memref<1x128xi32, #tpu.memory_space<hbm>> -> memref<128xi32, #tpu.memory_space<hbm>>
      %dma_start3A_32 = arith.constant 0 : i32
      %dma_start3A_33 = tpu.memref_slice %arg4[%add3A, %dma_start3A_32] : memref<32x128xi32, #tpu.memory_space<hbm>> -> memref<1x128xi32, #tpu.memory_space<hbm>>
      %dma_start3A_34 = tpu.memref_squeeze %dma_start3A_33 : memref<1x128xi32, #tpu.memory_space<hbm>> -> memref<128xi32, #tpu.memory_space<hbm>>
      %dma_start3A_35 = arith.constant 0 : i32
      %dma_start3A_36 = tpu.memref_slice %arg7[%dma_start3A_35] : memref<1936xi32, #tpu.memory_space<vmem>> -> memref<128xi32, #tpu.memory_space<vmem>>
      tpu.enqueue_dma source(%dma_start3A_36 : memref<128xi32, #tpu.memory_space<vmem>>) target(%dma_start3A_34 : memref<128xi32, #tpu.memory_space<hbm>>) target_semaphore(%run_scoped3A : memref<!tpu.dma_semaphore, #tpu.memory_space<semaphore_mem>>)
      %dma_wait3A = arith.constant 0 : i32
      %dma_wait3A_37 = tpu.memref_slice %arg7[%dma_wait3A] : memref<1936xi32, #tpu.memory_space<vmem>> -> memref<128xi32, #tpu.memory_space<vmem>>
      %dma_wait3A_38 = arith.constant 0 : i32
      %dma_wait3A_39 = tpu.memref_slice %arg4[%add3A, %dma_wait3A_38] : memref<32x128xi32, #tpu.memory_space<hbm>> -> memref<1x128xi32, #tpu.memory_space<hbm>>
      %dma_wait3A_40 = tpu.memref_squeeze %dma_wait3A_39 : memref<1x128xi32, #tpu.memory_space<hbm>> -> memref<128xi32, #tpu.memory_space<hbm>>
      %dma_wait3A_41 = arith.constant 0 : i32
      %dma_wait3A_42 = tpu.memref_slice %arg4[%add3A, %dma_wait3A_41] : memref<32x128xi32, #tpu.memory_space<hbm>> -> memref<1x128xi32, #tpu.memory_space<hbm>>
      %dma_wait3A_43 = tpu.memref_squeeze %dma_wait3A_42 : memref<1x128xi32, #tpu.memory_space<hbm>> -> memref<128xi32, #tpu.memory_space<hbm>>
      %dma_wait3A_44 = arith.constant 0 : i32
      %dma_wait3A_45 = tpu.memref_slice %arg7[%dma_wait3A_44] : memref<1936xi32, #tpu.memory_space<vmem>> -> memref<128xi32, #tpu.memory_space<vmem>>
      tpu.wait_dma2 semaphore(%run_scoped3A : memref<!tpu.dma_semaphore, #tpu.memory_space<semaphore_mem>>) src(%dma_wait3A_45 : memref<128xi32, #tpu.memory_space<vmem>>) dst(%dma_wait3A_43 : memref<128xi32, #tpu.memory_space<hbm>>)
      tpu.yield
    }) : () -> ()
    return
  }
}

#map = affine_map<(d0, d1) -> (0, 0)>
#map1 = affine_map<(d0, d1) -> (0)>
module attributes {stable_mosaic.version = 14 : i64} {
  func.func @body(%arg0: i32, %arg1: i32, %arg2: memref<4096x4096xf32, #tpu.memory_space<hbm>>, %arg3: memref<1024xi32, #tpu.memory_space<hbm>>, %arg4: memref<32x4096xi32, #tpu.memory_space<hbm>>, %arg5: memref<8x4096xf32, #tpu.memory_space<vmem>>, %arg6: memref<8x4096xf32, #tpu.memory_space<vmem>>, %arg7: memref<61456xi32, #tpu.memory_space<vmem>>, %arg8: memref<!tpu.dma_semaphore, #tpu.memory_space<semaphore_mem>>, %arg9: memref<!tpu.dma_semaphore, #tpu.memory_space<semaphore_mem>>, %arg10: memref<16xi32, #tpu.memory_space<vmem>>) attributes {dimension_semantics = [#tpu.dimension_semantics<core_parallel>, #tpu.dimension_semantics<subcore_parallel>], iteration_bounds = array<i64: 2, 16>, scalar_prefetch = 0 : i64, scratch_operands = 6 : i64, tpu.core_type = #tpu.core_type<sc_vector_subcore>, window_params = [{transform_indices = #map}, {transform_indices = #map1}, {transform_indices = #map}]} {
    %mul3A = arith.constant 2 : i32
    %mul3A_0 = arith.muli %arg1, %mul3A : i32
    %add3A = arith.addi %mul3A_0, %arg0 : i32
    %mul3A_1 = arith.constant 128 : i32
    %mul3A_2 = arith.muli %add3A, %mul3A_1 : i32
    %add3A_3 = arith.constant 0 : i32
    %add3A_4 = arith.addi %mul3A_2, %add3A_3 : i32
    %multiple_of3A = tpu.assume_multiple %add3A_4, 8 : i32
    %dma_start3A = arith.constant 0 : i32
    %dma_start3A_5 = tpu.memref_slice %arg2[%multiple_of3A, %dma_start3A] : memref<4096x4096xf32, #tpu.memory_space<hbm>> -> memref<8x4096xf32, #tpu.memory_space<hbm>>
    %dma_start3A_6 = arith.constant 0 : i32
    %dma_start3A_7 = tpu.memref_slice %arg2[%multiple_of3A, %dma_start3A_6] : memref<4096x4096xf32, #tpu.memory_space<hbm>> -> memref<8x4096xf32, #tpu.memory_space<hbm>>
    tpu.enqueue_dma source(%dma_start3A_7 : memref<8x4096xf32, #tpu.memory_space<hbm>>) target(%arg5 : memref<8x4096xf32, #tpu.memory_space<vmem>>) target_semaphore(%arg8 : memref<!tpu.dma_semaphore, #tpu.memory_space<semaphore_mem>>)
    %broadcast_in_dim3A = arith.constant 0 : i32
    %broadcast_in_dim3A_8 = vector.broadcast %broadcast_in_dim3A : i32 to vector<16xi32>
    %parallel_loop3A = arith.constant 0 : i32
    %parallel_loop3A_9 = arith.constant 3841 : i32
    %parallel_loop3A_10 = arith.constant 1 : i32
    scf.for %parallel_loop3A_27 = %parallel_loop3A to %parallel_loop3A_9 step %parallel_loop3A_10  : i32 {
      %parallel_loop3A_28 = arith.constant 16 : i32
      %parallel_loop3A_29 = arith.muli %parallel_loop3A_27, %parallel_loop3A_28 : i32
      %parallel_loop3A_30 = arith.index_cast %parallel_loop3A_29 : i32 to index
      %parallel_loop3A_31 = tpu.vector_load %arg7[%parallel_loop3A_30] {strides = array<i32>} : memref<61456xi32, #tpu.memory_space<vmem>>, vector<16xi32>,
      tpu.vector_store %arg7[%parallel_loop3A_30], %broadcast_in_dim3A_8 {strides = array<i32>} : memref<61456xi32, #tpu.memory_space<vmem>>, vector<16xi32>,
    } {sc.loop_unroll_factor = 8 : i64, sc.parallel_access}
    "tpu.region"() ({
      %run_scoped3A = tpu.sem_alloc : memref<!tpu.dma_semaphore, #tpu.memory_space<semaphore_mem>>
      %dma_start3A_27 = arith.constant 0 : i32
      %dma_start3A_28 = tpu.memref_slice %arg3[%dma_start3A_27] : memref<1024xi32, #tpu.memory_space<hbm>> -> memref<16xi32, #tpu.memory_space<hbm>>
      %dma_start3A_29 = arith.constant 0 : i32
      %dma_start3A_30 = tpu.memref_slice %arg3[%dma_start3A_29] : memref<1024xi32, #tpu.memory_space<hbm>> -> memref<16xi32, #tpu.memory_space<hbm>>
      tpu.enqueue_dma source(%dma_start3A_30 : memref<16xi32, #tpu.memory_space<hbm>>) target(%arg10 : memref<16xi32, #tpu.memory_space<vmem>>) target_semaphore(%run_scoped3A : memref<!tpu.dma_semaphore, #tpu.memory_space<semaphore_mem>>)
      %dma_wait3A = arith.constant 0 : i32
      %dma_wait3A_31 = tpu.memref_slice %arg3[%dma_wait3A] : memref<1024xi32, #tpu.memory_space<hbm>> -> memref<16xi32, #tpu.memory_space<hbm>>
      %dma_wait3A_32 = arith.constant 0 : i32
      %dma_wait3A_33 = tpu.memref_slice %arg3[%dma_wait3A_32] : memref<1024xi32, #tpu.memory_space<hbm>> -> memref<16xi32, #tpu.memory_space<hbm>>
      tpu.wait_dma2 semaphore(%run_scoped3A : memref<!tpu.dma_semaphore, #tpu.memory_space<semaphore_mem>>) src(%dma_wait3A_33 : memref<16xi32, #tpu.memory_space<hbm>>) dst(%arg10 : memref<16xi32, #tpu.memory_space<vmem>>)
      tpu.yield
    }) : () -> ()
    %get3A = arith.constant 0 : index
    %get3A_11 = tpu.vector_load %arg10[%get3A] {strides = array<i32>} : memref<16xi32, #tpu.memory_space<vmem>>, vector<16xi32>,
    %broadcast_in_dim3A_12 = arith.constant 1 : i32
    %broadcast_in_dim3A_13 = vector.broadcast %broadcast_in_dim3A_12 : i32 to vector<16xi32>
    %iota3A = tpu.iota {dimensions = array<i32: 0>} : vector<16xi32>
    %min3A = arith.constant 14 : i32
    %min3A_14 = vector.broadcast %min3A : i32 to vector<16xi32>
    %min3A_15 = arith.minsi %iota3A, %min3A_14 : vector<16xi32>
    %mul3A_16 = arith.constant 4097 : i32
    %mul3A_17 = vector.broadcast %mul3A_16 : i32 to vector<16xi32>
    %mul3A_18 = arith.muli %min3A_15, %mul3A_17 : vector<16xi32>
    %scan3A = arith.constant 0 : i32
    %scan3A_19 = arith.constant 0 : i32
    %scan3A_20 = arith.constant 8 : i32
    %scan3A_21 = arith.addi %scan3A_19, %scan3A_20 : i32
    %scan3A_22 = arith.constant 1 : i32
    scf.for %scan3A_27 = %scan3A_19 to %scan3A_21 step %scan3A_22  : i32 {
      %mul3A_28 = arith.constant 2 : i32
      %mul3A_29 = arith.muli %mul3A_28, %scan3A_27 : i32
      %add3A_30 = arith.constant 1 : i32
      %add3A_31 = arith.addi %mul3A_29, %add3A_30 : i32
      %mul3A_32 = arith.constant 8 : i32
      %mul3A_33 = arith.muli %add3A_31, %mul3A_32 : i32
      %add3A_34 = arith.addi %mul3A_2, %mul3A_33 : i32
      %multiple_of3A_35 = tpu.assume_multiple %add3A_34, 8 : i32
      %dma_start3A_36 = arith.constant 0 : i32
      %dma_start3A_37 = tpu.memref_slice %arg2[%multiple_of3A_35, %dma_start3A_36] : memref<4096x4096xf32, #tpu.memory_space<hbm>> -> memref<8x4096xf32, #tpu.memory_space<hbm>>
      %dma_start3A_38 = arith.constant 0 : i32
      %dma_start3A_39 = tpu.memref_slice %arg2[%multiple_of3A_35, %dma_start3A_38] : memref<4096x4096xf32, #tpu.memory_space<hbm>> -> memref<8x4096xf32, #tpu.memory_space<hbm>>
      tpu.enqueue_dma source(%dma_start3A_39 : memref<8x4096xf32, #tpu.memory_space<hbm>>) target(%arg6 : memref<8x4096xf32, #tpu.memory_space<vmem>>) target_semaphore(%arg9 : memref<!tpu.dma_semaphore, #tpu.memory_space<semaphore_mem>>)
      %mul3A_40 = arith.constant 8 : i32
      %mul3A_41 = arith.muli %mul3A_29, %mul3A_40 : i32
      %add3A_42 = arith.addi %mul3A_2, %mul3A_41 : i32
      %multiple_of3A_43 = tpu.assume_multiple %add3A_42, 8 : i32
      %dma_wait3A = arith.constant 0 : i32
      %dma_wait3A_44 = tpu.memref_slice %arg2[%multiple_of3A_43, %dma_wait3A] : memref<4096x4096xf32, #tpu.memory_space<hbm>> -> memref<8x4096xf32, #tpu.memory_space<hbm>>
      %dma_wait3A_45 = arith.constant 0 : i32
      %dma_wait3A_46 = tpu.memref_slice %arg2[%multiple_of3A_43, %dma_wait3A_45] : memref<4096x4096xf32, #tpu.memory_space<hbm>> -> memref<8x4096xf32, #tpu.memory_space<hbm>>
      tpu.wait_dma2 semaphore(%arg8 : memref<!tpu.dma_semaphore, #tpu.memory_space<semaphore_mem>>) src(%dma_wait3A_46 : memref<8x4096xf32, #tpu.memory_space<hbm>>) dst(%arg5 : memref<8x4096xf32, #tpu.memory_space<vmem>>)
      %parallel_loop3A_47 = arith.constant 0 : i32
      %parallel_loop3A_48 = arith.constant 2048 : i32
      %parallel_loop3A_49 = arith.constant 1 : i32
      scf.for %parallel_loop3A_65 = %parallel_loop3A_47 to %parallel_loop3A_48 step %parallel_loop3A_49  : i32 {
        %parallel_loop3A_66 = arith.constant 8 : i32
        %parallel_loop3A_67 = arith.shrsi %parallel_loop3A_65, %parallel_loop3A_66 : i32
        %parallel_loop3A_68 = arith.constant 255 : i32
        %parallel_loop3A_69 = arith.andi %parallel_loop3A_65, %parallel_loop3A_68 : i32
        %parallel_loop3A_70 = arith.constant 16 : i32
        %parallel_loop3A_71 = arith.muli %parallel_loop3A_69, %parallel_loop3A_70 : i32
        %parallel_loop3A_72 = arith.index_cast %parallel_loop3A_67 : i32 to index
        %parallel_loop3A_73 = arith.index_cast %parallel_loop3A_71 : i32 to index
        %parallel_loop3A_74 = tpu.vector_load %arg5[%parallel_loop3A_72, %parallel_loop3A_73] {strides = array<i32>} : memref<8x4096xf32, #tpu.memory_space<vmem>>, vector<16xf32>,
        %parallel_loop3A_75 = vector.bitcast %parallel_loop3A_74 : vector<16xf32> to vector<16xi32>
        %parallel_loop3A_76 = arith.constant 2147483647 : i32
        %parallel_loop3A_77 = vector.broadcast %parallel_loop3A_76 : i32 to vector<16xi32>
        %parallel_loop3A_78 = arith.andi %parallel_loop3A_75, %parallel_loop3A_77 : vector<16xi32>
        %parallel_loop3A_79 = arith.constant 7 : i32
        %parallel_loop3A_80 = vector.broadcast %parallel_loop3A_79 : i32 to vector<16xi32>
        %parallel_loop3A_81 = arith.shrsi %parallel_loop3A_78, %parallel_loop3A_80 : vector<16xi32>
        %parallel_loop3A_82 = arith.constant 4095 : i32
        %parallel_loop3A_83 = vector.broadcast %parallel_loop3A_82 : i32 to vector<16xi32>
        %parallel_loop3A_84 = arith.andi %parallel_loop3A_81, %parallel_loop3A_83 : vector<16xi32>
        %parallel_loop3A_85 = arith.constant 19 : i32
        %parallel_loop3A_86 = vector.broadcast %parallel_loop3A_85 : i32 to vector<16xi32>
        %parallel_loop3A_87 = arith.shrsi %parallel_loop3A_78, %parallel_loop3A_86 : vector<16xi32>
        %parallel_loop3A_88 = arith.addi %parallel_loop3A_84, %mul3A_18 : vector<16xi32>
        %parallel_loop3A_89 = arith.cmpi eq, %parallel_loop3A_87, %get3A_11 : vector<16xi32>
        tpu.vector_store_idx %arg7[%parallel_loop3A_88], %broadcast_in_dim3A_13 masked %parallel_loop3A_89 {add = true} : memref<61456xi32, #tpu.memory_space<vmem>>[vector<16xi32>], vector<16xi32>, vector<16xi1>
      } {sc.loop_unroll_factor = 8 : i64, sc.parallel_access}
      %lt3A = arith.constant 7 : i32
      %lt3A_50 = arith.cmpi slt, %scan3A_27, %lt3A : i32
      %convert_element_type3A = arith.extui %lt3A_50 : i1 to i32
      %cond3A = arith.constant 0 : i32
      %cond3A_51 = arith.cmpi ne, %convert_element_type3A, %cond3A : i32
      scf.if %cond3A_51 {
        %add3A_65 = arith.constant 2 : i32
        %add3A_66 = arith.addi %mul3A_29, %add3A_65 : i32
        %mul3A_67 = arith.constant 8 : i32
        %mul3A_68 = arith.muli %add3A_66, %mul3A_67 : i32
        %add3A_69 = arith.addi %mul3A_2, %mul3A_68 : i32
        %multiple_of3A_70 = tpu.assume_multiple %add3A_69, 8 : i32
        %dma_start3A_71 = arith.constant 0 : i32
        %dma_start3A_72 = tpu.memref_slice %arg2[%multiple_of3A_70, %dma_start3A_71] : memref<4096x4096xf32, #tpu.memory_space<hbm>> -> memref<8x4096xf32, #tpu.memory_space<hbm>>
        %dma_start3A_73 = arith.constant 0 : i32
        %dma_start3A_74 = tpu.memref_slice %arg2[%multiple_of3A_70, %dma_start3A_73] : memref<4096x4096xf32, #tpu.memory_space<hbm>> -> memref<8x4096xf32, #tpu.memory_space<hbm>>
        tpu.enqueue_dma source(%dma_start3A_74 : memref<8x4096xf32, #tpu.memory_space<hbm>>) target(%arg5 : memref<8x4096xf32, #tpu.memory_space<vmem>>) target_semaphore(%arg8 : memref<!tpu.dma_semaphore, #tpu.memory_space<semaphore_mem>>)
      } else {
      }
      %add3A_52 = arith.constant 1 : i32
      %add3A_53 = arith.addi %mul3A_29, %add3A_52 : i32
      %mul3A_54 = arith.constant 8 : i32
      %mul3A_55 = arith.muli %add3A_53, %mul3A_54 : i32
      %add3A_56 = arith.addi %mul3A_2, %mul3A_55 : i32
      %multiple_of3A_57 = tpu.assume_multiple %add3A_56, 8 : i32
      %dma_wait3A_58 = arith.constant 0 : i32
      %dma_wait3A_59 = tpu.memref_slice %arg2[%multiple_of3A_57, %dma_wait3A_58] : memref<4096x4096xf32, #tpu.memory_space<hbm>> -> memref<8x4096xf32, #tpu.memory_space<hbm>>
      %dma_wait3A_60 = arith.constant 0 : i32
      %dma_wait3A_61 = tpu.memref_slice %arg2[%multiple_of3A_57, %dma_wait3A_60] : memref<4096x4096xf32, #tpu.memory_space<hbm>> -> memref<8x4096xf32, #tpu.memory_space<hbm>>
      tpu.wait_dma2 semaphore(%arg9 : memref<!tpu.dma_semaphore, #tpu.memory_space<semaphore_mem>>) src(%dma_wait3A_61 : memref<8x4096xf32, #tpu.memory_space<hbm>>) dst(%arg6 : memref<8x4096xf32, #tpu.memory_space<vmem>>)
      %parallel_loop3A_62 = arith.constant 0 : i32
      %parallel_loop3A_63 = arith.constant 2048 : i32
      %parallel_loop3A_64 = arith.constant 1 : i32
      scf.for %parallel_loop3A_65 = %parallel_loop3A_62 to %parallel_loop3A_63 step %parallel_loop3A_64  : i32 {
        %parallel_loop3A_66 = arith.constant 8 : i32
        %parallel_loop3A_67 = arith.shrsi %parallel_loop3A_65, %parallel_loop3A_66 : i32
        %parallel_loop3A_68 = arith.constant 255 : i32
        %parallel_loop3A_69 = arith.andi %parallel_loop3A_65, %parallel_loop3A_68 : i32
        %parallel_loop3A_70 = arith.constant 16 : i32
        %parallel_loop3A_71 = arith.muli %parallel_loop3A_69, %parallel_loop3A_70 : i32
        %parallel_loop3A_72 = arith.index_cast %parallel_loop3A_67 : i32 to index
        %parallel_loop3A_73 = arith.index_cast %parallel_loop3A_71 : i32 to index
        %parallel_loop3A_74 = tpu.vector_load %arg6[%parallel_loop3A_72, %parallel_loop3A_73] {strides = array<i32>} : memref<8x4096xf32, #tpu.memory_space<vmem>>, vector<16xf32>,
        %parallel_loop3A_75 = vector.bitcast %parallel_loop3A_74 : vector<16xf32> to vector<16xi32>
        %parallel_loop3A_76 = arith.constant 2147483647 : i32
        %parallel_loop3A_77 = vector.broadcast %parallel_loop3A_76 : i32 to vector<16xi32>
        %parallel_loop3A_78 = arith.andi %parallel_loop3A_75, %parallel_loop3A_77 : vector<16xi32>
        %parallel_loop3A_79 = arith.constant 7 : i32
        %parallel_loop3A_80 = vector.broadcast %parallel_loop3A_79 : i32 to vector<16xi32>
        %parallel_loop3A_81 = arith.shrsi %parallel_loop3A_78, %parallel_loop3A_80 : vector<16xi32>
        %parallel_loop3A_82 = arith.constant 4095 : i32
        %parallel_loop3A_83 = vector.broadcast %parallel_loop3A_82 : i32 to vector<16xi32>
        %parallel_loop3A_84 = arith.andi %parallel_loop3A_81, %parallel_loop3A_83 : vector<16xi32>
        %parallel_loop3A_85 = arith.constant 19 : i32
        %parallel_loop3A_86 = vector.broadcast %parallel_loop3A_85 : i32 to vector<16xi32>
        %parallel_loop3A_87 = arith.shrsi %parallel_loop3A_78, %parallel_loop3A_86 : vector<16xi32>
        %parallel_loop3A_88 = arith.addi %parallel_loop3A_84, %mul3A_18 : vector<16xi32>
        %parallel_loop3A_89 = arith.cmpi eq, %parallel_loop3A_87, %get3A_11 : vector<16xi32>
        tpu.vector_store_idx %arg7[%parallel_loop3A_88], %broadcast_in_dim3A_13 masked %parallel_loop3A_89 {add = true} : memref<61456xi32, #tpu.memory_space<vmem>>[vector<16xi32>], vector<16xi32>, vector<16xi1>
      } {sc.loop_unroll_factor = 8 : i64, sc.parallel_access}
    }
    %scan3A_23 = arith.constant 8 : i32
    %parallel_loop3A_24 = arith.constant 0 : i32
    %parallel_loop3A_25 = arith.constant 256 : i32
    %parallel_loop3A_26 = arith.constant 1 : i32
    scf.for %parallel_loop3A_27 = %parallel_loop3A_24 to %parallel_loop3A_25 step %parallel_loop3A_26  : i32 {
      %parallel_loop3A_28 = arith.constant 16 : i32
      %parallel_loop3A_29 = arith.muli %parallel_loop3A_27, %parallel_loop3A_28 : i32
      %parallel_loop3A_30 = arith.index_cast %parallel_loop3A_29 : i32 to index
      %parallel_loop3A_31 = tpu.vector_load %arg7[%parallel_loop3A_30] {strides = array<i32>} : memref<61456xi32, #tpu.memory_space<vmem>>, vector<16xi32>,
      %parallel_loop3A_32 = arith.constant 16 : i32
      %parallel_loop3A_33 = arith.muli %parallel_loop3A_27, %parallel_loop3A_32 : i32
      %parallel_loop3A_34 = arith.constant 4097 : i32
      %parallel_loop3A_35 = arith.addi %parallel_loop3A_34, %parallel_loop3A_33 : i32
      %parallel_loop3A_36 = arith.index_cast %parallel_loop3A_35 : i32 to index
      %parallel_loop3A_37 = tpu.vector_load %arg7[%parallel_loop3A_36] {strides = array<i32>} : memref<61456xi32, #tpu.memory_space<vmem>>, vector<16xi32>,
      %parallel_loop3A_38 = arith.addi %parallel_loop3A_31, %parallel_loop3A_37 : vector<16xi32>
      %parallel_loop3A_39 = arith.constant 16 : i32
      %parallel_loop3A_40 = arith.muli %parallel_loop3A_27, %parallel_loop3A_39 : i32
      %parallel_loop3A_41 = arith.constant 8194 : i32
      %parallel_loop3A_42 = arith.addi %parallel_loop3A_41, %parallel_loop3A_40 : i32
      %parallel_loop3A_43 = arith.index_cast %parallel_loop3A_42 : i32 to index
      %parallel_loop3A_44 = tpu.vector_load %arg7[%parallel_loop3A_43] {strides = array<i32>} : memref<61456xi32, #tpu.memory_space<vmem>>, vector<16xi32>,
      %parallel_loop3A_45 = arith.addi %parallel_loop3A_38, %parallel_loop3A_44 : vector<16xi32>
      %parallel_loop3A_46 = arith.constant 16 : i32
      %parallel_loop3A_47 = arith.muli %parallel_loop3A_27, %parallel_loop3A_46 : i32
      %parallel_loop3A_48 = arith.constant 12291 : i32
      %parallel_loop3A_49 = arith.addi %parallel_loop3A_48, %parallel_loop3A_47 : i32
      %parallel_loop3A_50 = arith.index_cast %parallel_loop3A_49 : i32 to index
      %parallel_loop3A_51 = tpu.vector_load %arg7[%parallel_loop3A_50] {strides = array<i32>} : memref<61456xi32, #tpu.memory_space<vmem>>, vector<16xi32>,
      %parallel_loop3A_52 = arith.addi %parallel_loop3A_45, %parallel_loop3A_51 : vector<16xi32>
      %parallel_loop3A_53 = arith.constant 16 : i32
      %parallel_loop3A_54 = arith.muli %parallel_loop3A_27, %parallel_loop3A_53 : i32
      %parallel_loop3A_55 = arith.constant 16388 : i32
      %parallel_loop3A_56 = arith.addi %parallel_loop3A_55, %parallel_loop3A_54 : i32
      %parallel_loop3A_57 = arith.index_cast %parallel_loop3A_56 : i32 to index
      %parallel_loop3A_58 = tpu.vector_load %arg7[%parallel_loop3A_57] {strides = array<i32>} : memref<61456xi32, #tpu.memory_space<vmem>>, vector<16xi32>,
      %parallel_loop3A_59 = arith.addi %parallel_loop3A_52, %parallel_loop3A_58 : vector<16xi32>
      %parallel_loop3A_60 = arith.constant 16 : i32
      %parallel_loop3A_61 = arith.muli %parallel_loop3A_27, %parallel_loop3A_60 : i32
      %parallel_loop3A_62 = arith.constant 20485 : i32
      %parallel_loop3A_63 = arith.addi %parallel_loop3A_62, %parallel_loop3A_61 : i32
      %parallel_loop3A_64 = arith.index_cast %parallel_loop3A_63 : i32 to index
      %parallel_loop3A_65 = tpu.vector_load %arg7[%parallel_loop3A_64] {strides = array<i32>} : memref<61456xi32, #tpu.memory_space<vmem>>, vector<16xi32>,
      %parallel_loop3A_66 = arith.addi %parallel_loop3A_59, %parallel_loop3A_65 : vector<16xi32>
      %parallel_loop3A_67 = arith.constant 16 : i32
      %parallel_loop3A_68 = arith.muli %parallel_loop3A_27, %parallel_loop3A_67 : i32
      %parallel_loop3A_69 = arith.constant 24582 : i32
      %parallel_loop3A_70 = arith.addi %parallel_loop3A_69, %parallel_loop3A_68 : i32
      %parallel_loop3A_71 = arith.index_cast %parallel_loop3A_70 : i32 to index
      %parallel_loop3A_72 = tpu.vector_load %arg7[%parallel_loop3A_71] {strides = array<i32>} : memref<61456xi32, #tpu.memory_space<vmem>>, vector<16xi32>,
      %parallel_loop3A_73 = arith.addi %parallel_loop3A_66, %parallel_loop3A_72 : vector<16xi32>
      %parallel_loop3A_74 = arith.constant 16 : i32
      %parallel_loop3A_75 = arith.muli %parallel_loop3A_27, %parallel_loop3A_74 : i32
      %parallel_loop3A_76 = arith.constant 28679 : i32
      %parallel_loop3A_77 = arith.addi %parallel_loop3A_76, %parallel_loop3A_75 : i32
      %parallel_loop3A_78 = arith.index_cast %parallel_loop3A_77 : i32 to index
      %parallel_loop3A_79 = tpu.vector_load %arg7[%parallel_loop3A_78] {strides = array<i32>} : memref<61456xi32, #tpu.memory_space<vmem>>, vector<16xi32>,
      %parallel_loop3A_80 = arith.addi %parallel_loop3A_73, %parallel_loop3A_79 : vector<16xi32>
      %parallel_loop3A_81 = arith.constant 16 : i32
      %parallel_loop3A_82 = arith.muli %parallel_loop3A_27, %parallel_loop3A_81 : i32
      %parallel_loop3A_83 = arith.constant 32776 : i32
      %parallel_loop3A_84 = arith.addi %parallel_loop3A_83, %parallel_loop3A_82 : i32
      %parallel_loop3A_85 = arith.index_cast %parallel_loop3A_84 : i32 to index
      %parallel_loop3A_86 = tpu.vector_load %arg7[%parallel_loop3A_85] {strides = array<i32>} : memref<61456xi32, #tpu.memory_space<vmem>>, vector<16xi32>,
      %parallel_loop3A_87 = arith.addi %parallel_loop3A_80, %parallel_loop3A_86 : vector<16xi32>
      %parallel_loop3A_88 = arith.constant 16 : i32
      %parallel_loop3A_89 = arith.muli %parallel_loop3A_27, %parallel_loop3A_88 : i32
      %parallel_loop3A_90 = arith.constant 36873 : i32
      %parallel_loop3A_91 = arith.addi %parallel_loop3A_90, %parallel_loop3A_89 : i32
      %parallel_loop3A_92 = arith.index_cast %parallel_loop3A_91 : i32 to index
      %parallel_loop3A_93 = tpu.vector_load %arg7[%parallel_loop3A_92] {strides = array<i32>} : memref<61456xi32, #tpu.memory_space<vmem>>, vector<16xi32>,
      %parallel_loop3A_94 = arith.addi %parallel_loop3A_87, %parallel_loop3A_93 : vector<16xi32>
      %parallel_loop3A_95 = arith.constant 16 : i32
      %parallel_loop3A_96 = arith.muli %parallel_loop3A_27, %parallel_loop3A_95 : i32
      %parallel_loop3A_97 = arith.constant 40970 : i32
      %parallel_loop3A_98 = arith.addi %parallel_loop3A_97, %parallel_loop3A_96 : i32
      %parallel_loop3A_99 = arith.index_cast %parallel_loop3A_98 : i32 to index
      %parallel_loop3A_100 = tpu.vector_load %arg7[%parallel_loop3A_99] {strides = array<i32>} : memref<61456xi32, #tpu.memory_space<vmem>>, vector<16xi32>,
      %parallel_loop3A_101 = arith.addi %parallel_loop3A_94, %parallel_loop3A_100 : vector<16xi32>
      %parallel_loop3A_102 = arith.constant 16 : i32
      %parallel_loop3A_103 = arith.muli %parallel_loop3A_27, %parallel_loop3A_102 : i32
      %parallel_loop3A_104 = arith.constant 45067 : i32
      %parallel_loop3A_105 = arith.addi %parallel_loop3A_104, %parallel_loop3A_103 : i32
      %parallel_loop3A_106 = arith.index_cast %parallel_loop3A_105 : i32 to index
      %parallel_loop3A_107 = tpu.vector_load %arg7[%parallel_loop3A_106] {strides = array<i32>} : memref<61456xi32, #tpu.memory_space<vmem>>, vector<16xi32>,
      %parallel_loop3A_108 = arith.addi %parallel_loop3A_101, %parallel_loop3A_107 : vector<16xi32>
      %parallel_loop3A_109 = arith.constant 16 : i32
      %parallel_loop3A_110 = arith.muli %parallel_loop3A_27, %parallel_loop3A_109 : i32
      %parallel_loop3A_111 = arith.constant 49164 : i32
      %parallel_loop3A_112 = arith.addi %parallel_loop3A_111, %parallel_loop3A_110 : i32
      %parallel_loop3A_113 = arith.index_cast %parallel_loop3A_112 : i32 to index
      %parallel_loop3A_114 = tpu.vector_load %arg7[%parallel_loop3A_113] {strides = array<i32>} : memref<61456xi32, #tpu.memory_space<vmem>>, vector<16xi32>,
      %parallel_loop3A_115 = arith.addi %parallel_loop3A_108, %parallel_loop3A_114 : vector<16xi32>
      %parallel_loop3A_116 = arith.constant 16 : i32
      %parallel_loop3A_117 = arith.muli %parallel_loop3A_27, %parallel_loop3A_116 : i32
      %parallel_loop3A_118 = arith.constant 53261 : i32
      %parallel_loop3A_119 = arith.addi %parallel_loop3A_118, %parallel_loop3A_117 : i32
      %parallel_loop3A_120 = arith.index_cast %parallel_loop3A_119 : i32 to index
      %parallel_loop3A_121 = tpu.vector_load %arg7[%parallel_loop3A_120] {strides = array<i32>} : memref<61456xi32, #tpu.memory_space<vmem>>, vector<16xi32>,
      %parallel_loop3A_122 = arith.addi %parallel_loop3A_115, %parallel_loop3A_121 : vector<16xi32>
      %parallel_loop3A_123 = arith.constant 16 : i32
      %parallel_loop3A_124 = arith.muli %parallel_loop3A_27, %parallel_loop3A_123 : i32
      %parallel_loop3A_125 = arith.constant 57358 : i32
      %parallel_loop3A_126 = arith.addi %parallel_loop3A_125, %parallel_loop3A_124 : i32
      %parallel_loop3A_127 = arith.index_cast %parallel_loop3A_126 : i32 to index
      %parallel_loop3A_128 = tpu.vector_load %arg7[%parallel_loop3A_127] {strides = array<i32>} : memref<61456xi32, #tpu.memory_space<vmem>>, vector<16xi32>,
      %parallel_loop3A_129 = arith.addi %parallel_loop3A_122, %parallel_loop3A_128 : vector<16xi32>
      %parallel_loop3A_130 = arith.constant 16 : i32
      %parallel_loop3A_131 = arith.muli %parallel_loop3A_27, %parallel_loop3A_130 : i32
      %parallel_loop3A_132 = arith.index_cast %parallel_loop3A_131 : i32 to index
      %parallel_loop3A_133 = tpu.vector_load %arg7[%parallel_loop3A_132] {strides = array<i32>} : memref<61456xi32, #tpu.memory_space<vmem>>, vector<16xi32>,
      tpu.vector_store %arg7[%parallel_loop3A_132], %parallel_loop3A_129 {strides = array<i32>} : memref<61456xi32, #tpu.memory_space<vmem>>, vector<16xi32>,
    } {sc.loop_unroll_factor = 2 : i64, sc.parallel_access}
    "tpu.region"() ({
      %run_scoped3A = tpu.sem_alloc : memref<!tpu.dma_semaphore, #tpu.memory_space<semaphore_mem>>
      %dma_start3A_27 = arith.constant 0 : i32
      %dma_start3A_28 = tpu.memref_slice %arg7[%dma_start3A_27] : memref<61456xi32, #tpu.memory_space<vmem>> -> memref<4096xi32, #tpu.memory_space<vmem>>
      %dma_start3A_29 = arith.constant 0 : i32
      %dma_start3A_30 = tpu.memref_slice %arg4[%add3A, %dma_start3A_29] : memref<32x4096xi32, #tpu.memory_space<hbm>> -> memref<1x4096xi32, #tpu.memory_space<hbm>>
      %dma_start3A_31 = tpu.memref_squeeze %dma_start3A_30 : memref<1x4096xi32, #tpu.memory_space<hbm>> -> memref<4096xi32, #tpu.memory_space<hbm>>
      %dma_start3A_32 = arith.constant 0 : i32
      %dma_start3A_33 = tpu.memref_slice %arg4[%add3A, %dma_start3A_32] : memref<32x4096xi32, #tpu.memory_space<hbm>> -> memref<1x4096xi32, #tpu.memory_space<hbm>>
      %dma_start3A_34 = tpu.memref_squeeze %dma_start3A_33 : memref<1x4096xi32, #tpu.memory_space<hbm>> -> memref<4096xi32, #tpu.memory_space<hbm>>
      %dma_start3A_35 = arith.constant 0 : i32
      %dma_start3A_36 = tpu.memref_slice %arg7[%dma_start3A_35] : memref<61456xi32, #tpu.memory_space<vmem>> -> memref<4096xi32, #tpu.memory_space<vmem>>
      tpu.enqueue_dma source(%dma_start3A_36 : memref<4096xi32, #tpu.memory_space<vmem>>) target(%dma_start3A_34 : memref<4096xi32, #tpu.memory_space<hbm>>) target_semaphore(%run_scoped3A : memref<!tpu.dma_semaphore, #tpu.memory_space<semaphore_mem>>)
      %dma_wait3A = arith.constant 0 : i32
      %dma_wait3A_37 = tpu.memref_slice %arg7[%dma_wait3A] : memref<61456xi32, #tpu.memory_space<vmem>> -> memref<4096xi32, #tpu.memory_space<vmem>>
      %dma_wait3A_38 = arith.constant 0 : i32
      %dma_wait3A_39 = tpu.memref_slice %arg4[%add3A, %dma_wait3A_38] : memref<32x4096xi32, #tpu.memory_space<hbm>> -> memref<1x4096xi32, #tpu.memory_space<hbm>>
      %dma_wait3A_40 = tpu.memref_squeeze %dma_wait3A_39 : memref<1x4096xi32, #tpu.memory_space<hbm>> -> memref<4096xi32, #tpu.memory_space<hbm>>
      %dma_wait3A_41 = arith.constant 0 : i32
      %dma_wait3A_42 = tpu.memref_slice %arg4[%add3A, %dma_wait3A_41] : memref<32x4096xi32, #tpu.memory_space<hbm>> -> memref<1x4096xi32, #tpu.memory_space<hbm>>
      %dma_wait3A_43 = tpu.memref_squeeze %dma_wait3A_42 : memref<1x4096xi32, #tpu.memory_space<hbm>> -> memref<4096xi32, #tpu.memory_space<hbm>>
      %dma_wait3A_44 = arith.constant 0 : i32
      %dma_wait3A_45 = tpu.memref_slice %arg7[%dma_wait3A_44] : memref<61456xi32, #tpu.memory_space<vmem>> -> memref<4096xi32, #tpu.memory_space<vmem>>
      tpu.wait_dma2 semaphore(%run_scoped3A : memref<!tpu.dma_semaphore, #tpu.memory_space<semaphore_mem>>) src(%dma_wait3A_45 : memref<4096xi32, #tpu.memory_space<vmem>>) dst(%dma_wait3A_43 : memref<4096xi32, #tpu.memory_space<hbm>>)
      tpu.yield
    }) : () -> ()
    return
  }
}

#map = affine_map<(d0, d1) -> (0, 0)>
module attributes {stable_mosaic.version = 14 : i64} {
  func.func @body(%arg0: i32, %arg1: i32, %arg2: memref<4096x4096xf32, #tpu.memory_space<hbm>>, %arg3: memref<32x4096xi32, #tpu.memory_space<hbm>>, %arg4: memref<8x4096xf32, #tpu.memory_space<vmem>>, %arg5: memref<8x4096xf32, #tpu.memory_space<vmem>>, %arg6: memref<61456xi32, #tpu.memory_space<vmem>>, %arg7: memref<!tpu.dma_semaphore, #tpu.memory_space<semaphore_mem>>, %arg8: memref<!tpu.dma_semaphore, #tpu.memory_space<semaphore_mem>>) attributes {dimension_semantics = [#tpu.dimension_semantics<core_parallel>, #tpu.dimension_semantics<subcore_parallel>], iteration_bounds = array<i64: 2, 16>, scalar_prefetch = 0 : i64, scratch_operands = 5 : i64, tpu.core_type = #tpu.core_type<sc_vector_subcore>, window_params = [{transform_indices = #map}, {transform_indices = #map}]} {
    %mul3A = arith.constant 2 : i32
    %mul3A_0 = arith.muli %arg1, %mul3A : i32
    %add3A = arith.addi %mul3A_0, %arg0 : i32
    %mul3A_1 = arith.constant 128 : i32
    %mul3A_2 = arith.muli %add3A, %mul3A_1 : i32
    %add3A_3 = arith.constant 0 : i32
    %add3A_4 = arith.addi %mul3A_2, %add3A_3 : i32
    %multiple_of3A = tpu.assume_multiple %add3A_4, 8 : i32
    %dma_start3A = arith.constant 0 : i32
    %dma_start3A_5 = tpu.memref_slice %arg2[%multiple_of3A, %dma_start3A] : memref<4096x4096xf32, #tpu.memory_space<hbm>> -> memref<8x4096xf32, #tpu.memory_space<hbm>>
    %dma_start3A_6 = arith.constant 0 : i32
    %dma_start3A_7 = tpu.memref_slice %arg2[%multiple_of3A, %dma_start3A_6] : memref<4096x4096xf32, #tpu.memory_space<hbm>> -> memref<8x4096xf32, #tpu.memory_space<hbm>>
    tpu.enqueue_dma source(%dma_start3A_7 : memref<8x4096xf32, #tpu.memory_space<hbm>>) target(%arg4 : memref<8x4096xf32, #tpu.memory_space<vmem>>) target_semaphore(%arg7 : memref<!tpu.dma_semaphore, #tpu.memory_space<semaphore_mem>>)
    %broadcast_in_dim3A = arith.constant 0 : i32
    %broadcast_in_dim3A_8 = vector.broadcast %broadcast_in_dim3A : i32 to vector<16xi32>
    %parallel_loop3A = arith.constant 0 : i32
    %parallel_loop3A_9 = arith.constant 3841 : i32
    %parallel_loop3A_10 = arith.constant 1 : i32
    scf.for %parallel_loop3A_26 = %parallel_loop3A to %parallel_loop3A_9 step %parallel_loop3A_10  : i32 {
      %parallel_loop3A_27 = arith.constant 16 : i32
      %parallel_loop3A_28 = arith.muli %parallel_loop3A_26, %parallel_loop3A_27 : i32
      %parallel_loop3A_29 = arith.index_cast %parallel_loop3A_28 : i32 to index
      %parallel_loop3A_30 = tpu.vector_load %arg6[%parallel_loop3A_29] {strides = array<i32>} : memref<61456xi32, #tpu.memory_space<vmem>>, vector<16xi32>,
      tpu.vector_store %arg6[%parallel_loop3A_29], %broadcast_in_dim3A_8 {strides = array<i32>} : memref<61456xi32, #tpu.memory_space<vmem>>, vector<16xi32>,
    } {sc.loop_unroll_factor = 8 : i64, sc.parallel_access}
    %broadcast_in_dim3A_11 = arith.constant 1 : i32
    %broadcast_in_dim3A_12 = vector.broadcast %broadcast_in_dim3A_11 : i32 to vector<16xi32>
    %iota3A = tpu.iota {dimensions = array<i32: 0>} : vector<16xi32>
    %min3A = arith.constant 14 : i32
    %min3A_13 = vector.broadcast %min3A : i32 to vector<16xi32>
    %min3A_14 = arith.minsi %iota3A, %min3A_13 : vector<16xi32>
    %mul3A_15 = arith.constant 4097 : i32
    %mul3A_16 = vector.broadcast %mul3A_15 : i32 to vector<16xi32>
    %mul3A_17 = arith.muli %min3A_14, %mul3A_16 : vector<16xi32>
    %scan3A = arith.constant 0 : i32
    %scan3A_18 = arith.constant 0 : i32
    %scan3A_19 = arith.constant 8 : i32
    %scan3A_20 = arith.addi %scan3A_18, %scan3A_19 : i32
    %scan3A_21 = arith.constant 1 : i32
    scf.for %scan3A_26 = %scan3A_18 to %scan3A_20 step %scan3A_21  : i32 {
      %mul3A_27 = arith.constant 2 : i32
      %mul3A_28 = arith.muli %mul3A_27, %scan3A_26 : i32
      %add3A_29 = arith.constant 1 : i32
      %add3A_30 = arith.addi %mul3A_28, %add3A_29 : i32
      %mul3A_31 = arith.constant 8 : i32
      %mul3A_32 = arith.muli %add3A_30, %mul3A_31 : i32
      %add3A_33 = arith.addi %mul3A_2, %mul3A_32 : i32
      %multiple_of3A_34 = tpu.assume_multiple %add3A_33, 8 : i32
      %dma_start3A_35 = arith.constant 0 : i32
      %dma_start3A_36 = tpu.memref_slice %arg2[%multiple_of3A_34, %dma_start3A_35] : memref<4096x4096xf32, #tpu.memory_space<hbm>> -> memref<8x4096xf32, #tpu.memory_space<hbm>>
      %dma_start3A_37 = arith.constant 0 : i32
      %dma_start3A_38 = tpu.memref_slice %arg2[%multiple_of3A_34, %dma_start3A_37] : memref<4096x4096xf32, #tpu.memory_space<hbm>> -> memref<8x4096xf32, #tpu.memory_space<hbm>>
      tpu.enqueue_dma source(%dma_start3A_38 : memref<8x4096xf32, #tpu.memory_space<hbm>>) target(%arg5 : memref<8x4096xf32, #tpu.memory_space<vmem>>) target_semaphore(%arg8 : memref<!tpu.dma_semaphore, #tpu.memory_space<semaphore_mem>>)
      %mul3A_39 = arith.constant 8 : i32
      %mul3A_40 = arith.muli %mul3A_28, %mul3A_39 : i32
      %add3A_41 = arith.addi %mul3A_2, %mul3A_40 : i32
      %multiple_of3A_42 = tpu.assume_multiple %add3A_41, 8 : i32
      %dma_wait3A = arith.constant 0 : i32
      %dma_wait3A_43 = tpu.memref_slice %arg2[%multiple_of3A_42, %dma_wait3A] : memref<4096x4096xf32, #tpu.memory_space<hbm>> -> memref<8x4096xf32, #tpu.memory_space<hbm>>
      %dma_wait3A_44 = arith.constant 0 : i32
      %dma_wait3A_45 = tpu.memref_slice %arg2[%multiple_of3A_42, %dma_wait3A_44] : memref<4096x4096xf32, #tpu.memory_space<hbm>> -> memref<8x4096xf32, #tpu.memory_space<hbm>>
      tpu.wait_dma2 semaphore(%arg7 : memref<!tpu.dma_semaphore, #tpu.memory_space<semaphore_mem>>) src(%dma_wait3A_45 : memref<8x4096xf32, #tpu.memory_space<hbm>>) dst(%arg4 : memref<8x4096xf32, #tpu.memory_space<vmem>>)
      %parallel_loop3A_46 = arith.constant 0 : i32
      %parallel_loop3A_47 = arith.constant 2048 : i32
      %parallel_loop3A_48 = arith.constant 1 : i32
      scf.for %parallel_loop3A_64 = %parallel_loop3A_46 to %parallel_loop3A_47 step %parallel_loop3A_48  : i32 {
        %parallel_loop3A_65 = arith.constant 8 : i32
        %parallel_loop3A_66 = arith.shrsi %parallel_loop3A_64, %parallel_loop3A_65 : i32
        %parallel_loop3A_67 = arith.constant 255 : i32
        %parallel_loop3A_68 = arith.andi %parallel_loop3A_64, %parallel_loop3A_67 : i32
        %parallel_loop3A_69 = arith.constant 16 : i32
        %parallel_loop3A_70 = arith.muli %parallel_loop3A_68, %parallel_loop3A_69 : i32
        %parallel_loop3A_71 = arith.index_cast %parallel_loop3A_66 : i32 to index
        %parallel_loop3A_72 = arith.index_cast %parallel_loop3A_70 : i32 to index
        %parallel_loop3A_73 = tpu.vector_load %arg4[%parallel_loop3A_71, %parallel_loop3A_72] {strides = array<i32>} : memref<8x4096xf32, #tpu.memory_space<vmem>>, vector<16xf32>,
        %parallel_loop3A_74 = vector.bitcast %parallel_loop3A_73 : vector<16xf32> to vector<16xi32>
        %parallel_loop3A_75 = arith.constant 2147483647 : i32
        %parallel_loop3A_76 = vector.broadcast %parallel_loop3A_75 : i32 to vector<16xi32>
        %parallel_loop3A_77 = arith.andi %parallel_loop3A_74, %parallel_loop3A_76 : vector<16xi32>
        %parallel_loop3A_78 = arith.constant 19 : i32
        %parallel_loop3A_79 = vector.broadcast %parallel_loop3A_78 : i32 to vector<16xi32>
        %parallel_loop3A_80 = arith.shrsi %parallel_loop3A_77, %parallel_loop3A_79 : vector<16xi32>
        %parallel_loop3A_81 = arith.addi %parallel_loop3A_80, %mul3A_17 : vector<16xi32>
        tpu.vector_store_idx %arg6[%parallel_loop3A_81], %broadcast_in_dim3A_12 {add = true} : memref<61456xi32, #tpu.memory_space<vmem>>[vector<16xi32>], vector<16xi32>,
      } {sc.loop_unroll_factor = 8 : i64, sc.parallel_access}
      %lt3A = arith.constant 7 : i32
      %lt3A_49 = arith.cmpi slt, %scan3A_26, %lt3A : i32
      %convert_element_type3A = arith.extui %lt3A_49 : i1 to i32
      %cond3A = arith.constant 0 : i32
      %cond3A_50 = arith.cmpi ne, %convert_element_type3A, %cond3A : i32
      scf.if %cond3A_50 {
        %add3A_64 = arith.constant 2 : i32
        %add3A_65 = arith.addi %mul3A_28, %add3A_64 : i32
        %mul3A_66 = arith.constant 8 : i32
        %mul3A_67 = arith.muli %add3A_65, %mul3A_66 : i32
        %add3A_68 = arith.addi %mul3A_2, %mul3A_67 : i32
        %multiple_of3A_69 = tpu.assume_multiple %add3A_68, 8 : i32
        %dma_start3A_70 = arith.constant 0 : i32
        %dma_start3A_71 = tpu.memref_slice %arg2[%multiple_of3A_69, %dma_start3A_70] : memref<4096x4096xf32, #tpu.memory_space<hbm>> -> memref<8x4096xf32, #tpu.memory_space<hbm>>
        %dma_start3A_72 = arith.constant 0 : i32
        %dma_start3A_73 = tpu.memref_slice %arg2[%multiple_of3A_69, %dma_start3A_72] : memref<4096x4096xf32, #tpu.memory_space<hbm>> -> memref<8x4096xf32, #tpu.memory_space<hbm>>
        tpu.enqueue_dma source(%dma_start3A_73 : memref<8x4096xf32, #tpu.memory_space<hbm>>) target(%arg4 : memref<8x4096xf32, #tpu.memory_space<vmem>>) target_semaphore(%arg7 : memref<!tpu.dma_semaphore, #tpu.memory_space<semaphore_mem>>)
      } else {
      }
      %add3A_51 = arith.constant 1 : i32
      %add3A_52 = arith.addi %mul3A_28, %add3A_51 : i32
      %mul3A_53 = arith.constant 8 : i32
      %mul3A_54 = arith.muli %add3A_52, %mul3A_53 : i32
      %add3A_55 = arith.addi %mul3A_2, %mul3A_54 : i32
      %multiple_of3A_56 = tpu.assume_multiple %add3A_55, 8 : i32
      %dma_wait3A_57 = arith.constant 0 : i32
      %dma_wait3A_58 = tpu.memref_slice %arg2[%multiple_of3A_56, %dma_wait3A_57] : memref<4096x4096xf32, #tpu.memory_space<hbm>> -> memref<8x4096xf32, #tpu.memory_space<hbm>>
      %dma_wait3A_59 = arith.constant 0 : i32
      %dma_wait3A_60 = tpu.memref_slice %arg2[%multiple_of3A_56, %dma_wait3A_59] : memref<4096x4096xf32, #tpu.memory_space<hbm>> -> memref<8x4096xf32, #tpu.memory_space<hbm>>
      tpu.wait_dma2 semaphore(%arg8 : memref<!tpu.dma_semaphore, #tpu.memory_space<semaphore_mem>>) src(%dma_wait3A_60 : memref<8x4096xf32, #tpu.memory_space<hbm>>) dst(%arg5 : memref<8x4096xf32, #tpu.memory_space<vmem>>)
      %parallel_loop3A_61 = arith.constant 0 : i32
      %parallel_loop3A_62 = arith.constant 2048 : i32
      %parallel_loop3A_63 = arith.constant 1 : i32
      scf.for %parallel_loop3A_64 = %parallel_loop3A_61 to %parallel_loop3A_62 step %parallel_loop3A_63  : i32 {
        %parallel_loop3A_65 = arith.constant 8 : i32
        %parallel_loop3A_66 = arith.shrsi %parallel_loop3A_64, %parallel_loop3A_65 : i32
        %parallel_loop3A_67 = arith.constant 255 : i32
        %parallel_loop3A_68 = arith.andi %parallel_loop3A_64, %parallel_loop3A_67 : i32
        %parallel_loop3A_69 = arith.constant 16 : i32
        %parallel_loop3A_70 = arith.muli %parallel_loop3A_68, %parallel_loop3A_69 : i32
        %parallel_loop3A_71 = arith.index_cast %parallel_loop3A_66 : i32 to index
        %parallel_loop3A_72 = arith.index_cast %parallel_loop3A_70 : i32 to index
        %parallel_loop3A_73 = tpu.vector_load %arg5[%parallel_loop3A_71, %parallel_loop3A_72] {strides = array<i32>} : memref<8x4096xf32, #tpu.memory_space<vmem>>, vector<16xf32>,
        %parallel_loop3A_74 = vector.bitcast %parallel_loop3A_73 : vector<16xf32> to vector<16xi32>
        %parallel_loop3A_75 = arith.constant 2147483647 : i32
        %parallel_loop3A_76 = vector.broadcast %parallel_loop3A_75 : i32 to vector<16xi32>
        %parallel_loop3A_77 = arith.andi %parallel_loop3A_74, %parallel_loop3A_76 : vector<16xi32>
        %parallel_loop3A_78 = arith.constant 19 : i32
        %parallel_loop3A_79 = vector.broadcast %parallel_loop3A_78 : i32 to vector<16xi32>
        %parallel_loop3A_80 = arith.shrsi %parallel_loop3A_77, %parallel_loop3A_79 : vector<16xi32>
        %parallel_loop3A_81 = arith.addi %parallel_loop3A_80, %mul3A_17 : vector<16xi32>
        tpu.vector_store_idx %arg6[%parallel_loop3A_81], %broadcast_in_dim3A_12 {add = true} : memref<61456xi32, #tpu.memory_space<vmem>>[vector<16xi32>], vector<16xi32>,
      } {sc.loop_unroll_factor = 8 : i64, sc.parallel_access}
    }
    %scan3A_22 = arith.constant 8 : i32
    %parallel_loop3A_23 = arith.constant 0 : i32
    %parallel_loop3A_24 = arith.constant 256 : i32
    %parallel_loop3A_25 = arith.constant 1 : i32
    scf.for %parallel_loop3A_26 = %parallel_loop3A_23 to %parallel_loop3A_24 step %parallel_loop3A_25  : i32 {
      %parallel_loop3A_27 = arith.constant 16 : i32
      %parallel_loop3A_28 = arith.muli %parallel_loop3A_26, %parallel_loop3A_27 : i32
      %parallel_loop3A_29 = arith.index_cast %parallel_loop3A_28 : i32 to index
      %parallel_loop3A_30 = tpu.vector_load %arg6[%parallel_loop3A_29] {strides = array<i32>} : memref<61456xi32, #tpu.memory_space<vmem>>, vector<16xi32>,
      %parallel_loop3A_31 = arith.constant 16 : i32
      %parallel_loop3A_32 = arith.muli %parallel_loop3A_26, %parallel_loop3A_31 : i32
      %parallel_loop3A_33 = arith.constant 4097 : i32
      %parallel_loop3A_34 = arith.addi %parallel_loop3A_33, %parallel_loop3A_32 : i32
      %parallel_loop3A_35 = arith.index_cast %parallel_loop3A_34 : i32 to index
      %parallel_loop3A_36 = tpu.vector_load %arg6[%parallel_loop3A_35] {strides = array<i32>} : memref<61456xi32, #tpu.memory_space<vmem>>, vector<16xi32>,
      %parallel_loop3A_37 = arith.addi %parallel_loop3A_30, %parallel_loop3A_36 : vector<16xi32>
      %parallel_loop3A_38 = arith.constant 16 : i32
      %parallel_loop3A_39 = arith.muli %parallel_loop3A_26, %parallel_loop3A_38 : i32
      %parallel_loop3A_40 = arith.constant 8194 : i32
      %parallel_loop3A_41 = arith.addi %parallel_loop3A_40, %parallel_loop3A_39 : i32
      %parallel_loop3A_42 = arith.index_cast %parallel_loop3A_41 : i32 to index
      %parallel_loop3A_43 = tpu.vector_load %arg6[%parallel_loop3A_42] {strides = array<i32>} : memref<61456xi32, #tpu.memory_space<vmem>>, vector<16xi32>,
      %parallel_loop3A_44 = arith.addi %parallel_loop3A_37, %parallel_loop3A_43 : vector<16xi32>
      %parallel_loop3A_45 = arith.constant 16 : i32
      %parallel_loop3A_46 = arith.muli %parallel_loop3A_26, %parallel_loop3A_45 : i32
      %parallel_loop3A_47 = arith.constant 12291 : i32
      %parallel_loop3A_48 = arith.addi %parallel_loop3A_47, %parallel_loop3A_46 : i32
      %parallel_loop3A_49 = arith.index_cast %parallel_loop3A_48 : i32 to index
      %parallel_loop3A_50 = tpu.vector_load %arg6[%parallel_loop3A_49] {strides = array<i32>} : memref<61456xi32, #tpu.memory_space<vmem>>, vector<16xi32>,
      %parallel_loop3A_51 = arith.addi %parallel_loop3A_44, %parallel_loop3A_50 : vector<16xi32>
      %parallel_loop3A_52 = arith.constant 16 : i32
      %parallel_loop3A_53 = arith.muli %parallel_loop3A_26, %parallel_loop3A_52 : i32
      %parallel_loop3A_54 = arith.constant 16388 : i32
      %parallel_loop3A_55 = arith.addi %parallel_loop3A_54, %parallel_loop3A_53 : i32
      %parallel_loop3A_56 = arith.index_cast %parallel_loop3A_55 : i32 to index
      %parallel_loop3A_57 = tpu.vector_load %arg6[%parallel_loop3A_56] {strides = array<i32>} : memref<61456xi32, #tpu.memory_space<vmem>>, vector<16xi32>,
      %parallel_loop3A_58 = arith.addi %parallel_loop3A_51, %parallel_loop3A_57 : vector<16xi32>
      %parallel_loop3A_59 = arith.constant 16 : i32
      %parallel_loop3A_60 = arith.muli %parallel_loop3A_26, %parallel_loop3A_59 : i32
      %parallel_loop3A_61 = arith.constant 20485 : i32
      %parallel_loop3A_62 = arith.addi %parallel_loop3A_61, %parallel_loop3A_60 : i32
      %parallel_loop3A_63 = arith.index_cast %parallel_loop3A_62 : i32 to index
      %parallel_loop3A_64 = tpu.vector_load %arg6[%parallel_loop3A_63] {strides = array<i32>} : memref<61456xi32, #tpu.memory_space<vmem>>, vector<16xi32>,
      %parallel_loop3A_65 = arith.addi %parallel_loop3A_58, %parallel_loop3A_64 : vector<16xi32>
      %parallel_loop3A_66 = arith.constant 16 : i32
      %parallel_loop3A_67 = arith.muli %parallel_loop3A_26, %parallel_loop3A_66 : i32
      %parallel_loop3A_68 = arith.constant 24582 : i32
      %parallel_loop3A_69 = arith.addi %parallel_loop3A_68, %parallel_loop3A_67 : i32
      %parallel_loop3A_70 = arith.index_cast %parallel_loop3A_69 : i32 to index
      %parallel_loop3A_71 = tpu.vector_load %arg6[%parallel_loop3A_70] {strides = array<i32>} : memref<61456xi32, #tpu.memory_space<vmem>>, vector<16xi32>,
      %parallel_loop3A_72 = arith.addi %parallel_loop3A_65, %parallel_loop3A_71 : vector<16xi32>
      %parallel_loop3A_73 = arith.constant 16 : i32
      %parallel_loop3A_74 = arith.muli %parallel_loop3A_26, %parallel_loop3A_73 : i32
      %parallel_loop3A_75 = arith.constant 28679 : i32
      %parallel_loop3A_76 = arith.addi %parallel_loop3A_75, %parallel_loop3A_74 : i32
      %parallel_loop3A_77 = arith.index_cast %parallel_loop3A_76 : i32 to index
      %parallel_loop3A_78 = tpu.vector_load %arg6[%parallel_loop3A_77] {strides = array<i32>} : memref<61456xi32, #tpu.memory_space<vmem>>, vector<16xi32>,
      %parallel_loop3A_79 = arith.addi %parallel_loop3A_72, %parallel_loop3A_78 : vector<16xi32>
      %parallel_loop3A_80 = arith.constant 16 : i32
      %parallel_loop3A_81 = arith.muli %parallel_loop3A_26, %parallel_loop3A_80 : i32
      %parallel_loop3A_82 = arith.constant 32776 : i32
      %parallel_loop3A_83 = arith.addi %parallel_loop3A_82, %parallel_loop3A_81 : i32
      %parallel_loop3A_84 = arith.index_cast %parallel_loop3A_83 : i32 to index
      %parallel_loop3A_85 = tpu.vector_load %arg6[%parallel_loop3A_84] {strides = array<i32>} : memref<61456xi32, #tpu.memory_space<vmem>>, vector<16xi32>,
      %parallel_loop3A_86 = arith.addi %parallel_loop3A_79, %parallel_loop3A_85 : vector<16xi32>
      %parallel_loop3A_87 = arith.constant 16 : i32
      %parallel_loop3A_88 = arith.muli %parallel_loop3A_26, %parallel_loop3A_87 : i32
      %parallel_loop3A_89 = arith.constant 36873 : i32
      %parallel_loop3A_90 = arith.addi %parallel_loop3A_89, %parallel_loop3A_88 : i32
      %parallel_loop3A_91 = arith.index_cast %parallel_loop3A_90 : i32 to index
      %parallel_loop3A_92 = tpu.vector_load %arg6[%parallel_loop3A_91] {strides = array<i32>} : memref<61456xi32, #tpu.memory_space<vmem>>, vector<16xi32>,
      %parallel_loop3A_93 = arith.addi %parallel_loop3A_86, %parallel_loop3A_92 : vector<16xi32>
      %parallel_loop3A_94 = arith.constant 16 : i32
      %parallel_loop3A_95 = arith.muli %parallel_loop3A_26, %parallel_loop3A_94 : i32
      %parallel_loop3A_96 = arith.constant 40970 : i32
      %parallel_loop3A_97 = arith.addi %parallel_loop3A_96, %parallel_loop3A_95 : i32
      %parallel_loop3A_98 = arith.index_cast %parallel_loop3A_97 : i32 to index
      %parallel_loop3A_99 = tpu.vector_load %arg6[%parallel_loop3A_98] {strides = array<i32>} : memref<61456xi32, #tpu.memory_space<vmem>>, vector<16xi32>,
      %parallel_loop3A_100 = arith.addi %parallel_loop3A_93, %parallel_loop3A_99 : vector<16xi32>
      %parallel_loop3A_101 = arith.constant 16 : i32
      %parallel_loop3A_102 = arith.muli %parallel_loop3A_26, %parallel_loop3A_101 : i32
      %parallel_loop3A_103 = arith.constant 45067 : i32
      %parallel_loop3A_104 = arith.addi %parallel_loop3A_103, %parallel_loop3A_102 : i32
      %parallel_loop3A_105 = arith.index_cast %parallel_loop3A_104 : i32 to index
      %parallel_loop3A_106 = tpu.vector_load %arg6[%parallel_loop3A_105] {strides = array<i32>} : memref<61456xi32, #tpu.memory_space<vmem>>, vector<16xi32>,
      %parallel_loop3A_107 = arith.addi %parallel_loop3A_100, %parallel_loop3A_106 : vector<16xi32>
      %parallel_loop3A_108 = arith.constant 16 : i32
      %parallel_loop3A_109 = arith.muli %parallel_loop3A_26, %parallel_loop3A_108 : i32
      %parallel_loop3A_110 = arith.constant 49164 : i32
      %parallel_loop3A_111 = arith.addi %parallel_loop3A_110, %parallel_loop3A_109 : i32
      %parallel_loop3A_112 = arith.index_cast %parallel_loop3A_111 : i32 to index
      %parallel_loop3A_113 = tpu.vector_load %arg6[%parallel_loop3A_112] {strides = array<i32>} : memref<61456xi32, #tpu.memory_space<vmem>>, vector<16xi32>,
      %parallel_loop3A_114 = arith.addi %parallel_loop3A_107, %parallel_loop3A_113 : vector<16xi32>
      %parallel_loop3A_115 = arith.constant 16 : i32
      %parallel_loop3A_116 = arith.muli %parallel_loop3A_26, %parallel_loop3A_115 : i32
      %parallel_loop3A_117 = arith.constant 53261 : i32
      %parallel_loop3A_118 = arith.addi %parallel_loop3A_117, %parallel_loop3A_116 : i32
      %parallel_loop3A_119 = arith.index_cast %parallel_loop3A_118 : i32 to index
      %parallel_loop3A_120 = tpu.vector_load %arg6[%parallel_loop3A_119] {strides = array<i32>} : memref<61456xi32, #tpu.memory_space<vmem>>, vector<16xi32>,
      %parallel_loop3A_121 = arith.addi %parallel_loop3A_114, %parallel_loop3A_120 : vector<16xi32>
      %parallel_loop3A_122 = arith.constant 16 : i32
      %parallel_loop3A_123 = arith.muli %parallel_loop3A_26, %parallel_loop3A_122 : i32
      %parallel_loop3A_124 = arith.constant 57358 : i32
      %parallel_loop3A_125 = arith.addi %parallel_loop3A_124, %parallel_loop3A_123 : i32
      %parallel_loop3A_126 = arith.index_cast %parallel_loop3A_125 : i32 to index
      %parallel_loop3A_127 = tpu.vector_load %arg6[%parallel_loop3A_126] {strides = array<i32>} : memref<61456xi32, #tpu.memory_space<vmem>>, vector<16xi32>,
      %parallel_loop3A_128 = arith.addi %parallel_loop3A_121, %parallel_loop3A_127 : vector<16xi32>
      %parallel_loop3A_129 = arith.constant 16 : i32
      %parallel_loop3A_130 = arith.muli %parallel_loop3A_26, %parallel_loop3A_129 : i32
      %parallel_loop3A_131 = arith.index_cast %parallel_loop3A_130 : i32 to index
      %parallel_loop3A_132 = tpu.vector_load %arg6[%parallel_loop3A_131] {strides = array<i32>} : memref<61456xi32, #tpu.memory_space<vmem>>, vector<16xi32>,
      tpu.vector_store %arg6[%parallel_loop3A_131], %parallel_loop3A_128 {strides = array<i32>} : memref<61456xi32, #tpu.memory_space<vmem>>, vector<16xi32>,
    } {sc.loop_unroll_factor = 2 : i64, sc.parallel_access}
    "tpu.region"() ({
      %run_scoped3A = tpu.sem_alloc : memref<!tpu.dma_semaphore, #tpu.memory_space<semaphore_mem>>
      %dma_start3A_26 = arith.constant 0 : i32
      %dma_start3A_27 = tpu.memref_slice %arg6[%dma_start3A_26] : memref<61456xi32, #tpu.memory_space<vmem>> -> memref<4096xi32, #tpu.memory_space<vmem>>
      %dma_start3A_28 = arith.constant 0 : i32
      %dma_start3A_29 = tpu.memref_slice %arg3[%add3A, %dma_start3A_28] : memref<32x4096xi32, #tpu.memory_space<hbm>> -> memref<1x4096xi32, #tpu.memory_space<hbm>>
      %dma_start3A_30 = tpu.memref_squeeze %dma_start3A_29 : memref<1x4096xi32, #tpu.memory_space<hbm>> -> memref<4096xi32, #tpu.memory_space<hbm>>
      %dma_start3A_31 = arith.constant 0 : i32
      %dma_start3A_32 = tpu.memref_slice %arg3[%add3A, %dma_start3A_31] : memref<32x4096xi32, #tpu.memory_space<hbm>> -> memref<1x4096xi32, #tpu.memory_space<hbm>>
      %dma_start3A_33 = tpu.memref_squeeze %dma_start3A_32 : memref<1x4096xi32, #tpu.memory_space<hbm>> -> memref<4096xi32, #tpu.memory_space<hbm>>
      %dma_start3A_34 = arith.constant 0 : i32
      %dma_start3A_35 = tpu.memref_slice %arg6[%dma_start3A_34] : memref<61456xi32, #tpu.memory_space<vmem>> -> memref<4096xi32, #tpu.memory_space<vmem>>
      tpu.enqueue_dma source(%dma_start3A_35 : memref<4096xi32, #tpu.memory_space<vmem>>) target(%dma_start3A_33 : memref<4096xi32, #tpu.memory_space<hbm>>) target_semaphore(%run_scoped3A : memref<!tpu.dma_semaphore, #tpu.memory_space<semaphore_mem>>)
      %dma_wait3A = arith.constant 0 : i32
      %dma_wait3A_36 = tpu.memref_slice %arg6[%dma_wait3A] : memref<61456xi32, #tpu.memory_space<vmem>> -> memref<4096xi32, #tpu.memory_space<vmem>>
      %dma_wait3A_37 = arith.constant 0 : i32
      %dma_wait3A_38 = tpu.memref_slice %arg3[%add3A, %dma_wait3A_37] : memref<32x4096xi32, #tpu.memory_space<hbm>> -> memref<1x4096xi32, #tpu.memory_space<hbm>>
      %dma_wait3A_39 = tpu.memref_squeeze %dma_wait3A_38 : memref<1x4096xi32, #tpu.memory_space<hbm>> -> memref<4096xi32, #tpu.memory_space<hbm>>
      %dma_wait3A_40 = arith.constant 0 : i32
      %dma_wait3A_41 = tpu.memref_slice %arg3[%add3A, %dma_wait3A_40] : memref<32x4096xi32, #tpu.memory_space<hbm>> -> memref<1x4096xi32, #tpu.memory_space<hbm>>
      %dma_wait3A_42 = tpu.memref_squeeze %dma_wait3A_41 : memref<1x4096xi32, #tpu.memory_space<hbm>> -> memref<4096xi32, #tpu.memory_space<hbm>>
      %dma_wait3A_43 = arith.constant 0 : i32
      %dma_wait3A_44 = tpu.memref_slice %arg6[%dma_wait3A_43] : memref<61456xi32, #tpu.memory_space<vmem>> -> memref<4096xi32, #tpu.memory_space<vmem>>
      tpu.wait_dma2 semaphore(%run_scoped3A : memref<!tpu.dma_semaphore, #tpu.memory_space<semaphore_mem>>) src(%dma_wait3A_44 : memref<4096xi32, #tpu.memory_space<vmem>>) dst(%dma_wait3A_42 : memref<4096xi32, #tpu.memory_space<hbm>>)
      tpu.yield
    }) : () -> ()
    return
  }
}

module attributes {stable_mosaic.version = 14 : i64} {
  func.func @_find2_body(%arg0: memref<32x32x128xi32, #tpu.memory_space<vmem>>, %arg1: memref<8x128xi32, #tpu.memory_space<vmem>>, %arg2: memref<8x128xi32, #tpu.memory_space<vmem>>) attributes {dimension_semantics = [], scalar_prefetch = 0 : i64, scratch_operands = 0 : i64, tpu.core_type = #tpu.core_type<tc>} {
    %get3A = arith.constant 0 : index
    %get3A_0 = arith.constant 0 : index
    %get3A_1 = vector.load %arg1[%get3A, %get3A_0] : memref<8x128xi32, #tpu.memory_space<vmem>>, vector<1x1xi32>
    %get3A_2 = vector.extract %get3A_1[0, 0] : i32 from vector<1x1xi32>
    %get3A_3 = arith.constant 1 : index
    %get3A_4 = arith.constant 0 : index
    %get3A_5 = vector.load %arg1[%get3A_3, %get3A_4] : memref<8x128xi32, #tpu.memory_space<vmem>>, vector<1x1xi32>
    %get3A_6 = vector.extract %get3A_5[0, 0] : i32 from vector<1x1xi32>
    %get3A_7 = arith.constant 0 : index
    %get3A_8 = arith.constant 0 : index
    %get3A_9 = arith.constant 0 : index
    %get3A_10 = vector.load %arg0[%get3A_7, %get3A_8, %get3A_9] : memref<32x32x128xi32, #tpu.memory_space<vmem>>, vector<32x32x128xi32>
    %reduce_sum3A = arith.constant dense<0> : vector<32x128xi32>
    %reduce_sum3A_11 = vector.multi_reduction <add>, %get3A_10, %reduce_sum3A [0] : vector<32x32x128xi32> to vector<32x128xi32>
    %reduce_sum3A_12 = arith.constant dense<0> : vector<32xi32>
    %reduce_sum3A_13 = vector.multi_reduction <add>, %reduce_sum3A_11, %reduce_sum3A_12 [1] : vector<32x128xi32> to vector<32xi32>
    %broadcast_in_dim3A = vector.shape_cast %reduce_sum3A_13 : vector<32xi32> to vector<32x1xi32>
    %broadcast_in_dim3A_14 = arith.constant 0 : i32
    %broadcast_in_dim3A_15 = vector.broadcast %broadcast_in_dim3A_14 : i32 to vector<1x1xi32>
    %slice3A = vector.extract_strided_slice %broadcast_in_dim3A {offsets = [0, 0], sizes = [31, 1], strides = [1, 1]} : vector<32x1xi32> to vector<31x1xi32>
    %concatenate3A = tpu.concatenate %broadcast_in_dim3A_15, %slice3A in 0 : vector<1x1xi32>, vector<31x1xi32> -> vector<32x1xi32>
    %add3A = arith.addi %broadcast_in_dim3A, %concatenate3A : vector<32x1xi32>
    %broadcast_in_dim3A_16 = arith.constant 0 : i32
    %broadcast_in_dim3A_17 = vector.broadcast %broadcast_in_dim3A_16 : i32 to vector<2x1xi32>
    %slice3A_18 = vector.extract_strided_slice %add3A {offsets = [0, 0], sizes = [30, 1], strides = [1, 1]} : vector<32x1xi32> to vector<30x1xi32>
    %concatenate3A_19 = tpu.concatenate %broadcast_in_dim3A_17, %slice3A_18 in 0 : vector<2x1xi32>, vector<30x1xi32> -> vector<32x1xi32>
    %add3A_20 = arith.addi %add3A, %concatenate3A_19 : vector<32x1xi32>
    %broadcast_in_dim3A_21 = arith.constant 0 : i32
    %broadcast_in_dim3A_22 = vector.broadcast %broadcast_in_dim3A_21 : i32 to vector<4x1xi32>
    %slice3A_23 = vector.extract_strided_slice %add3A_20 {offsets = [0, 0], sizes = [28, 1], strides = [1, 1]} : vector<32x1xi32> to vector<28x1xi32>
    %concatenate3A_24 = tpu.concatenate %broadcast_in_dim3A_22, %slice3A_23 in 0 : vector<4x1xi32>, vector<28x1xi32> -> vector<32x1xi32>
    %add3A_25 = arith.addi %add3A_20, %concatenate3A_24 : vector<32x1xi32>
    %broadcast_in_dim3A_26 = arith.constant 0 : i32
    %broadcast_in_dim3A_27 = vector.broadcast %broadcast_in_dim3A_26 : i32 to vector<8x1xi32>
    %slice3A_28 = vector.extract_strided_slice %add3A_25 {offsets = [0, 0], sizes = [24, 1], strides = [1, 1]} : vector<32x1xi32> to vector<24x1xi32>
    %concatenate3A_29 = tpu.concatenate %broadcast_in_dim3A_27, %slice3A_28 in 0 : vector<8x1xi32>, vector<24x1xi32> -> vector<32x1xi32>
    %add3A_30 = arith.addi %add3A_25, %concatenate3A_29 : vector<32x1xi32>
    %broadcast_in_dim3A_31 = arith.constant 0 : i32
    %broadcast_in_dim3A_32 = vector.broadcast %broadcast_in_dim3A_31 : i32 to vector<16x1xi32>
    %slice3A_33 = vector.extract_strided_slice %add3A_30 {offsets = [0, 0], sizes = [16, 1], strides = [1, 1]} : vector<32x1xi32> to vector<16x1xi32>
    %concatenate3A_34 = tpu.concatenate %broadcast_in_dim3A_32, %slice3A_33 in 0 : vector<16x1xi32>, vector<16x1xi32> -> vector<32x1xi32>
    %add3A_35 = arith.addi %add3A_30, %concatenate3A_34 : vector<32x1xi32>
    %lt3A = vector.broadcast %get3A_6 : i32 to vector<32x1xi32>
    %lt3A_36 = arith.cmpi slt, %add3A_35, %lt3A : vector<32x1xi32>
    %convert_element_type3A = arith.extui %lt3A_36 : vector<32x1xi1> to vector<32x1xi32>
    %reduce_sum3A_37 = vector.shape_cast %convert_element_type3A : vector<32x1xi32> to vector<1x32x1xi32>
    %reduce_sum3A_38 = arith.constant dense<0> : vector<1xi32>
    %reduce_sum3A_39 = vector.multi_reduction <add>, %reduce_sum3A_37, %reduce_sum3A_38 [1, 2] : vector<1x32x1xi32> to vector<1xi32>
    %reduce_sum3A_40 = vector.shape_cast %reduce_sum3A_39 : vector<1xi32> to vector<1x1x1xi32>
    %reduce_sum3A_41 = vector.extract %reduce_sum3A_40[0, 0, 0] : i32 from vector<1x1x1xi32>
    %jit3A = arith.constant 0 : i32
    %broadcast_in_dim3A_42 = vector.broadcast %jit3A : i32 to vector<32x1xi32>
    %select_n3A = arith.select %lt3A_36, %add3A_35, %broadcast_in_dim3A_42 : vector<32x1xi1>, vector<32x1xi32>
    %reduce_max3A = vector.shape_cast %select_n3A : vector<32x1xi32> to vector<1x32x1xi32>
    %reduce_max3A_43 = arith.constant dense<-2147483648> : vector<1xi32>
    %reduce_max3A_44 = vector.multi_reduction <maxsi>, %reduce_max3A, %reduce_max3A_43 [1, 2] : vector<1x32x1xi32> to vector<1xi32>
    %reduce_max3A_45 = vector.shape_cast %reduce_max3A_44 : vector<1xi32> to vector<1x1x1xi32>
    %reduce_max3A_46 = vector.extract %reduce_max3A_45[0, 0, 0] : i32 from vector<1x1x1xi32>
    %iota3A = tpu.iota {dimensions = array<i32: 0>} : vector<32x128xi32>
    %eq3A = vector.broadcast %reduce_sum3A_41 : i32 to vector<32x128xi32>
    %eq3A_47 = arith.cmpi eq, %iota3A, %eq3A : vector<32x128xi32>
    %jit3A_48 = arith.constant 0 : i32
    %broadcast_in_dim3A_49 = vector.broadcast %jit3A_48 : i32 to vector<32x128xi32>
    %select_n3A_50 = arith.select %eq3A_47, %reduce_sum3A_11, %broadcast_in_dim3A_49 : vector<32x128xi1>, vector<32x128xi32>
    %reduce_sum3A_51 = arith.constant dense<0> : vector<128xi32>
    %reduce_sum3A_52 = vector.multi_reduction <add>, %select_n3A_50, %reduce_sum3A_51 [0] : vector<32x128xi32> to vector<128xi32>
    %broadcast_in_dim3A_53 = vector.shape_cast %reduce_sum3A_52 : vector<128xi32> to vector<1x128xi32>
    %broadcast_in_dim3A_54 = arith.constant 0 : i32
    %broadcast_in_dim3A_55 = vector.broadcast %broadcast_in_dim3A_54 : i32 to vector<1x1xi32>
    %slice3A_56 = vector.extract_strided_slice %broadcast_in_dim3A_53 {offsets = [0, 0], sizes = [1, 127], strides = [1, 1]} : vector<1x128xi32> to vector<1x127xi32>
    %concatenate3A_57 = tpu.concatenate %broadcast_in_dim3A_55, %slice3A_56 in 1 : vector<1x1xi32>, vector<1x127xi32> -> vector<1x128xi32>
    %add3A_58 = arith.addi %broadcast_in_dim3A_53, %concatenate3A_57 : vector<1x128xi32>
    %broadcast_in_dim3A_59 = arith.constant 0 : i32
    %broadcast_in_dim3A_60 = vector.broadcast %broadcast_in_dim3A_59 : i32 to vector<1x2xi32>
    %slice3A_61 = vector.extract_strided_slice %add3A_58 {offsets = [0, 0], sizes = [1, 126], strides = [1, 1]} : vector<1x128xi32> to vector<1x126xi32>
    %concatenate3A_62 = tpu.concatenate %broadcast_in_dim3A_60, %slice3A_61 in 1 : vector<1x2xi32>, vector<1x126xi32> -> vector<1x128xi32>
    %add3A_63 = arith.addi %add3A_58, %concatenate3A_62 : vector<1x128xi32>
    %broadcast_in_dim3A_64 = arith.constant 0 : i32
    %broadcast_in_dim3A_65 = vector.broadcast %broadcast_in_dim3A_64 : i32 to vector<1x4xi32>
    %slice3A_66 = vector.extract_strided_slice %add3A_63 {offsets = [0, 0], sizes = [1, 124], strides = [1, 1]} : vector<1x128xi32> to vector<1x124xi32>
    %concatenate3A_67 = tpu.concatenate %broadcast_in_dim3A_65, %slice3A_66 in 1 : vector<1x4xi32>, vector<1x124xi32> -> vector<1x128xi32>
    %add3A_68 = arith.addi %add3A_63, %concatenate3A_67 : vector<1x128xi32>
    %broadcast_in_dim3A_69 = arith.constant 0 : i32
    %broadcast_in_dim3A_70 = vector.broadcast %broadcast_in_dim3A_69 : i32 to vector<1x8xi32>
    %slice3A_71 = vector.extract_strided_slice %add3A_68 {offsets = [0, 0], sizes = [1, 120], strides = [1, 1]} : vector<1x128xi32> to vector<1x120xi32>
    %concatenate3A_72 = tpu.concatenate %broadcast_in_dim3A_70, %slice3A_71 in 1 : vector<1x8xi32>, vector<1x120xi32> -> vector<1x128xi32>
    %add3A_73 = arith.addi %add3A_68, %concatenate3A_72 : vector<1x128xi32>
    %broadcast_in_dim3A_74 = arith.constant 0 : i32
    %broadcast_in_dim3A_75 = vector.broadcast %broadcast_in_dim3A_74 : i32 to vector<1x16xi32>
    %slice3A_76 = vector.extract_strided_slice %add3A_73 {offsets = [0, 0], sizes = [1, 112], strides = [1, 1]} : vector<1x128xi32> to vector<1x112xi32>
    %concatenate3A_77 = tpu.concatenate %broadcast_in_dim3A_75, %slice3A_76 in 1 : vector<1x16xi32>, vector<1x112xi32> -> vector<1x128xi32>
    %add3A_78 = arith.addi %add3A_73, %concatenate3A_77 : vector<1x128xi32>
    %broadcast_in_dim3A_79 = arith.constant 0 : i32
    %broadcast_in_dim3A_80 = vector.broadcast %broadcast_in_dim3A_79 : i32 to vector<1x32xi32>
    %slice3A_81 = vector.extract_strided_slice %add3A_78 {offsets = [0, 0], sizes = [1, 96], strides = [1, 1]} : vector<1x128xi32> to vector<1x96xi32>
    %concatenate3A_82 = tpu.concatenate %broadcast_in_dim3A_80, %slice3A_81 in 1 : vector<1x32xi32>, vector<1x96xi32> -> vector<1x128xi32>
    %add3A_83 = arith.addi %add3A_78, %concatenate3A_82 : vector<1x128xi32>
    %broadcast_in_dim3A_84 = arith.constant 0 : i32
    %broadcast_in_dim3A_85 = vector.broadcast %broadcast_in_dim3A_84 : i32 to vector<1x64xi32>
    %slice3A_86 = vector.extract_strided_slice %add3A_83 {offsets = [0, 0], sizes = [1, 64], strides = [1, 1]} : vector<1x128xi32> to vector<1x64xi32>
    %concatenate3A_87 = tpu.concatenate %broadcast_in_dim3A_85, %slice3A_86 in 1 : vector<1x64xi32>, vector<1x64xi32> -> vector<1x128xi32>
    %add3A_88 = arith.addi %add3A_83, %concatenate3A_87 : vector<1x128xi32>
    %add3A_89 = vector.broadcast %reduce_max3A_46 : i32 to vector<1x128xi32>
    %add3A_90 = arith.addi %add3A_89, %add3A_88 : vector<1x128xi32>
    %lt3A_91 = vector.broadcast %get3A_6 : i32 to vector<1x128xi32>
    %lt3A_92 = arith.cmpi slt, %add3A_90, %lt3A_91 : vector<1x128xi32>
    %convert_element_type3A_93 = arith.extui %lt3A_92 : vector<1x128xi1> to vector<1x128xi32>
    %reduce_sum3A_94 = vector.shape_cast %convert_element_type3A_93 : vector<1x128xi32> to vector<1x1x128xi32>
    %reduce_sum3A_95 = arith.constant dense<0> : vector<1xi32>
    %reduce_sum3A_96 = vector.multi_reduction <add>, %reduce_sum3A_94, %reduce_sum3A_95 [1, 2] : vector<1x1x128xi32> to vector<1xi32>
    %reduce_sum3A_97 = vector.shape_cast %reduce_sum3A_96 : vector<1xi32> to vector<1x1x1xi32>
    %reduce_sum3A_98 = vector.extract %reduce_sum3A_97[0, 0, 0] : i32 from vector<1x1x1xi32>
    %jit3A_99 = arith.constant 0 : i32
    %broadcast_in_dim3A_100 = vector.broadcast %jit3A_99 : i32 to vector<1x128xi32>
    %select_n3A_101 = arith.select %lt3A_92, %add3A_88, %broadcast_in_dim3A_100 : vector<1x128xi1>, vector<1x128xi32>
    %reduce_max3A_102 = vector.shape_cast %select_n3A_101 : vector<1x128xi32> to vector<1x1x128xi32>
    %reduce_max3A_103 = arith.constant dense<-2147483648> : vector<1xi32>
    %reduce_max3A_104 = vector.multi_reduction <maxsi>, %reduce_max3A_102, %reduce_max3A_103 [1, 2] : vector<1x1x128xi32> to vector<1xi32>
    %reduce_max3A_105 = vector.shape_cast %reduce_max3A_104 : vector<1xi32> to vector<1x1x1xi32>
    %reduce_max3A_106 = vector.extract %reduce_max3A_105[0, 0, 0] : i32 from vector<1x1x1xi32>
    %add3A_107 = arith.addi %reduce_max3A_46, %reduce_max3A_106 : i32
    %mul3A = arith.constant 128 : i32
    %mul3A_108 = arith.muli %reduce_sum3A_41, %mul3A : i32
    %add3A_109 = arith.addi %mul3A_108, %reduce_sum3A_98 : i32
    %mul3A_110 = arith.constant 4096 : i32
    %mul3A_111 = arith.muli %get3A_2, %mul3A_110 : i32
    %add3A_112 = arith.addi %mul3A_111, %add3A_109 : i32
    %sub3A = arith.subi %get3A_6, %add3A_107 : i32
    %iota3A_113 = tpu.iota {dimensions = array<i32: 0>} : vector<8x128xi32>
    %eq3A_114 = arith.constant 0 : i32
    %eq3A_115 = vector.broadcast %eq3A_114 : i32 to vector<8x128xi32>
    %eq3A_116 = arith.cmpi eq, %iota3A_113, %eq3A_115 : vector<8x128xi32>
    %broadcast_in_dim3A_117 = vector.broadcast %add3A_112 : i32 to vector<8x128xi32>
    %broadcast_in_dim3A_118 = vector.broadcast %sub3A : i32 to vector<8x128xi32>
    %select_n3A_119 = arith.select %eq3A_116, %broadcast_in_dim3A_117, %broadcast_in_dim3A_118 : vector<8x128xi1>, vector<8x128xi32>
    %swap3A = arith.constant 0 : index
    %swap3A_120 = arith.constant 0 : index
    %swap3A_121 = vector.load %arg2[%swap3A, %swap3A_120] : memref<8x128xi32, #tpu.memory_space<vmem>>, vector<8x128xi32>
    tpu.vector_store %arg2[%swap3A, %swap3A_120], %select_n3A_119 {strides = array<i32>} : memref<8x128xi32, #tpu.memory_space<vmem>>, vector<8x128xi32>,
    return
  }
}

module attributes {stable_mosaic.version = 14 : i64} {
  func.func @_find3_body(%arg0: memref<32x1x128xi32, #tpu.memory_space<vmem>>, %arg1: memref<8x128xi32, #tpu.memory_space<vmem>>, %arg2: memref<1x1xf32, #tpu.memory_space<vmem>>) attributes {dimension_semantics = [], scalar_prefetch = 0 : i64, scratch_operands = 0 : i64, tpu.core_type = #tpu.core_type<tc>} {
    %get3A = arith.constant 0 : index
    %get3A_0 = arith.constant 0 : index
    %get3A_1 = vector.load %arg1[%get3A, %get3A_0] : memref<8x128xi32, #tpu.memory_space<vmem>>, vector<1x1xi32>
    %get3A_2 = vector.extract %get3A_1[0, 0] : i32 from vector<1x1xi32>
    %get3A_3 = arith.constant 1 : index
    %get3A_4 = arith.constant 0 : index
    %get3A_5 = vector.load %arg1[%get3A_3, %get3A_4] : memref<8x128xi32, #tpu.memory_space<vmem>>, vector<1x1xi32>
    %get3A_6 = vector.extract %get3A_5[0, 0] : i32 from vector<1x1xi32>
    %get3A_7 = arith.constant 0 : index
    %get3A_8 = arith.constant 0 : index
    %get3A_9 = arith.constant 0 : index
    %get3A_10 = vector.load %arg0[%get3A_7, %get3A_8, %get3A_9] : memref<32x1x128xi32, #tpu.memory_space<vmem>>, vector<32x1x128xi32>
    %reduce_sum3A = arith.constant dense<0> : vector<1x128xi32>
    %reduce_sum3A_11 = vector.multi_reduction <add>, %get3A_10, %reduce_sum3A [0] : vector<32x1x128xi32> to vector<1x128xi32>
    %broadcast_in_dim3A = arith.constant 0 : i32
    %broadcast_in_dim3A_12 = vector.broadcast %broadcast_in_dim3A : i32 to vector<1x1xi32>
    %slice3A = vector.extract_strided_slice %reduce_sum3A_11 {offsets = [0, 0], sizes = [1, 127], strides = [1, 1]} : vector<1x128xi32> to vector<1x127xi32>
    %concatenate3A = tpu.concatenate %broadcast_in_dim3A_12, %slice3A in 1 : vector<1x1xi32>, vector<1x127xi32> -> vector<1x128xi32>
    %add3A = arith.addi %reduce_sum3A_11, %concatenate3A : vector<1x128xi32>
    %broadcast_in_dim3A_13 = arith.constant 0 : i32
    %broadcast_in_dim3A_14 = vector.broadcast %broadcast_in_dim3A_13 : i32 to vector<1x2xi32>
    %slice3A_15 = vector.extract_strided_slice %add3A {offsets = [0, 0], sizes = [1, 126], strides = [1, 1]} : vector<1x128xi32> to vector<1x126xi32>
    %concatenate3A_16 = tpu.concatenate %broadcast_in_dim3A_14, %slice3A_15 in 1 : vector<1x2xi32>, vector<1x126xi32> -> vector<1x128xi32>
    %add3A_17 = arith.addi %add3A, %concatenate3A_16 : vector<1x128xi32>
    %broadcast_in_dim3A_18 = arith.constant 0 : i32
    %broadcast_in_dim3A_19 = vector.broadcast %broadcast_in_dim3A_18 : i32 to vector<1x4xi32>
    %slice3A_20 = vector.extract_strided_slice %add3A_17 {offsets = [0, 0], sizes = [1, 124], strides = [1, 1]} : vector<1x128xi32> to vector<1x124xi32>
    %concatenate3A_21 = tpu.concatenate %broadcast_in_dim3A_19, %slice3A_20 in 1 : vector<1x4xi32>, vector<1x124xi32> -> vector<1x128xi32>
    %add3A_22 = arith.addi %add3A_17, %concatenate3A_21 : vector<1x128xi32>
    %broadcast_in_dim3A_23 = arith.constant 0 : i32
    %broadcast_in_dim3A_24 = vector.broadcast %broadcast_in_dim3A_23 : i32 to vector<1x8xi32>
    %slice3A_25 = vector.extract_strided_slice %add3A_22 {offsets = [0, 0], sizes = [1, 120], strides = [1, 1]} : vector<1x128xi32> to vector<1x120xi32>
    %concatenate3A_26 = tpu.concatenate %broadcast_in_dim3A_24, %slice3A_25 in 1 : vector<1x8xi32>, vector<1x120xi32> -> vector<1x128xi32>
    %add3A_27 = arith.addi %add3A_22, %concatenate3A_26 : vector<1x128xi32>
    %broadcast_in_dim3A_28 = arith.constant 0 : i32
    %broadcast_in_dim3A_29 = vector.broadcast %broadcast_in_dim3A_28 : i32 to vector<1x16xi32>
    %slice3A_30 = vector.extract_strided_slice %add3A_27 {offsets = [0, 0], sizes = [1, 112], strides = [1, 1]} : vector<1x128xi32> to vector<1x112xi32>
    %concatenate3A_31 = tpu.concatenate %broadcast_in_dim3A_29, %slice3A_30 in 1 : vector<1x16xi32>, vector<1x112xi32> -> vector<1x128xi32>
    %add3A_32 = arith.addi %add3A_27, %concatenate3A_31 : vector<1x128xi32>
    %broadcast_in_dim3A_33 = arith.constant 0 : i32
    %broadcast_in_dim3A_34 = vector.broadcast %broadcast_in_dim3A_33 : i32 to vector<1x32xi32>
    %slice3A_35 = vector.extract_strided_slice %add3A_32 {offsets = [0, 0], sizes = [1, 96], strides = [1, 1]} : vector<1x128xi32> to vector<1x96xi32>
    %concatenate3A_36 = tpu.concatenate %broadcast_in_dim3A_34, %slice3A_35 in 1 : vector<1x32xi32>, vector<1x96xi32> -> vector<1x128xi32>
    %add3A_37 = arith.addi %add3A_32, %concatenate3A_36 : vector<1x128xi32>
    %broadcast_in_dim3A_38 = arith.constant 0 : i32
    %broadcast_in_dim3A_39 = vector.broadcast %broadcast_in_dim3A_38 : i32 to vector<1x64xi32>
    %slice3A_40 = vector.extract_strided_slice %add3A_37 {offsets = [0, 0], sizes = [1, 64], strides = [1, 1]} : vector<1x128xi32> to vector<1x64xi32>
    %concatenate3A_41 = tpu.concatenate %broadcast_in_dim3A_39, %slice3A_40 in 1 : vector<1x64xi32>, vector<1x64xi32> -> vector<1x128xi32>
    %add3A_42 = arith.addi %add3A_37, %concatenate3A_41 : vector<1x128xi32>
    %lt3A = vector.broadcast %get3A_6 : i32 to vector<1x128xi32>
    %lt3A_43 = arith.cmpi slt, %add3A_42, %lt3A : vector<1x128xi32>
    %convert_element_type3A = arith.extui %lt3A_43 : vector<1x128xi1> to vector<1x128xi32>
    %reduce_sum3A_44 = vector.shape_cast %convert_element_type3A : vector<1x128xi32> to vector<1x1x128xi32>
    %reduce_sum3A_45 = arith.constant dense<0> : vector<1xi32>
    %reduce_sum3A_46 = vector.multi_reduction <add>, %reduce_sum3A_44, %reduce_sum3A_45 [1, 2] : vector<1x1x128xi32> to vector<1xi32>
    %reduce_sum3A_47 = vector.shape_cast %reduce_sum3A_46 : vector<1xi32> to vector<1x1x1xi32>
    %reduce_sum3A_48 = vector.extract %reduce_sum3A_47[0, 0, 0] : i32 from vector<1x1x1xi32>
    %mul3A = arith.constant 128 : i32
    %mul3A_49 = arith.muli %get3A_2, %mul3A : i32
    %add3A_50 = arith.addi %mul3A_49, %reduce_sum3A_48 : i32
    %bitcast_convert_type3A = arith.bitcast %add3A_50 : i32 to f32
    %broadcast_in_dim3A_51 = vector.broadcast %bitcast_convert_type3A : f32 to vector<1x1xf32>
    %swap3A = arith.constant 0 : index
    %swap3A_52 = arith.constant 0 : index
    %swap3A_53 = vector.load %arg2[%swap3A, %swap3A_52] : memref<1x1xf32, #tpu.memory_space<vmem>>, vector<1x1xf32>
    tpu.vector_store %arg2[%swap3A, %swap3A_52], %broadcast_in_dim3A_51 {strides = array<i32>} : memref<1x1xf32, #tpu.memory_space<vmem>>, vector<1x1xf32>,
    return
  }
}

module attributes {stable_mosaic.version = 14 : i64} {
  func.func @_find1_body(%arg0: memref<32x32x128xi32, #tpu.memory_space<vmem>>, %arg1: memref<1x1xi32, #tpu.memory_space<vmem>>, %arg2: memref<8x128xi32, #tpu.memory_space<vmem>>) attributes {dimension_semantics = [], scalar_prefetch = 0 : i64, scratch_operands = 0 : i64, tpu.core_type = #tpu.core_type<tc>} {
    %get3A = arith.constant 0 : index
    %get3A_0 = arith.constant 0 : index
    %get3A_1 = vector.load %arg1[%get3A, %get3A_0] : memref<1x1xi32, #tpu.memory_space<vmem>>, vector<1x1xi32>
    %get3A_2 = vector.extract %get3A_1[0, 0] : i32 from vector<1x1xi32>
    %get3A_3 = arith.constant 0 : index
    %get3A_4 = arith.constant 0 : index
    %get3A_5 = arith.constant 0 : index
    %get3A_6 = vector.load %arg0[%get3A_3, %get3A_4, %get3A_5] : memref<32x32x128xi32, #tpu.memory_space<vmem>>, vector<32x32x128xi32>
    %reduce_sum3A = arith.constant dense<0> : vector<32x128xi32>
    %reduce_sum3A_7 = vector.multi_reduction <add>, %get3A_6, %reduce_sum3A [0] : vector<32x32x128xi32> to vector<32x128xi32>
    %reduce_sum3A_8 = arith.constant dense<0> : vector<32xi32>
    %reduce_sum3A_9 = vector.multi_reduction <add>, %reduce_sum3A_7, %reduce_sum3A_8 [1] : vector<32x128xi32> to vector<32xi32>
    %broadcast_in_dim3A = vector.shape_cast %reduce_sum3A_9 : vector<32xi32> to vector<32x1xi32>
    %broadcast_in_dim3A_10 = arith.constant 0 : i32
    %broadcast_in_dim3A_11 = vector.broadcast %broadcast_in_dim3A_10 : i32 to vector<1x1xi32>
    %slice3A = vector.extract_strided_slice %broadcast_in_dim3A {offsets = [0, 0], sizes = [31, 1], strides = [1, 1]} : vector<32x1xi32> to vector<31x1xi32>
    %concatenate3A = tpu.concatenate %broadcast_in_dim3A_11, %slice3A in 0 : vector<1x1xi32>, vector<31x1xi32> -> vector<32x1xi32>
    %add3A = arith.addi %broadcast_in_dim3A, %concatenate3A : vector<32x1xi32>
    %broadcast_in_dim3A_12 = arith.constant 0 : i32
    %broadcast_in_dim3A_13 = vector.broadcast %broadcast_in_dim3A_12 : i32 to vector<2x1xi32>
    %slice3A_14 = vector.extract_strided_slice %add3A {offsets = [0, 0], sizes = [30, 1], strides = [1, 1]} : vector<32x1xi32> to vector<30x1xi32>
    %concatenate3A_15 = tpu.concatenate %broadcast_in_dim3A_13, %slice3A_14 in 0 : vector<2x1xi32>, vector<30x1xi32> -> vector<32x1xi32>
    %add3A_16 = arith.addi %add3A, %concatenate3A_15 : vector<32x1xi32>
    %broadcast_in_dim3A_17 = arith.constant 0 : i32
    %broadcast_in_dim3A_18 = vector.broadcast %broadcast_in_dim3A_17 : i32 to vector<4x1xi32>
    %slice3A_19 = vector.extract_strided_slice %add3A_16 {offsets = [0, 0], sizes = [28, 1], strides = [1, 1]} : vector<32x1xi32> to vector<28x1xi32>
    %concatenate3A_20 = tpu.concatenate %broadcast_in_dim3A_18, %slice3A_19 in 0 : vector<4x1xi32>, vector<28x1xi32> -> vector<32x1xi32>
    %add3A_21 = arith.addi %add3A_16, %concatenate3A_20 : vector<32x1xi32>
    %broadcast_in_dim3A_22 = arith.constant 0 : i32
    %broadcast_in_dim3A_23 = vector.broadcast %broadcast_in_dim3A_22 : i32 to vector<8x1xi32>
    %slice3A_24 = vector.extract_strided_slice %add3A_21 {offsets = [0, 0], sizes = [24, 1], strides = [1, 1]} : vector<32x1xi32> to vector<24x1xi32>
    %concatenate3A_25 = tpu.concatenate %broadcast_in_dim3A_23, %slice3A_24 in 0 : vector<8x1xi32>, vector<24x1xi32> -> vector<32x1xi32>
    %add3A_26 = arith.addi %add3A_21, %concatenate3A_25 : vector<32x1xi32>
    %broadcast_in_dim3A_27 = arith.constant 0 : i32
    %broadcast_in_dim3A_28 = vector.broadcast %broadcast_in_dim3A_27 : i32 to vector<16x1xi32>
    %slice3A_29 = vector.extract_strided_slice %add3A_26 {offsets = [0, 0], sizes = [16, 1], strides = [1, 1]} : vector<32x1xi32> to vector<16x1xi32>
    %concatenate3A_30 = tpu.concatenate %broadcast_in_dim3A_28, %slice3A_29 in 0 : vector<16x1xi32>, vector<16x1xi32> -> vector<32x1xi32>
    %add3A_31 = arith.addi %add3A_26, %concatenate3A_30 : vector<32x1xi32>
    %lt3A = vector.broadcast %get3A_2 : i32 to vector<32x1xi32>
    %lt3A_32 = arith.cmpi slt, %add3A_31, %lt3A : vector<32x1xi32>
    %convert_element_type3A = arith.extui %lt3A_32 : vector<32x1xi1> to vector<32x1xi32>
    %reduce_sum3A_33 = vector.shape_cast %convert_element_type3A : vector<32x1xi32> to vector<1x32x1xi32>
    %reduce_sum3A_34 = arith.constant dense<0> : vector<1xi32>
    %reduce_sum3A_35 = vector.multi_reduction <add>, %reduce_sum3A_33, %reduce_sum3A_34 [1, 2] : vector<1x32x1xi32> to vector<1xi32>
    %reduce_sum3A_36 = vector.shape_cast %reduce_sum3A_35 : vector<1xi32> to vector<1x1x1xi32>
    %reduce_sum3A_37 = vector.extract %reduce_sum3A_36[0, 0, 0] : i32 from vector<1x1x1xi32>
    %jit3A = arith.constant 0 : i32
    %broadcast_in_dim3A_38 = vector.broadcast %jit3A : i32 to vector<32x1xi32>
    %select_n3A = arith.select %lt3A_32, %add3A_31, %broadcast_in_dim3A_38 : vector<32x1xi1>, vector<32x1xi32>
    %reduce_max3A = vector.shape_cast %select_n3A : vector<32x1xi32> to vector<1x32x1xi32>
    %reduce_max3A_39 = arith.constant dense<-2147483648> : vector<1xi32>
    %reduce_max3A_40 = vector.multi_reduction <maxsi>, %reduce_max3A, %reduce_max3A_39 [1, 2] : vector<1x32x1xi32> to vector<1xi32>
    %reduce_max3A_41 = vector.shape_cast %reduce_max3A_40 : vector<1xi32> to vector<1x1x1xi32>
    %reduce_max3A_42 = vector.extract %reduce_max3A_41[0, 0, 0] : i32 from vector<1x1x1xi32>
    %iota3A = tpu.iota {dimensions = array<i32: 0>} : vector<32x128xi32>
    %eq3A = vector.broadcast %reduce_sum3A_37 : i32 to vector<32x128xi32>
    %eq3A_43 = arith.cmpi eq, %iota3A, %eq3A : vector<32x128xi32>
    %jit3A_44 = arith.constant 0 : i32
    %broadcast_in_dim3A_45 = vector.broadcast %jit3A_44 : i32 to vector<32x128xi32>
    %select_n3A_46 = arith.select %eq3A_43, %reduce_sum3A_7, %broadcast_in_dim3A_45 : vector<32x128xi1>, vector<32x128xi32>
    %reduce_sum3A_47 = arith.constant dense<0> : vector<128xi32>
    %reduce_sum3A_48 = vector.multi_reduction <add>, %select_n3A_46, %reduce_sum3A_47 [0] : vector<32x128xi32> to vector<128xi32>
    %broadcast_in_dim3A_49 = vector.shape_cast %reduce_sum3A_48 : vector<128xi32> to vector<1x128xi32>
    %broadcast_in_dim3A_50 = arith.constant 0 : i32
    %broadcast_in_dim3A_51 = vector.broadcast %broadcast_in_dim3A_50 : i32 to vector<1x1xi32>
    %slice3A_52 = vector.extract_strided_slice %broadcast_in_dim3A_49 {offsets = [0, 0], sizes = [1, 127], strides = [1, 1]} : vector<1x128xi32> to vector<1x127xi32>
    %concatenate3A_53 = tpu.concatenate %broadcast_in_dim3A_51, %slice3A_52 in 1 : vector<1x1xi32>, vector<1x127xi32> -> vector<1x128xi32>
    %add3A_54 = arith.addi %broadcast_in_dim3A_49, %concatenate3A_53 : vector<1x128xi32>
    %broadcast_in_dim3A_55 = arith.constant 0 : i32
    %broadcast_in_dim3A_56 = vector.broadcast %broadcast_in_dim3A_55 : i32 to vector<1x2xi32>
    %slice3A_57 = vector.extract_strided_slice %add3A_54 {offsets = [0, 0], sizes = [1, 126], strides = [1, 1]} : vector<1x128xi32> to vector<1x126xi32>
    %concatenate3A_58 = tpu.concatenate %broadcast_in_dim3A_56, %slice3A_57 in 1 : vector<1x2xi32>, vector<1x126xi32> -> vector<1x128xi32>
    %add3A_59 = arith.addi %add3A_54, %concatenate3A_58 : vector<1x128xi32>
    %broadcast_in_dim3A_60 = arith.constant 0 : i32
    %broadcast_in_dim3A_61 = vector.broadcast %broadcast_in_dim3A_60 : i32 to vector<1x4xi32>
    %slice3A_62 = vector.extract_strided_slice %add3A_59 {offsets = [0, 0], sizes = [1, 124], strides = [1, 1]} : vector<1x128xi32> to vector<1x124xi32>
    %concatenate3A_63 = tpu.concatenate %broadcast_in_dim3A_61, %slice3A_62 in 1 : vector<1x4xi32>, vector<1x124xi32> -> vector<1x128xi32>
    %add3A_64 = arith.addi %add3A_59, %concatenate3A_63 : vector<1x128xi32>
    %broadcast_in_dim3A_65 = arith.constant 0 : i32
    %broadcast_in_dim3A_66 = vector.broadcast %broadcast_in_dim3A_65 : i32 to vector<1x8xi32>
    %slice3A_67 = vector.extract_strided_slice %add3A_64 {offsets = [0, 0], sizes = [1, 120], strides = [1, 1]} : vector<1x128xi32> to vector<1x120xi32>
    %concatenate3A_68 = tpu.concatenate %broadcast_in_dim3A_66, %slice3A_67 in 1 : vector<1x8xi32>, vector<1x120xi32> -> vector<1x128xi32>
    %add3A_69 = arith.addi %add3A_64, %concatenate3A_68 : vector<1x128xi32>
    %broadcast_in_dim3A_70 = arith.constant 0 : i32
    %broadcast_in_dim3A_71 = vector.broadcast %broadcast_in_dim3A_70 : i32 to vector<1x16xi32>
    %slice3A_72 = vector.extract_strided_slice %add3A_69 {offsets = [0, 0], sizes = [1, 112], strides = [1, 1]} : vector<1x128xi32> to vector<1x112xi32>
    %concatenate3A_73 = tpu.concatenate %broadcast_in_dim3A_71, %slice3A_72 in 1 : vector<1x16xi32>, vector<1x112xi32> -> vector<1x128xi32>
    %add3A_74 = arith.addi %add3A_69, %concatenate3A_73 : vector<1x128xi32>
    %broadcast_in_dim3A_75 = arith.constant 0 : i32
    %broadcast_in_dim3A_76 = vector.broadcast %broadcast_in_dim3A_75 : i32 to vector<1x32xi32>
    %slice3A_77 = vector.extract_strided_slice %add3A_74 {offsets = [0, 0], sizes = [1, 96], strides = [1, 1]} : vector<1x128xi32> to vector<1x96xi32>
    %concatenate3A_78 = tpu.concatenate %broadcast_in_dim3A_76, %slice3A_77 in 1 : vector<1x32xi32>, vector<1x96xi32> -> vector<1x128xi32>
    %add3A_79 = arith.addi %add3A_74, %concatenate3A_78 : vector<1x128xi32>
    %broadcast_in_dim3A_80 = arith.constant 0 : i32
    %broadcast_in_dim3A_81 = vector.broadcast %broadcast_in_dim3A_80 : i32 to vector<1x64xi32>
    %slice3A_82 = vector.extract_strided_slice %add3A_79 {offsets = [0, 0], sizes = [1, 64], strides = [1, 1]} : vector<1x128xi32> to vector<1x64xi32>
    %concatenate3A_83 = tpu.concatenate %broadcast_in_dim3A_81, %slice3A_82 in 1 : vector<1x64xi32>, vector<1x64xi32> -> vector<1x128xi32>
    %add3A_84 = arith.addi %add3A_79, %concatenate3A_83 : vector<1x128xi32>
    %add3A_85 = vector.broadcast %reduce_max3A_42 : i32 to vector<1x128xi32>
    %add3A_86 = arith.addi %add3A_85, %add3A_84 : vector<1x128xi32>
    %lt3A_87 = vector.broadcast %get3A_2 : i32 to vector<1x128xi32>
    %lt3A_88 = arith.cmpi slt, %add3A_86, %lt3A_87 : vector<1x128xi32>
    %convert_element_type3A_89 = arith.extui %lt3A_88 : vector<1x128xi1> to vector<1x128xi32>
    %reduce_sum3A_90 = vector.shape_cast %convert_element_type3A_89 : vector<1x128xi32> to vector<1x1x128xi32>
    %reduce_sum3A_91 = arith.constant dense<0> : vector<1xi32>
    %reduce_sum3A_92 = vector.multi_reduction <add>, %reduce_sum3A_90, %reduce_sum3A_91 [1, 2] : vector<1x1x128xi32> to vector<1xi32>
    %reduce_sum3A_93 = vector.shape_cast %reduce_sum3A_92 : vector<1xi32> to vector<1x1x1xi32>
    %reduce_sum3A_94 = vector.extract %reduce_sum3A_93[0, 0, 0] : i32 from vector<1x1x1xi32>
    %jit3A_95 = arith.constant 0 : i32
    %broadcast_in_dim3A_96 = vector.broadcast %jit3A_95 : i32 to vector<1x128xi32>
    %select_n3A_97 = arith.select %lt3A_88, %add3A_84, %broadcast_in_dim3A_96 : vector<1x128xi1>, vector<1x128xi32>
    %reduce_max3A_98 = vector.shape_cast %select_n3A_97 : vector<1x128xi32> to vector<1x1x128xi32>
    %reduce_max3A_99 = arith.constant dense<-2147483648> : vector<1xi32>
    %reduce_max3A_100 = vector.multi_reduction <maxsi>, %reduce_max3A_98, %reduce_max3A_99 [1, 2] : vector<1x1x128xi32> to vector<1xi32>
    %reduce_max3A_101 = vector.shape_cast %reduce_max3A_100 : vector<1xi32> to vector<1x1x1xi32>
    %reduce_max3A_102 = vector.extract %reduce_max3A_101[0, 0, 0] : i32 from vector<1x1x1xi32>
    %add3A_103 = arith.addi %reduce_max3A_42, %reduce_max3A_102 : i32
    %mul3A = arith.constant 128 : i32
    %mul3A_104 = arith.muli %reduce_sum3A_37, %mul3A : i32
    %add3A_105 = arith.addi %mul3A_104, %reduce_sum3A_94 : i32
    %sub3A = arith.subi %get3A_2, %add3A_103 : i32
    %iota3A_106 = tpu.iota {dimensions = array<i32: 0>} : vector<8x128xi32>
    %eq3A_107 = arith.constant 0 : i32
    %eq3A_108 = vector.broadcast %eq3A_107 : i32 to vector<8x128xi32>
    %eq3A_109 = arith.cmpi eq, %iota3A_106, %eq3A_108 : vector<8x128xi32>
    %broadcast_in_dim3A_110 = vector.broadcast %add3A_105 : i32 to vector<8x128xi32>
    %broadcast_in_dim3A_111 = vector.broadcast %sub3A : i32 to vector<8x128xi32>
    %select_n3A_112 = arith.select %eq3A_109, %broadcast_in_dim3A_110, %broadcast_in_dim3A_111 : vector<8x128xi1>, vector<8x128xi32>
    %swap3A = arith.constant 0 : index
    %swap3A_113 = arith.constant 0 : index
    %swap3A_114 = vector.load %arg2[%swap3A, %swap3A_113] : memref<8x128xi32, #tpu.memory_space<vmem>>, vector<8x128xi32>
    tpu.vector_store %arg2[%swap3A, %swap3A_113], %select_n3A_112 {strides = array<i32>} : memref<8x128xi32, #tpu.memory_space<vmem>>, vector<8x128xi32>,
    return
  }
}

module attributes {stable_mosaic.version = 14 : i64} {
  func.func @_mask_body(%arg0: i32, %arg1: memref<256x4096xf32, #tpu.memory_space<vmem>>, %arg2: memref<1x1xf32, #tpu.memory_space<vmem>>, %arg3: memref<256x4096xf32, #tpu.memory_space<vmem>>) attributes {dimension_semantics = [#tpu.dimension_semantics<arbitrary>], iteration_bounds = array<i64: 16>, scalar_prefetch = 0 : i64, scratch_operands = 0 : i64, tpu.core_type = #tpu.core_type<tc>, window_params = [{transform_indices = @transform_0, window_bounds = array<i64: 256, 4096>}, {pipeline_mode = #tpu.pipeline_mode<synchronous>, transform_indices = @transform_1, window_bounds = array<i64: 1, 1>}, {transform_indices = @transform_2, window_bounds = array<i64: 256, 4096>}]} {
    %get3A = arith.constant 0 : index
    %get3A_0 = arith.constant 0 : index
    %get3A_1 = vector.load %arg2[%get3A, %get3A_0] : memref<1x1xf32, #tpu.memory_space<vmem>>, vector<1x1xf32>
    %get3A_2 = vector.extract %get3A_1[0, 0] : f32 from vector<1x1xf32>
    %get3A_3 = arith.constant 0 : index
    %get3A_4 = arith.constant 0 : index
    %get3A_5 = vector.load %arg1[%get3A_3, %get3A_4] : memref<256x4096xf32, #tpu.memory_space<vmem>>, vector<256x4096xf32>
    %abs3A = math.absf %get3A_5 : vector<256x4096xf32>
    %gt3A = vector.broadcast %get3A_2 : f32 to vector<256x4096xf32>
    %gt3A_6 = arith.cmpf ogt, %abs3A, %gt3A : vector<256x4096xf32>
    %jit3A = arith.constant 0.000000e+00 : f32
    %broadcast_in_dim3A = vector.broadcast %jit3A : f32 to vector<256x4096xf32>
    %select_n3A = arith.select %gt3A_6, %get3A_5, %broadcast_in_dim3A : vector<256x4096xi1>, vector<256x4096xf32>
    %swap3A = arith.constant 0 : index
    %swap3A_7 = arith.constant 0 : index
    %swap3A_8 = vector.load %arg3[%swap3A, %swap3A_7] : memref<256x4096xf32, #tpu.memory_space<vmem>>, vector<256x4096xf32>
    tpu.vector_store %arg3[%swap3A, %swap3A_7], %select_n3A {strides = array<i32>} : memref<256x4096xf32, #tpu.memory_space<vmem>>, vector<256x4096xf32>,
    return
  }
  func.func @transform_0(%arg0: i32) -> (i32, i32) {
    %c0_i32 = arith.constant 0 : i32
    %c0_i32_0 = arith.constant 0 : i32
    return %arg0, %c0_i32 : i32, i32
  }
  func.func @transform_1(%arg0: i32) -> (i32, i32) {
    %c0_i32 = arith.constant 0 : i32
    %c0_i32_0 = arith.constant 0 : i32
    %c0_i32_1 = arith.constant 0 : i32
    return %c0_i32, %c0_i32_0 : i32, i32
  }
  func.func @transform_2(%arg0: i32) -> (i32, i32) {
    %c0_i32 = arith.constant 0 : i32
    %c0_i32_0 = arith.constant 0 : i32
    return %arg0, %c0_i32 : i32, i32
  }
}

</mosaic_0001>

<sc_bundles>
// kernel: kernel.12.cloned.1.call-start
scs
__scs_entry_jumppad:
0x0: {  	(pc) =	sbr.rel $0x88, $3  }
0x1: {  	(tag) =	ssettag $0x0;
	lr =	simm.s32 $0x1  }
0x2: {  	[smem:$0x3F9F] =	sst lr;
	_ =	strace $0xD0000000  }
0x3: {  	_ = 	snop  }
0x4: {  	_ = 	snop  }
0x5: {  	_ = 	snop  }
0x6: {  	_ = 	snop  }
0x7: {  	_ = 	snop  }
__scs_overlays_trampoline_lowered:
0x8: {  	[smem:$0x3FAE] =	sst s0  }
0x9: {  	[smem:$0x3FAF] =	sst s1  }
0xa: {  	[smem:$0x3FB0] =	sst s2  }
0xb: {  	[smem:$0x3FB1] =	sst s3  }
0xc: {  	[smem:$0x3FB2] =	sst s4  }
0xd: {  	[smem:$0x3FB3] =	sst s5  }
0xe: {  	[smem:$0x3FB4] =	sst s6  }
0xf: {  	[smem:$0x3FB5] =	sst s7  }
0x10: {  	[smem:$0x3FB6] =	sst s8  }
0x11: {  	[smem:$0x3FB7] =	sst s9;
	s0 =	simm.s32 @!p0 $0x0  }
0x12: {  	s1 =	sld [smem:$0x3F9D];
	s0 =	simm.s32 @p0 $0x1  }
0x13: {  	[smem:$0x3FB8] =	sst s0;
	s0 =	simm.s32 @!p1 $0x0  }
0x14: {  	s2 =	sld [smem:$0x3F9C];
	s0 =	simm.s32 @p1 $0x1  }
0x15: {  	[smem:$0x3FB9] =	sst s0;
	s0 =	simm.s32 @!p2 $0x0  }
0x16: {  	s3 =	sld [smem:$0x3FDB];
	s0 =	simm.s32 @p2 $0x1  }
0x17: {  	s4 =	simm.s32 $0x1BF5;
	[smem:$0x3FBB] =	sst s0  }
0x18: {  	s0 =	sld [smem:$0x3F9E];
	_ =	swait.ge [sflag:s4], $0x0  }
0x19: {  	s7 =	sld [smem:$0x3F9F]  }
0x1a: {  	s8 =	sadd.s32 $0xFFFFE003, lr  }
0x1b: {  	s9 =	sadd.s32 $0xFFFFFEF7, lr;
	s5 =	simm.s32 $0xFFFFFFFF;
	p2 =	slt.u32 s8, $0xFFFFF086  }
0x1c: {  	p1 =	slt.u32 s9, $0xF7A;
	s5 =	simm.s32 @!p2 $0x0  }
0x1d: {  	s5 =	simm.s32 @p1 $0x1;
	p0 =	seq.s32 s7, s2  }
0x1e: {  	s7 =	smul.u32 @!p0 $0xF7A, s2;
	p2 =	seq.s32 @!p0 s5, $0x0  }
0x1f: {  	s9 =	smul.u32 $0xF7A, s1;
	s8 =	simm.s32 @!p0 $0x1BF5;
	p2 =	por !p2, p0  }
0x20: {  	[sflag:s8] =	ssyncset.s32 @!p0 $0xFFFFF086;
	s6 =	sadd.s32 @!p0 s3, s7;
	s7 =	simm.s32 @!p0 $0x108  }
0x21: {  	s3 =	sadd.s32 s3, s9;
	s6 =	sadd.s32 @!p0 $0x88, s6;
	s7 =	simm.s32 @p2 $0x1082  }
0x22: {  	[simem:s7], [sflag:s8] =	dma.local @!p0 [hbm:s6], $0xF7A  }
0x23: {  	s9 =	sor.u32 $0xD0000000, s2;
	s6 =	simm.s32 $0x108;
	_ =	swait.ge @!p0 [sflag:s8], $0x0  }
0x24: {  	s3 =	sadd.s32 $0x88, s3;
	s6 =	simm.s32 @!p1 $0x1082;
	[sflag:s4] =	ssyncset.s32 $0xFFFFF086  }
0x25: {  	[simem:s6], [sflag:s4] =	dma.local [hbm:s3], $0xF7A  }
0x26: {  	[smem:$0x3F9F] =	sst s1;
	(tag) =	ssettag s2;
	_ =	strace s9  }
0x27: {  	s1 =	sld [smem:$0x3FAF]  }
0x28: {  	s2 =	sld [smem:$0x3FB0]  }
0x29: {  	s4 =	sld [smem:$0x3FB2]  }
0x2a: {  	p0 =	seq.s32 s5, $0x0;
	s5 =	sld [smem:$0x3FB3]  }
0x2b: {  	s6 =	sld [smem:$0x3FB4]  }
0x2c: {  	s7 =	sld [smem:$0x3FB5]  }
0x2d: {  	s3 =	simm.s32 $0x108;
	s8 =	sld [smem:$0x3FB6]  }
0x2e: {  	s3 =	simm.s32 @!p0 $0x1082;
	s9 =	sld [smem:$0x3FB7]  }
0x2f: {  	lr =	sadd.s32 s0, s3;
	s0 =	sld [smem:$0x3FAE]  }
0x30: {  	s3 =	sld [smem:$0x3FB1]  }
0x31: {  	[smem:$0x3FBA] =	sst s10  }
0x32: {  	s10 =	sld [smem:$0x3FB8];
	_ =	sdelay $0x3  }
0x33: {  	p0 =	seq.s32 s10, $0x1;
	s10 =	sld [smem:$0x3FBA];
	_ =	sdelay $0x3  }
0x34: {  	[smem:$0x3FBA] =	sst s10  }
0x35: {  	s10 =	sld [smem:$0x3FB9];
	_ =	sdelay $0x3  }
0x36: {  	p1 =	seq.s32 s10, $0x1;
	s10 =	sld [smem:$0x3FBA];
	_ =	sdelay $0x3  }
0x37: {  	[smem:$0x3FBA] =	sst s10  }
0x38: {  	s10 =	sld [smem:$0x3FBB]  }
0x39: {  	_ = 	snop;
	(pc) =	sbr.ind lr, $3  }
0x3a: {  	_ = 	snop  }
0x3b: {  	_ = 	snop  }
0x3c: {  	p2 =	seq.s32 s10, $0x1;
	s10 =	sld [smem:$0x3FBA]  }
0x3d: {  	_ =	shalt  }
0x3e: {  	_ =	shalt  }
0x3f: {  	_ =	shalt  }
0x40: {  	_ =	shalt  }
0x41: {  	_ =	shalt  }
0x42: {  	_ =	shalt  }
0x43: {  	_ =	shalt  }
0x44: {  	_ =	shalt  }
0x45: {  	_ =	shalt  }
0x46: {  	_ =	shalt  }
0x47: {  	_ =	shalt  }
0x48: {  	_ =	shalt  }
0x49: {  	_ =	shalt  }
0x4a: {  	_ =	shalt  }
0x4b: {  	_ =	shalt  }
0x4c: {  	_ =	shalt  }
0x4d: {  	_ =	shalt  }
0x4e: {  	_ =	shalt  }
0x4f: {  	_ =	shalt  }
0x50: {  	_ =	shalt  }
0x51: {  	_ =	shalt  }
0x52: {  	_ =	shalt  }
0x53: {  	_ =	shalt  }
0x54: {  	_ =	shalt  }
0x55: {  	_ =	shalt  }
0x56: {  	_ =	shalt  }
0x57: {  	_ =	shalt  }
0x58: {  	_ =	shalt  }
0x59: {  	_ =	shalt  }
0x5a: {  	_ =	shalt  }
0x5b: {  	_ =	shalt  }
0x5c: {  	_ =	shalt  }
0x5d: {  	_ =	shalt  }
0x5e: {  	_ =	shalt  }
0x5f: {  	_ =	shalt  }
0x60: {  	_ =	shalt  }
0x61: {  	_ =	shalt  }
0x62: {  	_ =	shalt  }
0x63: {  	_ =	shalt  }
0x64: {  	_ =	shalt  }
0x65: {  	_ =	shalt  }
0x66: {  	_ =	shalt  }
0x67: {  	_ =	shalt  }
0x68: {  	_ =	shalt  }
0x69: {  	_ =	shalt  }
0x6a: {  	_ =	shalt  }
0x6b: {  	_ =	shalt  }
0x6c: {  	_ =	shalt  }
0x6d: {  	_ =	shalt  }
0x6e: {  	_ =	shalt  }
0x6f: {  	_ =	shalt  }
0x70: {  	_ =	shalt  }
0x71: {  	_ =	shalt  }
0x72: {  	_ =	shalt  }
0x73: {  	_ =	shalt  }
0x74: {  	_ =	shalt  }
0x75: {  	_ =	shalt  }
0x76: {  	_ =	shalt  }
0x77: {  	_ =	shalt  }
0x78: {  	_ =	shalt  }
0x79: {  	_ =	shalt  }
0x7a: {  	_ =	shalt  }
0x7b: {  	_ =	shalt  }
0x7c: {  	_ =	shalt  }
0x7d: {  	_ =	shalt  }
0x7e: {  	_ =	shalt  }
0x7f: {  	_ =	shalt  }
0x80: {  	_ =	shalt  }
0x81: {  	_ =	shalt  }
0x82: {  	_ =	shalt  }
0x83: {  	_ =	shalt  }
0x84: {  	_ =	shalt  }
0x85: {  	_ =	shalt  }
0x86: {  	_ =	shalt  }
0x87: {  	_ =	shalt  }
.Lfunc_end0:
.L_simem_size_0:
called_computation.1_lowered:
.L_overlay_start_0:
0x88: {  	s2 =	sld [smem:$0x3FD9]  }
0x89: {  	s3 =	sld [smem:$0x3FFE];
	_ =	sdelay $0x1  }
0x8a: {  	s1 =	srdreg.scid  }
0x8b: {  	s0 =	sand.u32 $0x1, s1  }
0x8c: {  	s17 =	sshll.u32 s0, $0xA;
	s2 =	sadd.s32 s3, s2  }
0x8d: {  	s2 =	sadd.s32 s2, s17  }
0x8e: {  	[smem:$0x3FC6] =	sst s2  }
0x8f: {  	_ = 	snop  }
0x90: {  	s2 =	sld [smem:$0x3FC9]  }
0x91: {  	s18 =	sld [smem:$0x3FD0];
	(tm) =	ssettm $0x1  }
0x92: {  	s4 =	sld [smem:$0x3FFB];
	_ =	sdelay $0x3  }
0x93: {  	_ =	strace s4  }
0x94: {  	s4 =	sld [smem:$0x3FFC];
	_ =	sdelay $0x3  }
0x95: {  	_ =	strace s4  }
0x96: {  	s4 =	sld [smem:$0x3FFD];
	_ =	sdelay $0x3  }
0x97: {  	_ =	strace s4  }
0x98: {  	_ =	strace $0x8FFFFFFF  }
0x99: {  	s19 =	sld [smem:$0x3FDB];
	_ =	sdelay $0x1  }
0x9a: {  	s5 =	simm.s32 $_scs_section_size  }
0x9b: {  	s6 =	simm.s32 $_size__tile_overlayer_lowered;
	s7 =	simm.s32 $_tile_overlayer_lowered  }
0x9c: {  	s22 =	simm.s32 $0x1BFF;
	s21 =	sshll.u32 s7, $0x1;
	s4 =	sadd.s32 s5, s19  }
0x9d: {  	s8 =	simm.s32 $0x0;
	s20 =	sshll.u32 s6, $0x1;
	s6 =	sadd.s32 s21, s4  }
0x9e: {  	[timem:s8], [sflag:s22] =	dma.local [hbm:s6], s20  }
0x9f: {  	_ =	swait.ge [sflag:s22], s20  }
0xa0: {  	s5 =	ssub.s32 $0x0, s20;
	[sflag:s22] =	ssyncset.done $0x0  }
0xa1: {  	[sflag:s22] =	ssyncadd.s32 s5;
	_ =	sdelay $0x1  }
0xa2: {  	s23 =	simm.s32 $0x1B8B  }
0xa3: {  	_ =	swait.ge [sflag:s23], $0x1  }
0xa4: {  	[sflag:s23] =	ssyncset.done $0x0  }
0xa5: {  	s25 =	simm.s32 $0x1B8E;
	s24 =	sld [smem:$0x3FFE];
	[sflag:s23] =	ssyncadd.s32 $0xFFFFFFFF  }
0xa6: {  	s26 =	simm.s32 $execute0_lowered;
	[smem:$0x3FD2] =	sst s25  }
0xa7: {  	s6 =	sshll.u32 s26, $0x1;
	_ =	strace $0x80000049;
	[dreg:$0x1] =	wrdreg $0xFFFFFFFF  }
0xa8: {  	s28 =	simm.s32 $_size_execute0_lowered;
	s4 =	sadd.s32 s4, s6;
	[dreg:$0x0] =	wrdreg $0x0  }
0xa9: {  	s6 =	sshll.u32 s28, $0x1;
	[dreg:$0x2] =	wrdreg s4  }
0xaa: {  	[dreg:$0x3] =	wrdreg s6  }
0xab: {  	[dreg:$0x4] =	wrdreg $0xC0  }
0xac: {  	_ =	task [dreg:s8], $0x5FFFF  }
0xad: {  	[dreg:$0x1] =	wrdreg $0xFFFFFFFF  }
0xae: {  	[dreg:$0x0] =	wrdreg $0x60  }
0xaf: {  	[dreg:$0x2] =	wrdreg s2  }
0xb0: {  	[dreg:$0x3] =	wrdreg s24  }
0xb1: {  	[dreg:$0x4] =	wrdreg s18  }
0xb2: {  	[dreg:$0x5] =	wrdreg $0x9  }
0xb3: {  	_ =	task.clear_ibuf [dreg:s8], $0x6FFFF;
	_ =	strace $0x90000049  }
0xb4: {  	s29 =	simm.s32 $0x9;
	_ =	strace $0x8000004B  }
0xb5: {  	_ =	swait.ge [sflag:s29], $0x1  }
0xb6: {  	[sflag:s29] =	ssyncadd.s32 $0xFFFFFFFF  }
0xb7: {  	_ =	strace $0x9000004B  }
0xb8: {  	_ =	sfence  }
0xb9: {  	s30 =	sld [smem:$0x0];
	_ =	sdelay $0x2  }
0xba: {  	s31 =	sshll.u32 s1, $0xD;
	s1 =	sshrl.u32 s1, $0x2  }
0xbb: {  	s3 =	sand.u32 $0x4000, s31;
	s1 =	sadd.s32 s1, s30  }
0xbc: {  	s0 =	sor.u32 s3, s0;
	s1 =	sshll.u32 s1, $0x11  }
0xbd: {  	s0 =	sor.u32 s1, s0  }
0xbe: {  	s0 =	sadd.s32 $0x8F2B, s0  }
0xbf: {  	[sflag:s0] =	ssyncadd.remote.s32 $0x1  }
0xc0: {  	_ =	sfence.sel $0xFFFF  }
0xc1: {  	[dreg:$0x0] =	wrdreg $0xFFFFFFFF;
	(pc) =	sbr.abs _section_cstart, $3  }
0xc2: {  	[dreg:$0x1] =	wrdreg $0xFFFFFFFF  }
0xc3: {  	_ =	task.clear_ibuf [dreg:s8], $0x2FFFF;
	_ =	strace $0x9FFFFFFF  }
0xc4: {  	(tm) =	ssettm $0x7FFFFFFF  }
0xc5: {  	_ =	shalt  }
tec
execute0_lowered:
.L_overlay_start_1:
0x0: {  	(tag) =	ssettag $0x1  }
0x1: {  	v0 =	vimm.s32 $0xE00E;
	vm0 =	vcmask $0x300  }
0x2: {  	s0 =	rddreg [dreg:$0x0];
	vm15 =	vcmask $0x704;
	v0 =	vsel vm0, $0x0, v0  }
0x3: {  	s5 =	rddreg [dreg:$0x1];
	vm4 =	vcmask $0xB08;
	v0 =	vsel vm15, $0x1001, v0  }
0x4: {  	s8 =	rddreg [dreg:$0x2];
	vm5 =	vcmask $0xF0C;
	v0 =	vsel vm4, $0x2002, v0  }
0x5: {  	s1 =	rddreg [dreg:$0x3];
	s4 =	srdreg.scid;
	vm6 =	vcmask $0x1310;
	v0 =	vsel vm5, $0x3003, v0  }
0x6: {  	s2 =	stileid.u32;
	s3 =	simm.s32 $0x0;
	vm7 =	vcmask $0x1714;
	s11 =	simm.s32 $0x3;
	v0 =	vsel vm6, $0x4004, v0  }
0x7: {  	vm8 =	vcmask $0x1B18;
	s12 =	simm.s32 $0x8000;
	s13 =	simm.s32 $0x1;
	s14 =	simm.s32 $0x10000;
	v0 =	vsel vm7, $0x5005, v0  }
0x8: {  	vm9 =	vcmask $0x1F1C;
	s15 =	simm.s32 $0x2;
	s16 =	simm.s32 $0x80;
	s17 =	simm.s32 $0x400;
	v0 =	vsel vm8, $0x6006, v0  }
0x9: {  	vm10 =	vcmask $0x2320;
	s18 =	simm.s32 $0x0;
	s6 =	sand.u32 $0x1, s4;
	s31 =	sshll.u32 s2, $0x1;
	v0 =	vsel vm9, $0x7007, v0  }
0xa: {  	vm11 =	vcmask $0x2724;
	[smem:$0x7FF] =	sst s3;
	s9 =	sshll.u32 s2, $0xD;
	s7 =	sor.u32 s6, s31;
	v0 =	vsel vm10, $0x8008, v0  }
0xb: {  	vm12 =	vcmask $0x2B28;
	s5 =	sadd.s32 $0x1600, s5;
	s6 =	ssub.s32 $0x2, s6;
	s4 =	sshll.u32 s7, $0x7;
	v0 =	vsel vm11, $0x9009, v0  }
0xc: {  	vm13 =	vcmask $0x2F2C;
	_ =	strace $0x8000004A;
	s10 =	sshrl.u32 s6, $0x1;
	s9 =	sor.u32 s9, s4;
	v0 =	vsel vm12, $0xA00A, v0  }
0xd: {  	vm14 =	vcmask $0x3330;
	s7 =	sshll.u32 s7, $0x10;
	s10 =	ssub.s32 s6, s10;
	s9 =	sand.u32 $0x18380, s9;
	v0 =	vsel vm13, $0xB00B, v0  }
0xe: {  	vm15 =	vcmask $0x3734;
	s6 =	sadd.s32 s0, s7;
	s7 =	sor.u32 $0x10, s4;
	s9 =	sshrl.u32 s9, $0x3;
	v1 =	vsel vm14, $0xC00C, v0  }
0xf: {  	v2 =	vimm.s32 $0x1;
	s8 =	sadd.s32 s8, s9;
	s9 =	smax.u32 s10, $0x1;
	s10 =	simm.s32 $0x1F080;
	v0 =	vimm.s32 $0x0;
	v1 =	vsel vm15, $0xD00D, v1  }
.LBB2_1:
0x10: {  	[tilespmem:s3], [sflag:$0x1] =	stream.linear.gather [hbm4b:s6+s3], $0x8000, $0x38;
	[tilespmem:$0x1F100] =	vst v63  }
0x11: {  	s19 =	simm.s32 $0x10040  }
0x12: {  	[tilespmem:s19+$0xFFFFFFC0] =	vst v0  }
0x13: {  	[tilespmem:s19+$0x30] =	vst v0  }
0x14: {  	[tilespmem:s19+$0x20] =	vst v0  }
0x15: {  	[tilespmem:s19+$0x10] =	vst v0  }
0x16: {  	[tilespmem:s19+$0x0] =	vst v0  }
0x17: {  	[tilespmem:s19+$0xFFFFFFF0] =	vst v0  }
0x18: {  	s20 =	simm.s32 $0x0;
	[tilespmem:s19+$0xFFFFFFE0] =	vst v0  }
.LBB2_2:
0x19: {  	s20 =	sadd.s32 $0x8, s20;
	[tilespmem:s19+$0xFFFFFFD0] =	vst v0;
	s19 =	sadd.s32 $0x80, s19  }
0x1a: {  	[tilespmem:s19+$0xFFFFFFC0] =	vst v0;
	p0 =	slt.u32 s20, $0xEF8  }
0x1b: {  	[tilespmem:s19+$0x30] =	vst v0  }
.Ltmp0:
0x1c: {  	[tilespmem:s19+$0x20] =	vst v0;
	(pc) =	sbr.rel @p0 .LBB2_2-.Ltmp0, $4  }
0x1d: {  	[tilespmem:s19+$0x10] =	vst v0  }
0x1e: {  	[tilespmem:s19+$0x0] =	vst v0  }
0x1f: {  	[tilespmem:s19+$0xFFFFFFF0] =	vst v0  }
0x20: {  	[tilespmem:s19+$0xFFFFFFE0] =	vst v0  }
0x21: {  	[tilespmem:s19+$0xFFFFFFD0] =	vst v0  }
0x22: {  	s19 =	simm.s32 $0x0;
	[tilespmem:$0x1F000] =	vst v0  }
0x23: {  	[tilespmem:s10], [sflag:$0x3] =	stream.linear.gather [hbm4b:s5+s19], $0x10, $0x38;
	[tilespmem:$0x1F100] =	vst v63  }
0x24: {  	_ =	swait.ge [sflag:s11], $0x10  }
0x25: {  	[sflag:s11] =	ssyncset.done $0x0  }
0x26: {  	[sflag:s11] =	ssyncadd.s32 $0xFFFFFFF0  }
0x27: {  	v3 =	vld [tilespmem:$0x1F080]  }
0x28: {  	s20 =	simm.s32 $0x0  }
.LBB2_4:
0x29: {  	s21 =	sshll.u32 s20, $0x4  }
0x2a: {  	s22 =	sadd.s32 s21, s4  }
0x2b: {  	s22 =	sshll.u32 s22, $0x9  }
0x2c: {  	s22 =	sadd.s32 s0, s22  }
0x2d: {  	s22 =	sadd.s32 $0x1000, s22  }
0x2e: {  	[tilespmem:s12], [sflag:$0x2] =	stream.linear.gather [hbm4b:s22+s19], $0x8000, $0x38;
	[tilespmem:$0x1F100] =	vst v63  }
0x2f: {  	_ =	swait.ge [sflag:s13], $0x8000  }
0x30: {  	s29 =	sand.u32 $0x7C00, s19;
	s23 =	sand.u32 $0x380, s19;
	[sflag:s13] =	ssyncset.done $0x0  }
0x31: {  	s22 =	sor.u32 s23, s29;
	[sflag:s13] =	ssyncadd.s32 $0xFFFF8000  }
0x32: {  	v4 =	vld [tilespmem:s22+$0x70]  }
0x33: {  	v5 =	vld [tilespmem:s22+$0x0]  }
0x34: {  	v6 =	vld [tilespmem:s22+$0x10]  }
0x35: {  	v8 =	vld [tilespmem:s22+$0x30]  }
0x36: {  	v9 =	vld [tilespmem:s22+$0x40];
	_ =	sdelay $0x1  }
0x37: {  	v12 =	vld [tilespmem:s22+$0x50];
	v10 =	vshrl.u32 v4, $0x13  }
0x38: {  	v14 =	vld [tilespmem:s22+$0x60];
	v11 =	vshrl.u32 v5, $0x13;
	v4 =	vshrl.u32 v4, $0x7;
	v13 =	vshrl.u32 v6, $0x13  }
0x39: {  	v5 =	vshrl.u32 v5, $0x7;
	v6 =	vshrl.u32 v6, $0x7;
	v15 =	vshrl.u32 v8, $0x13  }
0x3a: {  	v8 =	vshrl.u32 v8, $0x7;
	v16 =	vshrl.u32 v9, $0x7;
	v10 =	vand.u32 $0xFFF, v10  }
0x3b: {  	v9 =	vshrl.u32 v9, $0x13;
	v4 =	vand.u32 $0xFFF, v4;
	vm0 =	veq.s32 v10, v3  }
0x3c: {  	v7 =	vld [tilespmem:s22+$0x20];
	v17 =	vshrl.u32 v12, $0x7;
	v12 =	vshrl.u32 v12, $0x13;
	v4 =	vadd.s32 v1, v4  }
0x3d: {  	s30 =	simm.s32 $0x400;
	s31 =	simm.s32 $0x4;
	v18 =	vshrl.u32 v14, $0x7;
	v14 =	vshrl.u32 v14, $0x13;
	v11 =	vand.u32 $0xFFF, v11  }
0x3e: {  	s23 =	sand.u32 $0x380, s31;
	s22 =	sand.u32 $0x7C00, s30;
	v13 =	vand.u32 $0xFFF, v13;
	v15 =	vand.u32 $0xFFF, v15;
	v9 =	vand.u32 $0xFFF, v9  }
0x3f: {  	s22 =	sor.u32 s23, s22;
	v5 =	vand.u32 $0xFFF, v5;
	v12 =	vand.u32 $0xFFF, v12;
	v14 =	vand.u32 $0xFFF, v14  }
0x40: {  	v19 =	vld [tilespmem:s22+$0x0];
	v16 =	vand.u32 $0xFFF, v16;
	v17 =	vand.u32 $0xFFF, v17;
	v18 =	vand.u32 $0xFFF, v18  }
0x41: {  	v10 =	vshrl.u32 v7, $0x13;
	v7 =	vshrl.u32 v7, $0x7;
	vm6 =	veq.s32 v11, v3;
	[tilespmem:v4+s14+$0x0] =	vst.idx.add.s32.msk vm0, v2  }
0x42: {  	v4 =	vand.u32 $0xFFF, v6;
	v6 =	vand.u32 $0xFFF, v7;
	v7 =	vand.u32 $0xFFF, v8;
	v8 =	vld [tilespmem:s22+$0x70]  }
0x43: {  	v23 =	vld [tilespmem:s22+$0x60];
	vm5 =	veq.s32 v13, v3;
	vm3 =	veq.s32 v15, v3;
	vm2 =	veq.s32 v9, v3  }
0x44: {  	vm1 =	veq.s32 v12, v3;
	v12 =	vld [tilespmem:s22+$0x20];
	v9 =	vadd.s32 v1, v5;
	v10 =	vand.u32 $0xFFF, v10  }
0x45: {  	v16 =	vadd.s32 v1, v16;
	v5 =	vadd.s32 v1, v17;
	vm4 =	veq.s32 v10, v3;
	v10 =	vld [tilespmem:s22+$0x10]  }
0x46: {  	v17 =	vshrl.u32 v19, $0x13;
	vm0 =	veq.s32 v14, v3;
	v14 =	vld [tilespmem:s22+$0x30];
	v13 =	vadd.s32 v1, v4  }
0x47: {  	v21 =	vld [tilespmem:s22+$0x40];
	v15 =	vadd.s32 v1, v6;
	v20 =	vadd.s32 v1, v7;
	v6 =	vshrl.u32 v8, $0x13  }
0x48: {  	v4 =	vadd.s32 v1, v18;
	v18 =	vld [tilespmem:s22+$0x50];
	v7 =	vshrl.u32 v8, $0x7;
	v6 =	vand.u32 $0xFFF, v6  }
0x49: {  	v11 =	vshrl.u32 v19, $0x7;
	v7 =	vand.u32 $0xFFF, v7;
	vm7 =	veq.s32 v6, v3  }
0x4a: {  	v19 =	vshrl.u32 v23, $0x13;
	v24 =	vshrl.u32 v12, $0x13;
	[tilespmem:v9+s14+$0x0] =	vst.idx.add.s32.msk vm6, v2;
	v25 =	vadd.s32 v1, v7  }
0x4b: {  	[tilespmem:v16+s14+$0x0] =	vst.idx.add.s32.msk vm2, v2;
	v22 =	vshrl.u32 v10, $0x13;
	v9 =	vshrl.u32 v10, $0x7;
	v26 =	vshrl.u32 v14, $0x13  }
0x4c: {  	v10 =	vshrl.u32 v14, $0x7;
	v14 =	vshrl.u32 v21, $0x13;
	[tilespmem:v13+s14+$0x0] =	vst.idx.add.s32.msk vm5, v2;
	v13 =	vand.u32 $0xFFF, v17  }
0x4d: {  	[tilespmem:v15+s14+$0x0] =	vst.idx.add.s32.msk vm4, v2;
	v8 =	vshrl.u32 v18, $0x7;
	v18 =	vshrl.u32 v18, $0x13;
	v15 =	vand.u32 $0xFFF, v22  }
0x4e: {  	[tilespmem:v20+s14+$0x0] =	vst.idx.add.s32.msk vm3, v2;
	v17 =	vand.u32 $0xFFF, v24;
	v16 =	vand.u32 $0xFFF, v26;
	v14 =	vand.u32 $0xFFF, v14  }
0x4f: {  	s24 =	simm.s32 $0x8;
	s23 =	simm.s32 $0x800;
	s22 =	simm.s32 $0x8;
	v7 =	vshrl.u32 v12, $0x7;
	v6 =	vshrl.u32 v21, $0x7;
	v12 =	vshrl.u32 v23, $0x7;
	[tilespmem:v25+s14+$0x0] =	vst.idx.add.s32.msk vm7, v2  }
.LBB2_5:
0x50: {  	s25 =	sand.u32 $0x7C00, s23;
	s26 =	sand.u32 $0x380, s24;
	s22 =	sadd.s32 $0x8, s22;
	v11 =	vand.u32 $0xFFF, v11;
	v18 =	vand.u32 $0xFFF, v18;
	v19 =	vand.u32 $0xFFF, v19;
	[tilespmem:v5+s14+$0x0] =	vst.idx.add.s32.msk vm1, v2  }
0x51: {  	v5 =	vand.u32 $0xFFF, v9;
	v7 =	vand.u32 $0xFFF, v7;
	v9 =	vand.u32 $0xFFF, v10;
	s25 =	sor.u32 s26, s25;
	p0 =	slt.u32 s22, $0x7F8;
	[tilespmem:v4+s14+$0x0] =	vst.idx.add.s32.msk vm0, v2  }
0x52: {  	v4 =	vand.u32 $0xFFF, v6;
	v6 =	vand.u32 $0xFFF, v8;
	v8 =	vand.u32 $0xFFF, v12;
	v10 =	vld [tilespmem:s25+$0x70]  }
0x53: {  	vm6 =	veq.s32 v13, v3;
	vm5 =	veq.s32 v15, v3;
	vm4 =	veq.s32 v17, v3;
	v12 =	vld [tilespmem:s25+$0x0]  }
0x54: {  	vm3 =	veq.s32 v16, v3;
	vm2 =	veq.s32 v14, v3;
	vm1 =	veq.s32 v18, v3;
	v13 =	vld [tilespmem:s25+$0x10]  }
0x55: {  	v15 =	vadd.s32 v1, v11;
	v16 =	vadd.s32 v1, v5;
	vm0 =	veq.s32 v19, v3;
	v14 =	vld [tilespmem:s25+$0x20]  }
0x56: {  	v18 =	vadd.s32 v1, v7;
	v19 =	vadd.s32 v1, v9;
	v20 =	vadd.s32 v1, v4;
	v17 =	vld [tilespmem:s25+$0x30]  }
0x57: {  	v5 =	vadd.s32 v1, v6;
	v4 =	vadd.s32 v1, v8;
	v21 =	vld [tilespmem:s25+$0x40];
	v7 =	vshrl.u32 v10, $0x13  }
0x58: {  	v6 =	vshrl.u32 v10, $0x7;
	v8 =	vshrl.u32 v12, $0x13;
	v22 =	vld [tilespmem:s25+$0x50];
	v7 =	vand.u32 $0xFFF, v7  }
0x59: {  	v6 =	vand.u32 $0xFFF, v6;
	v23 =	vshrl.u32 v13, $0x13;
	v24 =	vld [tilespmem:s25+$0x60];
	vm7 =	veq.s32 v7, v3  }
0x5a: {  	v11 =	vshrl.u32 v12, $0x7;
	v26 =	vadd.s32 v1, v6;
	v25 =	vshrl.u32 v14, $0x13;
	[tilespmem:v15+s14+$0x0] =	vst.idx.add.s32.msk vm6, v2  }
.Ltmp1:
0x5b: {  	v9 =	vshrl.u32 v13, $0x7;
	v7 =	vshrl.u32 v14, $0x7;
	v14 =	vshrl.u32 v17, $0x13;
	[tilespmem:v16+s14+$0x0] =	vst.idx.add.s32.msk vm5, v2;
	(pc) =	sbr.rel @p0 .LBB2_5-.Ltmp1, $4  }
0x5c: {  	v10 =	vshrl.u32 v17, $0x7;
	v6 =	vshrl.u32 v21, $0x7;
	v21 =	vshrl.u32 v21, $0x13;
	[tilespmem:v18+s14+$0x0] =	vst.idx.add.s32.msk vm4, v2  }
0x5d: {  	v13 =	vand.u32 $0xFFF, v8;
	v8 =	vshrl.u32 v22, $0x7;
	v18 =	vshrl.u32 v22, $0x13;
	[tilespmem:v19+s14+$0x0] =	vst.idx.add.s32.msk vm3, v2  }
0x5e: {  	v15 =	vand.u32 $0xFFF, v23;
	v12 =	vshrl.u32 v24, $0x7;
	v19 =	vshrl.u32 v24, $0x13;
	[tilespmem:v20+s14+$0x0] =	vst.idx.add.s32.msk vm2, v2  }
0x5f: {  	s23 =	sadd.s32 $0x400, s23;
	s24 =	sadd.s32 $0x4, s24;
	v17 =	vand.u32 $0xFFF, v25;
	v16 =	vand.u32 $0xFFF, v14;
	v14 =	vand.u32 $0xFFF, v21;
	[tilespmem:v26+s14+$0x0] =	vst.idx.add.s32.msk vm7, v2  }
0x60: {  	v11 =	vand.u32 $0xFFF, v11  }
0x61: {  	v18 =	vand.u32 $0xFFF, v18;
	v19 =	vand.u32 $0xFFF, v19;
	vm2 =	veq.s32 v13, v3  }
0x62: {  	v9 =	vand.u32 $0xFFF, v9;
	vm3 =	veq.s32 v15, v3;
	v11 =	vadd.s32 v1, v11  }
0x63: {  	v7 =	vand.u32 $0xFFF, v7;
	vm4 =	veq.s32 v17, v3;
	v9 =	vadd.s32 v1, v9  }
0x64: {  	v10 =	vand.u32 $0xFFF, v10;
	vm5 =	veq.s32 v16, v3;
	v7 =	vadd.s32 v1, v7  }
0x65: {  	[tilespmem:v5+s14+$0x0] =	vst.idx.add.s32.msk vm1, v2;
	v5 =	vand.u32 $0xFFF, v6;
	vm1 =	veq.s32 v14, v3;
	v6 =	vadd.s32 v1, v10  }
0x66: {  	[tilespmem:v4+s14+$0x0] =	vst.idx.add.s32.msk vm0, v2;
	v4 =	vand.u32 $0xFFF, v8;
	vm0 =	veq.s32 v18, v3;
	v5 =	vadd.s32 v1, v5  }
0x67: {  	v8 =	vand.u32 $0xFFF, v12;
	vm6 =	veq.s32 v19, v3;
	v4 =	vadd.s32 v1, v4;
	[tilespmem:v11+s14+$0x0] =	vst.idx.add.s32.msk vm2, v2  }
0x68: {  	v8 =	vadd.s32 v1, v8;
	[tilespmem:v9+s14+$0x0] =	vst.idx.add.s32.msk vm3, v2  }
0x69: {  	[tilespmem:v7+s14+$0x0] =	vst.idx.add.s32.msk vm4, v2  }
0x6a: {  	p0 =	seq.s32 s20, $0x7;
	[tilespmem:v6+s14+$0x0] =	vst.idx.add.s32.msk vm5, v2  }
0x6b: {  	s21 =	sadd.s32 @!p0 s21, s7;
	[tilespmem:v5+s14+$0x0] =	vst.idx.add.s32.msk vm1, v2  }
0x6c: {  	s21 =	sshll.u32 @!p0 s21, $0x9;
	[tilespmem:v4+s14+$0x0] =	vst.idx.add.s32.msk vm0, v2  }
0x6d: {  	s22 =	simm.s32 @!p0 $0x0;
	s21 =	sadd.s32 @!p0 s0, s21;
	[tilespmem:v8+s14+$0x0] =	vst.idx.add.s32.msk vm6, v2  }
0x6e: {  	[tilespmem:s22], [sflag:$0x1] =	stream.linear.gather @!p0 [hbm4b:s21+s22], $0x8000, $0x38;
	[tilespmem:$0x1F100] =	vst v63  }
0x6f: {  	s28 =	simm.s32 $0x0;
	_ =	swait.ge [sflag:s15], $0x8000  }
0x70: {  	s29 =	sand.u32 $0x7C00, s28;
	s21 =	sand.u32 $0x380, s28;
	[sflag:s15] =	ssyncset.done $0x0  }
0x71: {  	s21 =	sor.u32 s21, s29;
	[sflag:s15] =	ssyncadd.s32 $0xFFFF8000  }
0x72: {  	v4 =	vld [tilespmem:s21+$0x8070]  }
0x73: {  	v5 =	vld [tilespmem:s21+$0x8000]  }
0x74: {  	v6 =	vld [tilespmem:s21+$0x8010]  }
0x75: {  	v8 =	vld [tilespmem:s21+$0x8030]  }
0x76: {  	v9 =	vld [tilespmem:s21+$0x8040];
	_ =	sdelay $0x1  }
0x77: {  	v12 =	vld [tilespmem:s21+$0x8050];
	v10 =	vshrl.u32 v4, $0x13  }
0x78: {  	v14 =	vld [tilespmem:s21+$0x8060];
	v11 =	vshrl.u32 v5, $0x13;
	v4 =	vshrl.u32 v4, $0x7;
	v13 =	vshrl.u32 v6, $0x13  }
0x79: {  	v5 =	vshrl.u32 v5, $0x7;
	v6 =	vshrl.u32 v6, $0x7;
	v15 =	vshrl.u32 v8, $0x13  }
0x7a: {  	v8 =	vshrl.u32 v8, $0x7;
	v16 =	vshrl.u32 v9, $0x7;
	v10 =	vand.u32 $0xFFF, v10  }
0x7b: {  	v9 =	vshrl.u32 v9, $0x13;
	v4 =	vand.u32 $0xFFF, v4;
	vm0 =	veq.s32 v10, v3  }
0x7c: {  	v7 =	vld [tilespmem:s21+$0x8020];
	v17 =	vshrl.u32 v12, $0x7;
	v12 =	vshrl.u32 v12, $0x13;
	v4 =	vadd.s32 v1, v4  }
0x7d: {  	s30 =	simm.s32 $0x400;
	s31 =	simm.s32 $0x4;
	v18 =	vshrl.u32 v14, $0x7;
	v14 =	vshrl.u32 v14, $0x13;
	v11 =	vand.u32 $0xFFF, v11  }
0x7e: {  	s22 =	sand.u32 $0x380, s31;
	s21 =	sand.u32 $0x7C00, s30;
	v13 =	vand.u32 $0xFFF, v13;
	v15 =	vand.u32 $0xFFF, v15;
	v9 =	vand.u32 $0xFFF, v9  }
0x7f: {  	s21 =	sor.u32 s22, s21;
	v5 =	vand.u32 $0xFFF, v5;
	v12 =	vand.u32 $0xFFF, v12;
	v14 =	vand.u32 $0xFFF, v14  }
0x80: {  	v19 =	vld [tilespmem:s21+$0x8000];
	v16 =	vand.u32 $0xFFF, v16;
	v17 =	vand.u32 $0xFFF, v17;
	v18 =	vand.u32 $0xFFF, v18  }
0x81: {  	v10 =	vshrl.u32 v7, $0x13;
	v7 =	vshrl.u32 v7, $0x7;
	vm13 =	veq.s32 v11, v3;
	[tilespmem:v4+s14+$0x0] =	vst.idx.add.s32.msk vm0, v2  }
0x82: {  	v4 =	vand.u32 $0xFFF, v6;
	v6 =	vand.u32 $0xFFF, v7;
	v7 =	vand.u32 $0xFFF, v8;
	v8 =	vld [tilespmem:s21+$0x8070]  }
0x83: {  	v23 =	vld [tilespmem:s21+$0x8060];
	vm14 =	veq.s32 v13, v3;
	vm3 =	veq.s32 v15, v3;
	vm2 =	veq.s32 v9, v3  }
0x84: {  	vm1 =	veq.s32 v12, v3;
	v12 =	vld [tilespmem:s21+$0x8020];
	v9 =	vadd.s32 v1, v5;
	v10 =	vand.u32 $0xFFF, v10  }
0x85: {  	v16 =	vadd.s32 v1, v16;
	v5 =	vadd.s32 v1, v17;
	vm15 =	veq.s32 v10, v3;
	v10 =	vld [tilespmem:s21+$0x8010]  }
0x86: {  	v17 =	vshrl.u32 v19, $0x13;
	vm0 =	veq.s32 v14, v3;
	v14 =	vld [tilespmem:s21+$0x8030];
	v13 =	vadd.s32 v1, v4  }
0x87: {  	v21 =	vld [tilespmem:s21+$0x8040];
	v15 =	vadd.s32 v1, v6;
	v20 =	vadd.s32 v1, v7;
	v6 =	vshrl.u32 v8, $0x13  }
0x88: {  	v4 =	vadd.s32 v1, v18;
	v18 =	vld [tilespmem:s21+$0x8050];
	v7 =	vshrl.u32 v8, $0x7;
	v6 =	vand.u32 $0xFFF, v6  }
0x89: {  	v11 =	vshrl.u32 v19, $0x7;
	v7 =	vand.u32 $0xFFF, v7;
	vm7 =	veq.s32 v6, v3  }
0x8a: {  	v19 =	vshrl.u32 v23, $0x13;
	v24 =	vshrl.u32 v12, $0x13;
	[tilespmem:v9+s14+$0x0] =	vst.idx.add.s32.msk vm13, v2;
	v25 =	vadd.s32 v1, v7  }
0x8b: {  	[tilespmem:v16+s14+$0x0] =	vst.idx.add.s32.msk vm2, v2;
	v22 =	vshrl.u32 v10, $0x13;
	v9 =	vshrl.u32 v10, $0x7;
	v26 =	vshrl.u32 v14, $0x13  }
0x8c: {  	v10 =	vshrl.u32 v14, $0x7;
	v14 =	vshrl.u32 v21, $0x13;
	[tilespmem:v13+s14+$0x0] =	vst.idx.add.s32.msk vm14, v2;
	v13 =	vand.u32 $0xFFF, v17  }
0x8d: {  	[tilespmem:v15+s14+$0x0] =	vst.idx.add.s32.msk vm15, v2;
	v8 =	vshrl.u32 v18, $0x7;
	v18 =	vshrl.u32 v18, $0x13;
	v15 =	vand.u32 $0xFFF, v22  }
0x8e: {  	[tilespmem:v20+s14+$0x0] =	vst.idx.add.s32.msk vm3, v2;
	v17 =	vand.u32 $0xFFF, v24;
	v16 =	vand.u32 $0xFFF, v26;
	v14 =	vand.u32 $0xFFF, v14  }
0x8f: {  	s23 =	simm.s32 $0x8;
	s22 =	simm.s32 $0x800;
	s21 =	simm.s32 $0x8;
	v7 =	vshrl.u32 v12, $0x7;
	v6 =	vshrl.u32 v21, $0x7;
	v12 =	vshrl.u32 v23, $0x7;
	[tilespmem:v25+s14+$0x0] =	vst.idx.add.s32.msk vm7, v2  }
.LBB2_7:
0x90: {  	s24 =	sand.u32 $0x7C00, s22;
	s25 =	sand.u32 $0x380, s23;
	s21 =	sadd.s32 $0x8, s21;
	v11 =	vand.u32 $0xFFF, v11;
	v18 =	vand.u32 $0xFFF, v18;
	v19 =	vand.u32 $0xFFF, v19;
	[tilespmem:v5+s14+$0x0] =	vst.idx.add.s32.msk vm1, v2  }
0x91: {  	v5 =	vand.u32 $0xFFF, v9;
	v7 =	vand.u32 $0xFFF, v7;
	v9 =	vand.u32 $0xFFF, v10;
	s24 =	sor.u32 s25, s24;
	p0 =	slt.u32 s21, $0x7F8;
	[tilespmem:v4+s14+$0x0] =	vst.idx.add.s32.msk vm0, v2  }
0x92: {  	v4 =	vand.u32 $0xFFF, v6;
	v6 =	vand.u32 $0xFFF, v8;
	v8 =	vand.u32 $0xFFF, v12;
	v10 =	vld [tilespmem:s24+$0x8070]  }
0x93: {  	vm6 =	veq.s32 v13, v3;
	vm5 =	veq.s32 v15, v3;
	vm4 =	veq.s32 v17, v3;
	v12 =	vld [tilespmem:s24+$0x8000]  }
0x94: {  	vm3 =	veq.s32 v16, v3;
	vm2 =	veq.s32 v14, v3;
	vm1 =	veq.s32 v18, v3;
	v13 =	vld [tilespmem:s24+$0x8010]  }
0x95: {  	v15 =	vadd.s32 v1, v11;
	v16 =	vadd.s32 v1, v5;
	vm0 =	veq.s32 v19, v3;
	v14 =	vld [tilespmem:s24+$0x8020]  }
0x96: {  	v18 =	vadd.s32 v1, v7;
	v19 =	vadd.s32 v1, v9;
	v20 =	vadd.s32 v1, v4;
	v17 =	vld [tilespmem:s24+$0x8030]  }
0x97: {  	v5 =	vadd.s32 v1, v6;
	v4 =	vadd.s32 v1, v8;
	v21 =	vld [tilespmem:s24+$0x8040];
	v7 =	vshrl.u32 v10, $0x13  }
0x98: {  	v6 =	vshrl.u32 v10, $0x7;
	v8 =	vshrl.u32 v12, $0x13;
	v22 =	vld [tilespmem:s24+$0x8050];
	v7 =	vand.u32 $0xFFF, v7  }
0x99: {  	v6 =	vand.u32 $0xFFF, v6;
	v23 =	vshrl.u32 v13, $0x13;
	v24 =	vld [tilespmem:s24+$0x8060];
	vm7 =	veq.s32 v7, v3  }
0x9a: {  	v11 =	vshrl.u32 v12, $0x7;
	v26 =	vadd.s32 v1, v6;
	v25 =	vshrl.u32 v14, $0x13;
	[tilespmem:v15+s14+$0x0] =	vst.idx.add.s32.msk vm6, v2  }
.Ltmp2:
0x9b: {  	v9 =	vshrl.u32 v13, $0x7;
	v7 =	vshrl.u32 v14, $0x7;
	v14 =	vshrl.u32 v17, $0x13;
	[tilespmem:v16+s14+$0x0] =	vst.idx.add.s32.msk vm5, v2;
	(pc) =	sbr.rel @p0 .LBB2_7-.Ltmp2, $4  }
0x9c: {  	v10 =	vshrl.u32 v17, $0x7;
	v6 =	vshrl.u32 v21, $0x7;
	v21 =	vshrl.u32 v21, $0x13;
	[tilespmem:v18+s14+$0x0] =	vst.idx.add.s32.msk vm4, v2  }
0x9d: {  	v13 =	vand.u32 $0xFFF, v8;
	v8 =	vshrl.u32 v22, $0x7;
	v18 =	vshrl.u32 v22, $0x13;
	[tilespmem:v19+s14+$0x0] =	vst.idx.add.s32.msk vm3, v2  }
0x9e: {  	v15 =	vand.u32 $0xFFF, v23;
	v12 =	vshrl.u32 v24, $0x7;
	v19 =	vshrl.u32 v24, $0x13;
	[tilespmem:v20+s14+$0x0] =	vst.idx.add.s32.msk vm2, v2  }
0x9f: {  	s22 =	sadd.s32 $0x400, s22;
	s23 =	sadd.s32 $0x4, s23;
	v17 =	vand.u32 $0xFFF, v25;
	v16 =	vand.u32 $0xFFF, v14;
	v14 =	vand.u32 $0xFFF, v21;
	[tilespmem:v26+s14+$0x0] =	vst.idx.add.s32.msk vm7, v2  }
0xa0: {  	v11 =	vand.u32 $0xFFF, v11  }
0xa1: {  	v18 =	vand.u32 $0xFFF, v18;
	v19 =	vand.u32 $0xFFF, v19;
	vm2 =	veq.s32 v13, v3  }
0xa2: {  	v9 =	vand.u32 $0xFFF, v9;
	vm3 =	veq.s32 v15, v3;
	v11 =	vadd.s32 v1, v11  }
0xa3: {  	v7 =	vand.u32 $0xFFF, v7;
	vm4 =	veq.s32 v17, v3;
	v9 =	vadd.s32 v1, v9  }
0xa4: {  	v10 =	vand.u32 $0xFFF, v10;
	vm5 =	veq.s32 v16, v3;
	v7 =	vadd.s32 v1, v7  }
0xa5: {  	[tilespmem:v5+s14+$0x0] =	vst.idx.add.s32.msk vm1, v2;
	v5 =	vand.u32 $0xFFF, v6;
	vm14 =	veq.s32 v14, v3;
	v62 =	vadd.s32 v1, v10  }
0xa6: {  	[tilespmem:v4+s14+$0x0] =	vst.idx.add.s32.msk vm0, v2;
	v4 =	vand.u32 $0xFFF, v8;
	vm15 =	veq.s32 v18, v3;
	v5 =	vadd.s32 v1, v5  }
0xa7: {  	v63 =	vand.u32 $0xFFF, v12;
	s20 =	sadd.s32 $0x1, s20;
	vm6 =	veq.s32 v19, v3;
	v4 =	vadd.s32 v1, v4;
	[tilespmem:v11+s14+$0x0] =	vst.idx.add.s32.msk vm2, v2  }
0xa8: {  	v8 =	vadd.s32 v1, v63;
	p0 =	sne.s32 s20, $0x8;
	[tilespmem:v9+s14+$0x0] =	vst.idx.add.s32.msk vm3, v2  }
.Ltmp3:
0xa9: {  	[tilespmem:v7+s14+$0x0] =	vst.idx.add.s32.msk vm4, v2;
	(pc) =	sbr.rel @p0 .LBB2_4-.Ltmp3, $4  }
0xaa: {  	[tilespmem:v62+s14+$0x0] =	vst.idx.add.s32.msk vm5, v2  }
0xab: {  	[tilespmem:v5+s14+$0x0] =	vst.idx.add.s32.msk vm14, v2  }
0xac: {  	[tilespmem:v4+s14+$0x0] =	vst.idx.add.s32.msk vm15, v2  }
0xad: {  	[tilespmem:v8+s14+$0x0] =	vst.idx.add.s32.msk vm6, v2  }
0xae: {  	s19 =	simm.s32 $0x10000  }
0xaf: {  	v3 =	vld [tilespmem:s19+$0x10]  }
0xb0: {  	v4 =	vld [tilespmem:s19+$0x1011]  }
0xb1: {  	v5 =	vld [tilespmem:s19+$0x2012]  }
0xb2: {  	v6 =	vld [tilespmem:s19+$0x3013]  }
0xb3: {  	v7 =	vld [tilespmem:s19+$0x4014]  }
0xb4: {  	v8 =	vld [tilespmem:s19+$0x5015]  }
0xb5: {  	v9 =	vld [tilespmem:s19+$0x6016]  }
0xb6: {  	v10 =	vld [tilespmem:s19+$0x7017]  }
0xb7: {  	v11 =	vld [tilespmem:s19+$0x8018]  }
0xb8: {  	v12 =	vld [tilespmem:s19+$0x9019]  }
0xb9: {  	v13 =	vld [tilespmem:s19+$0xA01A]  }
0xba: {  	v14 =	vld [tilespmem:s19+$0xB01B]  }
0xbb: {  	v15 =	vld [tilespmem:s19+$0xC01C]  }
0xbc: {  	v16 =	vld [tilespmem:s19+$0xD01D]  }
0xbd: {  	v17 =	vld [tilespmem:s19+$0xE01E]  }
0xbe: {  	v3 =	vadd.s32 v3, v4;
	v4 =	vld [tilespmem:s19+$0x1001]  }
0xbf: {  	v3 =	vadd.s32 v5, v3;
	v5 =	vld [tilespmem:s19+$0x0]  }
0xc0: {  	v3 =	vadd.s32 v6, v3;
	v6 =	vld [tilespmem:s19+$0x2002]  }
0xc1: {  	v3 =	vadd.s32 v7, v3;
	v7 =	vld [tilespmem:s19+$0x3003]  }
0xc2: {  	v3 =	vadd.s32 v8, v3;
	v8 =	vld [tilespmem:s19+$0x4004]  }
0xc3: {  	v3 =	vadd.s32 v9, v3;
	v9 =	vld [tilespmem:s19+$0x5005]  }
0xc4: {  	v3 =	vadd.s32 v10, v3;
	v4 =	vadd.s32 v5, v4;
	v5 =	vld [tilespmem:s19+$0x6006]  }
0xc5: {  	v3 =	vadd.s32 v11, v3;
	v4 =	vadd.s32 v6, v4;
	v6 =	vld [tilespmem:s19+$0x7007]  }
0xc6: {  	v3 =	vadd.s32 v12, v3;
	v4 =	vadd.s32 v7, v4;
	v7 =	vld [tilespmem:s19+$0x8008]  }
0xc7: {  	v3 =	vadd.s32 v13, v3;
	v4 =	vadd.s32 v8, v4;
	v8 =	vld [tilespmem:s19+$0x9009]  }
0xc8: {  	v10 =	vadd.s32 v14, v3;
	v4 =	vadd.s32 v9, v4;
	v3 =	vld [tilespmem:s19+$0xA00A]  }
0xc9: {  	v9 =	vadd.s32 v15, v10;
	v5 =	vadd.s32 v5, v4;
	v4 =	vld [tilespmem:s19+$0xB00B]  }
0xca: {  	v9 =	vadd.s32 v16, v9;
	v6 =	vadd.s32 v6, v5;
	v5 =	vld [tilespmem:s19+$0xC00C]  }
0xcb: {  	v9 =	vadd.s32 v17, v9;
	v7 =	vadd.s32 v7, v6;
	v6 =	vld [tilespmem:s19+$0xD00D]  }
0xcc: {  	s20 =	simm.s32 $0x0;
	s21 =	simm.s32 $0x10020;
	[tilespmem:s19+$0x10] =	vst v9;
	v8 =	vadd.s32 v8, v7;
	v7 =	vld [tilespmem:s19+$0xE00E]  }
.LBB2_10:
0xcd: {  	v9 =	vld [tilespmem:s21+$0x10];
	v3 =	vadd.s32 v3, v8  }
0xce: {  	s20 =	sadd.s32 $0x2, s20;
	v8 =	vld [tilespmem:s21+$0x1011];
	v3 =	vadd.s32 v4, v3  }
0xcf: {  	p0 =	slt.u32 s20, $0xFE;
	v4 =	vld [tilespmem:s21+$0x2012];
	v3 =	vadd.s32 v5, v3  }
0xd0: {  	v5 =	vld [tilespmem:s21+$0x3013];
	v3 =	vadd.s32 v6, v3  }
0xd1: {  	v6 =	vld [tilespmem:s21+$0x4014];
	v3 =	vadd.s32 v7, v3  }
0xd2: {  	v7 =	vld [tilespmem:s21+$0x5015];
	[tilespmem:s19+$0x0] =	vst v3;
	s19 =	smov.u32 s21  }
0xd3: {  	v3 =	vadd.s32 v9, v8;
	v8 =	vld [tilespmem:s21+$0x6016]  }
0xd4: {  	v3 =	vadd.s32 v4, v3;
	v4 =	vld [tilespmem:s21+$0x7017]  }
0xd5: {  	v3 =	vadd.s32 v5, v3;
	v5 =	vld [tilespmem:s21+$0x8018]  }
0xd6: {  	v3 =	vadd.s32 v6, v3;
	v6 =	vld [tilespmem:s21+$0x9019]  }
0xd7: {  	v3 =	vadd.s32 v7, v3;
	v7 =	vld [tilespmem:s21+$0xA01A]  }
0xd8: {  	v3 =	vadd.s32 v8, v3;
	v8 =	vld [tilespmem:s21+$0xB01B]  }
0xd9: {  	v3 =	vadd.s32 v4, v3;
	v4 =	vld [tilespmem:s21+$0xC01C]  }
0xda: {  	v3 =	vadd.s32 v5, v3;
	v5 =	vld [tilespmem:s21+$0xD01D]  }
0xdb: {  	v3 =	vadd.s32 v6, v3;
	v6 =	vld [tilespmem:s21+$0xE01E]  }
0xdc: {  	v9 =	vld [tilespmem:s21+$0x1001];
	v3 =	vadd.s32 v7, v3  }
0xdd: {  	v7 =	vld [tilespmem:s21+$0x0];
	v3 =	vadd.s32 v8, v3  }
0xde: {  	v8 =	vld [tilespmem:s21+$0x2002];
	v3 =	vadd.s32 v4, v3  }
0xdf: {  	v4 =	vld [tilespmem:s21+$0x3003];
	v3 =	vadd.s32 v5, v3  }
0xe0: {  	v5 =	vld [tilespmem:s21+$0x4004];
	v3 =	vadd.s32 v6, v3  }
0xe1: {  	v6 =	vld [tilespmem:s21+$0x5005];
	[tilespmem:s21+$0x10] =	vst v3  }
0xe2: {  	v3 =	vadd.s32 v7, v9;
	v7 =	vld [tilespmem:s21+$0x6006]  }
0xe3: {  	v3 =	vadd.s32 v8, v3;
	v8 =	vld [tilespmem:s21+$0x7007]  }
0xe4: {  	v3 =	vadd.s32 v4, v3;
	v9 =	vld [tilespmem:s21+$0x8008]  }
0xe5: {  	v3 =	vadd.s32 v5, v3;
	v10 =	vld [tilespmem:s21+$0x9009]  }
.Ltmp4:
0xe6: {  	v4 =	vadd.s32 v6, v3;
	v3 =	vld [tilespmem:s21+$0xA00A];
	(pc) =	sbr.rel @p0 .LBB2_10-.Ltmp4, $4  }
0xe7: {  	v5 =	vadd.s32 v7, v4;
	v4 =	vld [tilespmem:s21+$0xB00B]  }
0xe8: {  	v6 =	vadd.s32 v8, v5;
	v5 =	vld [tilespmem:s21+$0xC00C]  }
0xe9: {  	v7 =	vadd.s32 v9, v6;
	v6 =	vld [tilespmem:s21+$0xD00D]  }
0xea: {  	s21 =	sadd.s32 $0x20, s21;
	v8 =	vadd.s32 v10, v7;
	v7 =	vld [tilespmem:s19+$0xE00E]  }
0xeb: {  	v3 =	vadd.s32 v3, v8  }
0xec: {  	v3 =	vadd.s32 v4, v3  }
0xed: {  	v3 =	vadd.s32 v5, v3  }
0xee: {  	s18 =	sadd.s32 $0x1, s18;
	v3 =	vadd.s32 v6, v3  }
0xef: {  	p0 =	sne.s32 s18, s9;
	v3 =	vadd.s32 v7, v3  }
.Ltmp5:
0xf0: {  	[tilespmem:s19+$0x0] =	vst v3;
	(pc) =	sbr.rel @p0 .LBB2_1-.Ltmp5, $4  }
0xf1: {  	[hbm4b:s8+s16] =	stream.strided.scatter [tilespmem:s14], [sflag:$0x3], $0x1000, s17, s16, $0x38;
	[tilespmem:$0x1F100] =	vst v63  }
0xf2: {  	_ =	swait.ge [sflag:s11], $0x1000  }
0xf3: {  	[sflag:s11] =	ssyncset.done $0x0  }
0xf4: {  	[sflag:s11] =	ssyncadd.s32 $0xFFFFF000  }
0xf5: {  	_ =	sfence.sel $0x180000  }
0xf6: {  	[bflag:$0x0] =	sbarrier.arrive $0xFFFF  }
0xf7: {  	p0 =	sne.s32 s2, $0x0;
	_ =	strace $0x9000004A  }
0xf8: {  	s0 =	sadd.s32 @!p0 $0x100000, s1;
	[bflag:$0x2] =	sbarrier.arrive $0xFFFF  }
0xf9: {  	[sflag:s0] =	ssyncadd.tile.s32 @!p0 $0x1;
	_ =	shalt  }
.Lfunc_end2:
_tile_overlayer_lowered:
.L_overlay_start_2:
0xfa: {  	(tag) =	ssettag $0x2  }
0xfb: {  	s0 =	rddreg [dreg:$0x0];
	s2 =	stileid.u32  }
0xfc: {  	s1 =	rddreg [dreg:$0x1];
	p0 =	sne.s32 s2, $0x0  }
0xfd: {  	s3 =	rddreg [dreg:$0x2];
	[bflag:$0x3] =	sbarrier.arrive $0xFFFF;
	s2 =	simm.s32 @!p0 $0x1C03  }
0xfe: {  	[timem:s3], [sflag:s2] =	dma.local @!p0 [hbm:s0], s1  }
0xff: {  	s0 =	simm.s32 @!p0 $0x3  }
0x100: {  	_ =	swait.ge @!p0 [sflag:s0], s1  }
0x101: {  	s1 =	ssub.s32 @!p0 $0x0, s1;
	[sflag:s0] =	ssyncset.done @!p0 $0x0  }
0x102: {  	[sflag:s0] =	ssyncadd.s32 @!p0 s1  }
0x103: {  	[bflag:$0x3] =	sbarrier.arrive $0xFFFF  }
0x104: {  	_ =	shalt  }

// kernel: kernel.15.cloned.1.call-start
scs
__scs_entry_jumppad:
0x0: {  	(pc) =	sbr.rel $0x88, $3  }
0x1: {  	(tag) =	ssettag $0x0;
	lr =	simm.s32 $0x1  }
0x2: {  	[smem:$0x3F9F] =	sst lr;
	_ =	strace $0xD0000000  }
0x3: {  	_ = 	snop  }
0x4: {  	_ = 	snop  }
0x5: {  	_ = 	snop  }
0x6: {  	_ = 	snop  }
0x7: {  	_ = 	snop  }
__scs_overlays_trampoline_lowered:
0x8: {  	[smem:$0x3FAE] =	sst s0  }
0x9: {  	[smem:$0x3FAF] =	sst s1  }
0xa: {  	[smem:$0x3FB0] =	sst s2  }
0xb: {  	[smem:$0x3FB1] =	sst s3  }
0xc: {  	[smem:$0x3FB2] =	sst s4  }
0xd: {  	[smem:$0x3FB3] =	sst s5  }
0xe: {  	[smem:$0x3FB4] =	sst s6  }
0xf: {  	[smem:$0x3FB5] =	sst s7  }
0x10: {  	[smem:$0x3FB6] =	sst s8  }
0x11: {  	[smem:$0x3FB7] =	sst s9;
	s0 =	simm.s32 @!p0 $0x0  }
0x12: {  	s1 =	sld [smem:$0x3F9D];
	s0 =	simm.s32 @p0 $0x1  }
0x13: {  	[smem:$0x3FB8] =	sst s0;
	s0 =	simm.s32 @!p1 $0x0  }
0x14: {  	s2 =	sld [smem:$0x3F9C];
	s0 =	simm.s32 @p1 $0x1  }
0x15: {  	[smem:$0x3FB9] =	sst s0;
	s0 =	simm.s32 @!p2 $0x0  }
0x16: {  	s3 =	sld [smem:$0x3FDB];
	s0 =	simm.s32 @p2 $0x1  }
0x17: {  	s4 =	simm.s32 $0x1BF5;
	[smem:$0x3FBB] =	sst s0  }
0x18: {  	s0 =	sld [smem:$0x3F9E];
	_ =	swait.ge [sflag:s4], $0x0  }
0x19: {  	s7 =	sld [smem:$0x3F9F]  }
0x1a: {  	s8 =	sadd.s32 $0xFFFFE003, lr  }
0x1b: {  	s9 =	sadd.s32 $0xFFFFFEF7, lr;
	s5 =	simm.s32 $0xFFFFFFFF;
	p2 =	slt.u32 s8, $0xFFFFF086  }
0x1c: {  	p1 =	slt.u32 s9, $0xF7A;
	s5 =	simm.s32 @!p2 $0x0  }
0x1d: {  	s5 =	simm.s32 @p1 $0x1;
	p0 =	seq.s32 s7, s2  }
0x1e: {  	s7 =	smul.u32 @!p0 $0xF7A, s2;
	p2 =	seq.s32 @!p0 s5, $0x0  }
0x1f: {  	s9 =	smul.u32 $0xF7A, s1;
	s8 =	simm.s32 @!p0 $0x1BF5;
	p2 =	por !p2, p0  }
0x20: {  	[sflag:s8] =	ssyncset.s32 @!p0 $0xFFFFF086;
	s6 =	sadd.s32 @!p0 s3, s7;
	s7 =	simm.s32 @!p0 $0x108  }
0x21: {  	s3 =	sadd.s32 s3, s9;
	s6 =	sadd.s32 @!p0 $0x88, s6;
	s7 =	simm.s32 @p2 $0x1082  }
0x22: {  	[simem:s7], [sflag:s8] =	dma.local @!p0 [hbm:s6], $0xF7A  }
0x23: {  	s9 =	sor.u32 $0xD0000000, s2;
	s6 =	simm.s32 $0x108;
	_ =	swait.ge @!p0 [sflag:s8], $0x0  }
0x24: {  	s3 =	sadd.s32 $0x88, s3;
	s6 =	simm.s32 @!p1 $0x1082;
	[sflag:s4] =	ssyncset.s32 $0xFFFFF086  }
0x25: {  	[simem:s6], [sflag:s4] =	dma.local [hbm:s3], $0xF7A  }
0x26: {  	[smem:$0x3F9F] =	sst s1;
	(tag) =	ssettag s2;
	_ =	strace s9  }
0x27: {  	s1 =	sld [smem:$0x3FAF]  }
0x28: {  	s2 =	sld [smem:$0x3FB0]  }
0x29: {  	s4 =	sld [smem:$0x3FB2]  }
0x2a: {  	p0 =	seq.s32 s5, $0x0;
	s5 =	sld [smem:$0x3FB3]  }
0x2b: {  	s6 =	sld [smem:$0x3FB4]  }
0x2c: {  	s7 =	sld [smem:$0x3FB5]  }
0x2d: {  	s3 =	simm.s32 $0x108;
	s8 =	sld [smem:$0x3FB6]  }
0x2e: {  	s3 =	simm.s32 @!p0 $0x1082;
	s9 =	sld [smem:$0x3FB7]  }
0x2f: {  	lr =	sadd.s32 s0, s3;
	s0 =	sld [smem:$0x3FAE]  }
0x30: {  	s3 =	sld [smem:$0x3FB1]  }
0x31: {  	[smem:$0x3FBA] =	sst s10  }
0x32: {  	s10 =	sld [smem:$0x3FB8];
	_ =	sdelay $0x3  }
0x33: {  	p0 =	seq.s32 s10, $0x1;
	s10 =	sld [smem:$0x3FBA];
	_ =	sdelay $0x3  }
0x34: {  	[smem:$0x3FBA] =	sst s10  }
0x35: {  	s10 =	sld [smem:$0x3FB9];
	_ =	sdelay $0x3  }
0x36: {  	p1 =	seq.s32 s10, $0x1;
	s10 =	sld [smem:$0x3FBA];
	_ =	sdelay $0x3  }
0x37: {  	[smem:$0x3FBA] =	sst s10  }
0x38: {  	s10 =	sld [smem:$0x3FBB]  }
0x39: {  	_ = 	snop;
	(pc) =	sbr.ind lr, $3  }
0x3a: {  	_ = 	snop  }
0x3b: {  	_ = 	snop  }
0x3c: {  	p2 =	seq.s32 s10, $0x1;
	s10 =	sld [smem:$0x3FBA]  }
0x3d: {  	_ =	shalt  }
0x3e: {  	_ =	shalt  }
0x3f: {  	_ =	shalt  }
0x40: {  	_ =	shalt  }
0x41: {  	_ =	shalt  }
0x42: {  	_ =	shalt  }
0x43: {  	_ =	shalt  }
0x44: {  	_ =	shalt  }
0x45: {  	_ =	shalt  }
0x46: {  	_ =	shalt  }
0x47: {  	_ =	shalt  }
0x48: {  	_ =	shalt  }
0x49: {  	_ =	shalt  }
0x4a: {  	_ =	shalt  }
0x4b: {  	_ =	shalt  }
0x4c: {  	_ =	shalt  }
0x4d: {  	_ =	shalt  }
0x4e: {  	_ =	shalt  }
0x4f: {  	_ =	shalt  }
0x50: {  	_ =	shalt  }
0x51: {  	_ =	shalt  }
0x52: {  	_ =	shalt  }
0x53: {  	_ =	shalt  }
0x54: {  	_ =	shalt  }
0x55: {  	_ =	shalt  }
0x56: {  	_ =	shalt  }
0x57: {  	_ =	shalt  }
0x58: {  	_ =	shalt  }
0x59: {  	_ =	shalt  }
0x5a: {  	_ =	shalt  }
0x5b: {  	_ =	shalt  }
0x5c: {  	_ =	shalt  }
0x5d: {  	_ =	shalt  }
0x5e: {  	_ =	shalt  }
0x5f: {  	_ =	shalt  }
0x60: {  	_ =	shalt  }
0x61: {  	_ =	shalt  }
0x62: {  	_ =	shalt  }
0x63: {  	_ =	shalt  }
0x64: {  	_ =	shalt  }
0x65: {  	_ =	shalt  }
0x66: {  	_ =	shalt  }
0x67: {  	_ =	shalt  }
0x68: {  	_ =	shalt  }
0x69: {  	_ =	shalt  }
0x6a: {  	_ =	shalt  }
0x6b: {  	_ =	shalt  }
0x6c: {  	_ =	shalt  }
0x6d: {  	_ =	shalt  }
0x6e: {  	_ =	shalt  }
0x6f: {  	_ =	shalt  }
0x70: {  	_ =	shalt  }
0x71: {  	_ =	shalt  }
0x72: {  	_ =	shalt  }
0x73: {  	_ =	shalt  }
0x74: {  	_ =	shalt  }
0x75: {  	_ =	shalt  }
0x76: {  	_ =	shalt  }
0x77: {  	_ =	shalt  }
0x78: {  	_ =	shalt  }
0x79: {  	_ =	shalt  }
0x7a: {  	_ =	shalt  }
0x7b: {  	_ =	shalt  }
0x7c: {  	_ =	shalt  }
0x7d: {  	_ =	shalt  }
0x7e: {  	_ =	shalt  }
0x7f: {  	_ =	shalt  }
0x80: {  	_ =	shalt  }
0x81: {  	_ =	shalt  }
0x82: {  	_ =	shalt  }
0x83: {  	_ =	shalt  }
0x84: {  	_ =	shalt  }
0x85: {  	_ =	shalt  }
0x86: {  	_ =	shalt  }
0x87: {  	_ =	shalt  }
.Lfunc_end0:
.L_simem_size_0:
called_computation.2_lowered:
.L_overlay_start_0:
0x88: {  	s2 =	sld [smem:$0x3FD9]  }
0x89: {  	s3 =	sld [smem:$0x3FFE];
	_ =	sdelay $0x1  }
0x8a: {  	s1 =	srdreg.scid  }
0x8b: {  	s0 =	sand.u32 $0x1, s1  }
0x8c: {  	s17 =	sshll.u32 s0, $0xA;
	s2 =	sadd.s32 s3, s2  }
0x8d: {  	s2 =	sadd.s32 s2, s17  }
0x8e: {  	[smem:$0x3FC6] =	sst s2  }
0x8f: {  	_ = 	snop  }
0x90: {  	s2 =	sld [smem:$0x3FC9]  }
0x91: {  	s18 =	sld [smem:$0x3FD0];
	(tm) =	ssettm $0x1  }
0x92: {  	s4 =	sld [smem:$0x3FFB];
	_ =	sdelay $0x3  }
0x93: {  	_ =	strace s4  }
0x94: {  	s4 =	sld [smem:$0x3FFC];
	_ =	sdelay $0x3  }
0x95: {  	_ =	strace s4  }
0x96: {  	s4 =	sld [smem:$0x3FFD];
	_ =	sdelay $0x3  }
0x97: {  	_ =	strace s4  }
0x98: {  	_ =	strace $0x8FFFFFFF  }
0x99: {  	s19 =	sld [smem:$0x3FDB];
	_ =	sdelay $0x1  }
0x9a: {  	s5 =	simm.s32 $_scs_section_size  }
0x9b: {  	s6 =	simm.s32 $_size__tile_overlayer_lowered;
	s7 =	simm.s32 $_tile_overlayer_lowered  }
0x9c: {  	s22 =	simm.s32 $0x1BFF;
	s21 =	sshll.u32 s7, $0x1;
	s4 =	sadd.s32 s5, s19  }
0x9d: {  	s8 =	simm.s32 $0x0;
	s20 =	sshll.u32 s6, $0x1;
	s6 =	sadd.s32 s21, s4  }
0x9e: {  	[timem:s8], [sflag:s22] =	dma.local [hbm:s6], s20  }
0x9f: {  	_ =	swait.ge [sflag:s22], s20  }
0xa0: {  	s5 =	ssub.s32 $0x0, s20;
	[sflag:s22] =	ssyncset.done $0x0  }
0xa1: {  	[sflag:s22] =	ssyncadd.s32 s5;
	_ =	sdelay $0x1  }
0xa2: {  	s23 =	simm.s32 $0x1B8B  }
0xa3: {  	_ =	swait.ge [sflag:s23], $0x1  }
0xa4: {  	[sflag:s23] =	ssyncset.done $0x0  }
0xa5: {  	s25 =	simm.s32 $0x1B8E;
	s24 =	sld [smem:$0x3FFE];
	[sflag:s23] =	ssyncadd.s32 $0xFFFFFFFF  }
0xa6: {  	s26 =	simm.s32 $execute0_lowered;
	[smem:$0x3FD2] =	sst s25  }
0xa7: {  	s6 =	sshll.u32 s26, $0x1;
	_ =	strace $0x8000004C;
	[dreg:$0x1] =	wrdreg $0xFFFFFFFF  }
0xa8: {  	s28 =	simm.s32 $_size_execute0_lowered;
	s4 =	sadd.s32 s4, s6;
	[dreg:$0x0] =	wrdreg $0x0  }
0xa9: {  	s6 =	sshll.u32 s28, $0x1;
	[dreg:$0x2] =	wrdreg s4  }
0xaa: {  	[dreg:$0x3] =	wrdreg s6  }
0xab: {  	[dreg:$0x4] =	wrdreg $0xC0  }
0xac: {  	_ =	task [dreg:s8], $0x5FFFF  }
0xad: {  	[dreg:$0x1] =	wrdreg $0xFFFFFFFF  }
0xae: {  	[dreg:$0x0] =	wrdreg $0x60  }
0xaf: {  	[dreg:$0x2] =	wrdreg s2  }
0xb0: {  	[dreg:$0x3] =	wrdreg s24  }
0xb1: {  	[dreg:$0x4] =	wrdreg s18  }
0xb2: {  	[dreg:$0x5] =	wrdreg $0x9  }
0xb3: {  	_ =	task.clear_ibuf [dreg:s8], $0x6FFFF;
	_ =	strace $0x9000004C  }
0xb4: {  	s29 =	simm.s32 $0x9;
	_ =	strace $0x8000004E  }
0xb5: {  	_ =	swait.ge [sflag:s29], $0x1  }
0xb6: {  	[sflag:s29] =	ssyncadd.s32 $0xFFFFFFFF  }
0xb7: {  	_ =	strace $0x9000004E  }
0xb8: {  	_ =	sfence  }
0xb9: {  	s30 =	sld [smem:$0x0];
	_ =	sdelay $0x2  }
0xba: {  	s31 =	sshll.u32 s1, $0xD;
	s1 =	sshrl.u32 s1, $0x2  }
0xbb: {  	s3 =	sand.u32 $0x4000, s31;
	s1 =	sadd.s32 s1, s30  }
0xbc: {  	s0 =	sor.u32 s3, s0;
	s1 =	sshll.u32 s1, $0x11  }
0xbd: {  	s0 =	sor.u32 s1, s0  }
0xbe: {  	s0 =	sadd.s32 $0x8F2B, s0  }
0xbf: {  	[sflag:s0] =	ssyncadd.remote.s32 $0x1  }
0xc0: {  	_ =	sfence.sel $0xFFFF  }
0xc1: {  	[dreg:$0x0] =	wrdreg $0xFFFFFFFF;
	(pc) =	sbr.abs _section_cstart, $3  }
0xc2: {  	[dreg:$0x1] =	wrdreg $0xFFFFFFFF  }
0xc3: {  	_ =	task.clear_ibuf [dreg:s8], $0x2FFFF;
	_ =	strace $0x9FFFFFFF  }
0xc4: {  	(tm) =	ssettm $0x7FFFFFFF  }
0xc5: {  	_ =	shalt  }
tec
execute0_lowered:
.L_overlay_start_1:
0x0: {  	(tag) =	ssettag $0x1  }
0x1: {  	v0 =	vimm.s32 $0x70E;
	vm0 =	vcmask $0x300  }
0x2: {  	vm15 =	vcmask $0x704;
	v0 =	vsel vm0, $0x0, v0  }
0x3: {  	vm4 =	vcmask $0xB08;
	v0 =	vsel vm15, $0x81, v0  }
0x4: {  	s0 =	rddreg [dreg:$0x0];
	vm5 =	vcmask $0xF0C;
	v0 =	vsel vm4, $0x102, v0  }
0x5: {  	s4 =	rddreg [dreg:$0x1];
	vm6 =	vcmask $0x1310;
	v0 =	vsel vm5, $0x183, v0  }
0x6: {  	s8 =	rddreg [dreg:$0x2];
	vm7 =	vcmask $0x1714;
	v0 =	vsel vm6, $0x204, v0  }
0x7: {  	s1 =	rddreg [dreg:$0x3];
	s2 =	simm.s32 $0x0;
	s5 =	srdreg.scid;
	vm8 =	vcmask $0x1B18;
	v0 =	vsel vm7, $0x285, v0  }
0x8: {  	s3 =	stileid.u32;
	vm9 =	vcmask $0x1F1C;
	s11 =	simm.s32 $0x3;
	s12 =	simm.s32 $0x8000;
	v0 =	vsel vm8, $0x306, v0  }
0x9: {  	vm10 =	vcmask $0x2320;
	s13 =	simm.s32 $0x1;
	s14 =	simm.s32 $0x10000;
	s15 =	simm.s32 $0x2;
	v0 =	vsel vm9, $0x387, v0  }
0xa: {  	vm11 =	vcmask $0x2724;
	s16 =	simm.s32 $0x0;
	[smem:$0x7FF] =	sst s2;
	s5 =	sand.u32 $0x1, s5;
	v0 =	vsel vm10, $0x408, v0  }
0xb: {  	vm12 =	vcmask $0x2B28;
	s7 =	sshll.u32 s3, $0x1;
	s4 =	sadd.s32 $0x1600, s4;
	s6 =	ssub.s32 $0x2, s5;
	v0 =	vsel vm11, $0x489, v0  }
0xc: {  	vm13 =	vcmask $0x2F2C;
	_ =	strace $0x8000004D;
	s10 =	sor.u32 s5, s7;
	s9 =	sshrl.u32 s6, $0x1;
	v0 =	vsel vm12, $0x50A, v0  }
0xd: {  	vm14 =	vcmask $0x3330;
	s5 =	sshll.u32 s10, $0x7;
	s31 =	sshll.u32 s10, $0x10;
	s10 =	sshll.u32 s10, $0x4;
	v0 =	vsel vm13, $0x58B, v0  }
0xe: {  	vm15 =	vcmask $0x3734;
	s9 =	ssub.s32 s6, s9;
	s6 =	sadd.s32 s0, s31;
	s7 =	sor.u32 $0x10, s5;
	v1 =	vsel vm14, $0x60C, v0  }
0xf: {  	v2 =	vimm.s32 $0x1;
	s8 =	sadd.s32 s8, s10;
	s10 =	simm.s32 $0x10800;
	s9 =	smax.u32 s9, $0x1;
	v0 =	vimm.s32 $0x0;
	v1 =	vsel vm15, $0x68D, v1  }
.LBB2_1:
0x10: {  	[tilespmem:s2], [sflag:$0x1] =	stream.linear.gather [hbm4b:s6+s2], $0x8000, $0x38;
	[tilespmem:$0x10880] =	vst v63  }
0x11: {  	s17 =	simm.s32 $0x10040  }
0x12: {  	[tilespmem:s17+$0xFFFFFFC0] =	vst v0  }
0x13: {  	[tilespmem:s17+$0x30] =	vst v0  }
0x14: {  	[tilespmem:s17+$0x20] =	vst v0  }
0x15: {  	[tilespmem:s17+$0x10] =	vst v0  }
0x16: {  	[tilespmem:s17+$0x0] =	vst v0  }
0x17: {  	[tilespmem:s17+$0xFFFFFFF0] =	vst v0  }
0x18: {  	s18 =	simm.s32 $0x0;
	[tilespmem:s17+$0xFFFFFFE0] =	vst v0  }
.LBB2_2:
0x19: {  	s18 =	sadd.s32 $0x8, s18;
	[tilespmem:s17+$0xFFFFFFD0] =	vst v0;
	s17 =	sadd.s32 $0x80, s17  }
0x1a: {  	[tilespmem:s17+$0xFFFFFFC0] =	vst v0;
	p0 =	slt.u32 s18, $0x70  }
0x1b: {  	[tilespmem:s17+$0x30] =	vst v0  }
.Ltmp0:
0x1c: {  	[tilespmem:s17+$0x20] =	vst v0;
	(pc) =	sbr.rel @p0 .LBB2_2-.Ltmp0, $4  }
0x1d: {  	[tilespmem:s17+$0x10] =	vst v0  }
0x1e: {  	[tilespmem:s17+$0x0] =	vst v0  }
0x1f: {  	[tilespmem:s17+$0xFFFFFFF0] =	vst v0  }
0x20: {  	[tilespmem:s17+$0xFFFFFFE0] =	vst v0  }
0x21: {  	[tilespmem:s17+$0xFFFFFFD0] =	vst v0  }
0x22: {  	s17 =	simm.s32 $0x0;
	[tilespmem:$0x10780] =	vst v0  }
0x23: {  	[tilespmem:s10], [sflag:$0x3] =	stream.linear.gather [hbm4b:s4+s17], $0x10, $0x38;
	[tilespmem:$0x10880] =	vst v63  }
0x24: {  	_ =	swait.ge [sflag:s11], $0x10  }
0x25: {  	[sflag:s11] =	ssyncset.done $0x0  }
0x26: {  	[sflag:s11] =	ssyncadd.s32 $0xFFFFFFF0  }
0x27: {  	v3 =	vld [tilespmem:$0x10800];
	_ =	sdelay $0x3  }
0x28: {  	s18 =	simm.s32 $0x0  }
.LBB2_4:
0x29: {  	s19 =	sshll.u32 s18, $0x4  }
0x2a: {  	s20 =	sadd.s32 s19, s5  }
0x2b: {  	s20 =	sshll.u32 s20, $0x9  }
0x2c: {  	s20 =	sadd.s32 s0, s20  }
0x2d: {  	s20 =	sadd.s32 $0x1000, s20  }
0x2e: {  	[tilespmem:s12], [sflag:$0x2] =	stream.linear.gather [hbm4b:s20+s17], $0x8000, $0x38;
	[tilespmem:$0x10880] =	vst v63  }
0x2f: {  	_ =	swait.ge [sflag:s13], $0x8000  }
0x30: {  	s29 =	sand.u32 $0x7C00, s17;
	s21 =	sand.u32 $0x380, s17;
	[sflag:s13] =	ssyncset.done $0x0  }
0x31: {  	s20 =	sor.u32 s21, s29;
	[sflag:s13] =	ssyncadd.s32 $0xFFFF8000  }
0x32: {  	v4 =	vld [tilespmem:s20+$0x50]  }
0x33: {  	v5 =	vld [tilespmem:s20+$0x40]  }
0x34: {  	v6 =	vld [tilespmem:s20+$0x30]  }
0x35: {  	v13 =	vld [tilespmem:s20+$0x60];
	_ =	sdelay $0x1  }
0x36: {  	v8 =	vld [tilespmem:s20+$0x0];
	v7 =	vshrl.u32 v4, $0x7  }
0x37: {  	v9 =	vld [tilespmem:s20+$0x10];
	v4 =	vand.u32 $0x7F, v4;
	v10 =	vshrl.u32 v5, $0x7;
	v7 =	vand.u32 $0xFFFFFF, v7  }
0x38: {  	v11 =	vand.u32 $0x7F, v6;
	v6 =	vshrl.u32 v6, $0x7;
	vm0 =	veq.s32 v7, v3;
	v7 =	vld [tilespmem:s20+$0x20]  }
0x39: {  	s30 =	simm.s32 $0x400;
	s22 =	simm.s32 $0x4;
	v12 =	vld [tilespmem:s20+$0x70];
	v5 =	vand.u32 $0x7F, v5;
	v16 =	vand.u32 $0x7F, v13;
	v4 =	vadd.s32 v1, v4  }
0x3a: {  	s22 =	sand.u32 $0x380, s22;
	s21 =	sand.u32 $0x7C00, s30;
	v10 =	vand.u32 $0xFFFFFF, v10;
	v6 =	vand.u32 $0xFFFFFF, v6;
	v5 =	vadd.s32 v1, v5  }
0x3b: {  	s31 =	sor.u32 s22, s21;
	v11 =	vadd.s32 v1, v11;
	vm2 =	veq.s32 v10, v3;
	v10 =	vshrl.u32 v8, $0x7  }
0x3c: {  	v15 =	vld [tilespmem:s31+$0x0];
	vm3 =	veq.s32 v6, v3;
	v6 =	vand.u32 $0x7F, v8;
	v8 =	vand.u32 $0xFFFFFF, v10  }
0x3d: {  	v10 =	vld [tilespmem:s31+$0x50];
	vm1 =	veq.s32 v8, v3;
	v8 =	vand.u32 $0x7F, v9;
	v14 =	vshrl.u32 v7, $0x7  }
0x3e: {  	v9 =	vshrl.u32 v9, $0x7;
	[tilespmem:v4+s14+$0x0] =	vst.idx.add.s32.msk vm0, v2;
	v4 =	vand.u32 $0xFFFFFF, v14;
	v14 =	vshrl.u32 v12, $0x7  }
0x3f: {  	vm0 =	veq.s32 v4, v3;
	v4 =	vand.u32 $0x7F, v7;
	v7 =	vand.u32 $0xFFFFFF, v14;
	v14 =	vld [tilespmem:s31+$0x30]  }
0x40: {  	v18 =	vld [tilespmem:s31+$0x40];
	v12 =	vand.u32 $0x7F, v12;
	vm4 =	veq.s32 v7, v3;
	v7 =	vadd.s32 v1, v6  }
0x41: {  	v9 =	vand.u32 $0xFFFFFF, v9;
	[tilespmem:v5+s14+$0x0] =	vst.idx.add.s32.msk vm2, v2;
	v5 =	vshrl.u32 v13, $0x7;
	v13 =	vadd.s32 v1, v12  }
0x42: {  	v19 =	vadd.s32 v1, v8;
	vm5 =	veq.s32 v9, v3;
	[tilespmem:v11+s14+$0x0] =	vst.idx.add.s32.msk vm3, v2  }
0x43: {  	v11 =	vld [tilespmem:s31+$0x10];
	v17 =	vand.u32 $0x7F, v10;
	v4 =	vadd.s32 v1, v4;
	v6 =	vand.u32 $0xFFFFFF, v5  }
0x44: {  	vm2 =	veq.s32 v6, v3;
	v6 =	vld [tilespmem:s31+$0x20];
	v9 =	vshrl.u32 v14, $0x7;
	v8 =	vand.u32 $0x7F, v14  }
0x45: {  	v14 =	vadd.s32 v1, v16;
	v12 =	vand.u32 $0xFFFFFF, v9;
	v9 =	vshrl.u32 v10, $0x7;
	[tilespmem:v7+s14+$0x0] =	vst.idx.add.s32.msk vm1, v2  }
0x46: {  	v5 =	vand.u32 $0x7F, v15;
	v16 =	vshrl.u32 v18, $0x7;
	v10 =	vand.u32 $0xFFFFFF, v9;
	[tilespmem:v13+s14+$0x0] =	vst.idx.add.s32.msk vm4, v2  }
0x47: {  	v7 =	vshrl.u32 v15, $0x7;
	v15 =	vand.u32 $0x7F, v18;
	v13 =	vld [tilespmem:s31+$0x70];
	vm3 =	veq.s32 v10, v3  }
0x48: {  	v16 =	vand.u32 $0xFFFFFF, v16;
	v7 =	vand.u32 $0xFFFFFF, v7;
	v9 =	vadd.s32 v1, v17;
	v10 =	vld [tilespmem:s31+$0x60]  }
0x49: {  	s21 =	simm.s32 $0x800;
	s22 =	simm.s32 $0x8;
	s20 =	simm.s32 $0x8;
	[tilespmem:v19+s14+$0x0] =	vst.idx.add.s32.msk vm5, v2;
	vm1 =	veq.s32 v7, v3;
	v7 =	vand.u32 $0x7F, v11;
	v11 =	vshrl.u32 v11, $0x7  }
.LBB2_5:
0x4a: {  	s23 =	sand.u32 $0x7C00, s21;
	s24 =	sand.u32 $0x380, s22;
	s20 =	sadd.s32 $0x8, s20;
	v17 =	vshrl.u32 v6, $0x7;
	vm4 =	veq.s32 v16, v3;
	[tilespmem:v14+s14+$0x0] =	vst.idx.add.s32.msk vm2, v2  }
0x4b: {  	vm2 =	veq.s32 v12, v3;
	v12 =	vadd.s32 v1, v15;
	s23 =	sor.u32 s24, s23;
	p0 =	slt.u32 s20, $0x7F8;
	v14 =	vand.u32 $0xFFFFFF, v17;
	[tilespmem:v4+s14+$0x0] =	vst.idx.add.s32.msk vm0, v2  }
0x4c: {  	v8 =	vadd.s32 v1, v8;
	v15 =	vld [tilespmem:s23+$0x50];
	vm0 =	veq.s32 v14, v3;
	v4 =	vshrl.u32 v13, $0x7  }
0x4d: {  	v6 =	vand.u32 $0x7F, v6;
	[tilespmem:v9+s14+$0x0] =	vst.idx.add.s32.msk vm3, v2;
	v9 =	vand.u32 $0x7F, v10;
	v14 =	vand.u32 $0xFFFFFF, v4  }
0x4e: {  	v4 =	vadd.s32 v1, v6;
	v6 =	vand.u32 $0x7F, v13;
	v16 =	vld [tilespmem:s23+$0x0];
	vm3 =	veq.s32 v14, v3  }
0x4f: {  	v10 =	vshrl.u32 v10, $0x7;
	v17 =	vadd.s32 v1, v6;
	v13 =	vld [tilespmem:s23+$0x30]  }
0x50: {  	v14 =	vadd.s32 v1, v5;
	v6 =	vand.u32 $0xFFFFFF, v10;
	[tilespmem:v12+s14+$0x0] =	vst.idx.add.s32.msk vm4, v2  }
0x51: {  	v10 =	vand.u32 $0x7F, v15;
	[tilespmem:v8+s14+$0x0] =	vst.idx.add.s32.msk vm2, v2  }
0x52: {  	v8 =	vand.u32 $0xFFFFFF, v11;
	v18 =	vld [tilespmem:s23+$0x10]  }
0x53: {  	vm2 =	veq.s32 v6, v3;
	vm4 =	veq.s32 v8, v3;
	v5 =	vand.u32 $0x7F, v16;
	v11 =	vld [tilespmem:s23+$0x40]  }
0x54: {  	v19 =	vadd.s32 v1, v7;
	v6 =	vld [tilespmem:s23+$0x20];
	v8 =	vand.u32 $0x7F, v13;
	v12 =	vshrl.u32 v13, $0x7  }
.Ltmp1:
0x55: {  	v7 =	vshrl.u32 v15, $0x7;
	v12 =	vand.u32 $0xFFFFFF, v12;
	[tilespmem:v14+s14+$0x0] =	vst.idx.add.s32.msk vm1, v2;
	v14 =	vadd.s32 v1, v9;
	(pc) =	sbr.rel @p0 .LBB2_5-.Ltmp1, $4  }
0x56: {  	v7 =	vand.u32 $0xFFFFFF, v7;
	v9 =	vshrl.u32 v16, $0x7;
	[tilespmem:v17+s14+$0x0] =	vst.idx.add.s32.msk vm3, v2  }
0x57: {  	v15 =	vand.u32 $0xFFFFFF, v9;
	v9 =	vadd.s32 v1, v10;
	vm3 =	veq.s32 v7, v3;
	v13 =	vld [tilespmem:s23+$0x70]  }
0x58: {  	vm1 =	veq.s32 v15, v3;
	v15 =	vand.u32 $0x7F, v11;
	v16 =	vshrl.u32 v11, $0x7;
	v10 =	vld [tilespmem:s23+$0x60]  }
0x59: {  	s21 =	sadd.s32 $0x400, s21;
	s22 =	sadd.s32 $0x4, s22;
	v7 =	vand.u32 $0x7F, v18;
	v11 =	vshrl.u32 v18, $0x7;
	v16 =	vand.u32 $0xFFFFFF, v16;
	[tilespmem:v19+s14+$0x0] =	vst.idx.add.s32.msk vm4, v2  }
0x5a: {  	_ =	sdelay $0x1  }
0x5b: {  	v17 =	vshrl.u32 v6, $0x7;
	vm4 =	veq.s32 v16, v3  }
0x5c: {  	vm5 =	veq.s32 v12, v3;
	v12 =	vadd.s32 v1, v15;
	v8 =	vadd.s32 v1, v8  }
0x5d: {  	v5 =	vadd.s32 v1, v5;
	v11 =	vand.u32 $0xFFFFFF, v11;
	v7 =	vadd.s32 v1, v7  }
0x5e: {  	[tilespmem:v4+s14+$0x0] =	vst.idx.add.s32.msk vm0, v2;
	v6 =	vand.u32 $0x7F, v6;
	v16 =	vand.u32 $0xFFFFFF, v17;
	vm0 =	veq.s32 v11, v3  }
0x5f: {  	[tilespmem:v14+s14+$0x0] =	vst.idx.add.s32.msk vm2, v2;
	v6 =	vadd.s32 v1, v6;
	v17 =	vshrl.u32 v13, $0x7;
	v13 =	vand.u32 $0x7F, v13  }
0x60: {  	[tilespmem:v9+s14+$0x0] =	vst.idx.add.s32.msk vm3, v2;
	vm3 =	veq.s32 v16, v3;
	v15 =	vand.u32 $0xFFFFFF, v17;
	v14 =	vshrl.u32 v10, $0x7  }
0x61: {  	v4 =	vadd.s32 v1, v13;
	vm6 =	veq.s32 v15, v3;
	v13 =	vand.u32 $0xFFFFFF, v14  }
0x62: {  	v9 =	vand.u32 $0x7F, v10;
	vm2 =	veq.s32 v13, v3;
	[tilespmem:v5+s14+$0x0] =	vst.idx.add.s32.msk vm1, v2  }
0x63: {  	v9 =	vadd.s32 v1, v9;
	[tilespmem:v12+s14+$0x0] =	vst.idx.add.s32.msk vm4, v2  }
0x64: {  	[tilespmem:v8+s14+$0x0] =	vst.idx.add.s32.msk vm5, v2  }
0x65: {  	p0 =	seq.s32 s18, $0x7;
	[tilespmem:v7+s14+$0x0] =	vst.idx.add.s32.msk vm0, v2  }
0x66: {  	s19 =	sadd.s32 @!p0 s19, s7;
	[tilespmem:v6+s14+$0x0] =	vst.idx.add.s32.msk vm3, v2  }
0x67: {  	s19 =	sshll.u32 @!p0 s19, $0x9;
	[tilespmem:v4+s14+$0x0] =	vst.idx.add.s32.msk vm6, v2  }
0x68: {  	s20 =	simm.s32 @!p0 $0x0;
	s19 =	sadd.s32 @!p0 s0, s19;
	[tilespmem:v9+s14+$0x0] =	vst.idx.add.s32.msk vm2, v2  }
0x69: {  	[tilespmem:s20], [sflag:$0x1] =	stream.linear.gather @!p0 [hbm4b:s19+s20], $0x8000, $0x38;
	[tilespmem:$0x10880] =	vst v63  }
0x6a: {  	s28 =	simm.s32 $0x0;
	_ =	swait.ge [sflag:s15], $0x8000  }
0x6b: {  	s29 =	sand.u32 $0x7C00, s28;
	s19 =	sand.u32 $0x380, s28;
	[sflag:s15] =	ssyncset.done $0x0  }
0x6c: {  	s19 =	sor.u32 s19, s29;
	[sflag:s15] =	ssyncadd.s32 $0xFFFF8000  }
0x6d: {  	v4 =	vld [tilespmem:s19+$0x8050]  }
0x6e: {  	v5 =	vld [tilespmem:s19+$0x8040]  }
0x6f: {  	v6 =	vld [tilespmem:s19+$0x8030]  }
0x70: {  	v13 =	vld [tilespmem:s19+$0x8060];
	_ =	sdelay $0x1  }
0x71: {  	v8 =	vld [tilespmem:s19+$0x8000];
	v7 =	vshrl.u32 v4, $0x7  }
0x72: {  	v9 =	vld [tilespmem:s19+$0x8010];
	v4 =	vand.u32 $0x7F, v4;
	v10 =	vshrl.u32 v5, $0x7;
	v7 =	vand.u32 $0xFFFFFF, v7  }
0x73: {  	v11 =	vand.u32 $0x7F, v6;
	v6 =	vshrl.u32 v6, $0x7;
	vm0 =	veq.s32 v7, v3;
	v7 =	vld [tilespmem:s19+$0x8020]  }
0x74: {  	s30 =	simm.s32 $0x400;
	s21 =	simm.s32 $0x4;
	v12 =	vld [tilespmem:s19+$0x8070];
	v5 =	vand.u32 $0x7F, v5;
	v16 =	vand.u32 $0x7F, v13;
	v4 =	vadd.s32 v1, v4  }
0x75: {  	s21 =	sand.u32 $0x380, s21;
	s20 =	sand.u32 $0x7C00, s30;
	v10 =	vand.u32 $0xFFFFFF, v10;
	v6 =	vand.u32 $0xFFFFFF, v6;
	v5 =	vadd.s32 v1, v5  }
0x76: {  	s31 =	sor.u32 s21, s20;
	v11 =	vadd.s32 v1, v11;
	vm2 =	veq.s32 v10, v3;
	v10 =	vshrl.u32 v8, $0x7  }
0x77: {  	v15 =	vld [tilespmem:s31+$0x8000];
	vm3 =	veq.s32 v6, v3;
	v6 =	vand.u32 $0x7F, v8;
	v8 =	vand.u32 $0xFFFFFF, v10  }
0x78: {  	v10 =	vld [tilespmem:s31+$0x8050];
	vm1 =	veq.s32 v8, v3;
	v8 =	vand.u32 $0x7F, v9;
	v14 =	vshrl.u32 v7, $0x7  }
0x79: {  	v9 =	vshrl.u32 v9, $0x7;
	[tilespmem:v4+s14+$0x0] =	vst.idx.add.s32.msk vm0, v2;
	v4 =	vand.u32 $0xFFFFFF, v14;
	v14 =	vshrl.u32 v12, $0x7  }
0x7a: {  	vm0 =	veq.s32 v4, v3;
	v4 =	vand.u32 $0x7F, v7;
	v7 =	vand.u32 $0xFFFFFF, v14;
	v14 =	vld [tilespmem:s31+$0x8030]  }
0x7b: {  	v18 =	vld [tilespmem:s31+$0x8040];
	v12 =	vand.u32 $0x7F, v12;
	vm4 =	veq.s32 v7, v3;
	v7 =	vadd.s32 v1, v6  }
0x7c: {  	v9 =	vand.u32 $0xFFFFFF, v9;
	[tilespmem:v5+s14+$0x0] =	vst.idx.add.s32.msk vm2, v2;
	v5 =	vshrl.u32 v13, $0x7;
	v13 =	vadd.s32 v1, v12  }
0x7d: {  	v19 =	vadd.s32 v1, v8;
	vm5 =	veq.s32 v9, v3;
	[tilespmem:v11+s14+$0x0] =	vst.idx.add.s32.msk vm3, v2  }
0x7e: {  	v11 =	vld [tilespmem:s31+$0x8010];
	v17 =	vand.u32 $0x7F, v10;
	v4 =	vadd.s32 v1, v4;
	v6 =	vand.u32 $0xFFFFFF, v5  }
0x7f: {  	vm2 =	veq.s32 v6, v3;
	v6 =	vld [tilespmem:s31+$0x8020];
	v9 =	vshrl.u32 v14, $0x7;
	v8 =	vand.u32 $0x7F, v14  }
0x80: {  	v14 =	vadd.s32 v1, v16;
	v12 =	vand.u32 $0xFFFFFF, v9;
	v9 =	vshrl.u32 v10, $0x7;
	[tilespmem:v7+s14+$0x0] =	vst.idx.add.s32.msk vm1, v2  }
0x81: {  	v5 =	vand.u32 $0x7F, v15;
	v16 =	vshrl.u32 v18, $0x7;
	v10 =	vand.u32 $0xFFFFFF, v9;
	[tilespmem:v13+s14+$0x0] =	vst.idx.add.s32.msk vm4, v2  }
0x82: {  	v7 =	vshrl.u32 v15, $0x7;
	v15 =	vand.u32 $0x7F, v18;
	v13 =	vld [tilespmem:s31+$0x8070];
	vm3 =	veq.s32 v10, v3  }
0x83: {  	v16 =	vand.u32 $0xFFFFFF, v16;
	v7 =	vand.u32 $0xFFFFFF, v7;
	v9 =	vadd.s32 v1, v17;
	v10 =	vld [tilespmem:s31+$0x8060]  }
0x84: {  	s20 =	simm.s32 $0x800;
	s21 =	simm.s32 $0x8;
	s19 =	simm.s32 $0x8;
	[tilespmem:v19+s14+$0x0] =	vst.idx.add.s32.msk vm5, v2;
	vm1 =	veq.s32 v7, v3;
	v7 =	vand.u32 $0x7F, v11;
	v11 =	vshrl.u32 v11, $0x7  }
.LBB2_7:
0x85: {  	s22 =	sand.u32 $0x7C00, s20;
	s23 =	sand.u32 $0x380, s21;
	s19 =	sadd.s32 $0x8, s19;
	v17 =	vshrl.u32 v6, $0x7;
	vm4 =	veq.s32 v16, v3;
	[tilespmem:v14+s14+$0x0] =	vst.idx.add.s32.msk vm2, v2  }
0x86: {  	vm2 =	veq.s32 v12, v3;
	v12 =	vadd.s32 v1, v15;
	s22 =	sor.u32 s23, s22;
	p0 =	slt.u32 s19, $0x7F8;
	v14 =	vand.u32 $0xFFFFFF, v17;
	[tilespmem:v4+s14+$0x0] =	vst.idx.add.s32.msk vm0, v2  }
0x87: {  	v8 =	vadd.s32 v1, v8;
	v15 =	vld [tilespmem:s22+$0x8050];
	vm0 =	veq.s32 v14, v3;
	v4 =	vshrl.u32 v13, $0x7  }
0x88: {  	v6 =	vand.u32 $0x7F, v6;
	[tilespmem:v9+s14+$0x0] =	vst.idx.add.s32.msk vm3, v2;
	v9 =	vand.u32 $0x7F, v10;
	v14 =	vand.u32 $0xFFFFFF, v4  }
0x89: {  	v4 =	vadd.s32 v1, v6;
	v6 =	vand.u32 $0x7F, v13;
	v16 =	vld [tilespmem:s22+$0x8000];
	vm3 =	veq.s32 v14, v3  }
0x8a: {  	v10 =	vshrl.u32 v10, $0x7;
	v17 =	vadd.s32 v1, v6;
	v13 =	vld [tilespmem:s22+$0x8030]  }
0x8b: {  	v14 =	vadd.s32 v1, v5;
	v6 =	vand.u32 $0xFFFFFF, v10;
	[tilespmem:v12+s14+$0x0] =	vst.idx.add.s32.msk vm4, v2  }
0x8c: {  	v10 =	vand.u32 $0x7F, v15;
	[tilespmem:v8+s14+$0x0] =	vst.idx.add.s32.msk vm2, v2  }
0x8d: {  	v8 =	vand.u32 $0xFFFFFF, v11;
	v18 =	vld [tilespmem:s22+$0x8010]  }
0x8e: {  	vm2 =	veq.s32 v6, v3;
	vm4 =	veq.s32 v8, v3;
	v5 =	vand.u32 $0x7F, v16;
	v11 =	vld [tilespmem:s22+$0x8040]  }
0x8f: {  	v19 =	vadd.s32 v1, v7;
	v6 =	vld [tilespmem:s22+$0x8020];
	v8 =	vand.u32 $0x7F, v13;
	v12 =	vshrl.u32 v13, $0x7  }
.Ltmp2:
0x90: {  	v7 =	vshrl.u32 v15, $0x7;
	v12 =	vand.u32 $0xFFFFFF, v12;
	[tilespmem:v14+s14+$0x0] =	vst.idx.add.s32.msk vm1, v2;
	v14 =	vadd.s32 v1, v9;
	(pc) =	sbr.rel @p0 .LBB2_7-.Ltmp2, $4  }
0x91: {  	v7 =	vand.u32 $0xFFFFFF, v7;
	v9 =	vshrl.u32 v16, $0x7;
	[tilespmem:v17+s14+$0x0] =	vst.idx.add.s32.msk vm3, v2  }
0x92: {  	v15 =	vand.u32 $0xFFFFFF, v9;
	v9 =	vadd.s32 v1, v10;
	vm3 =	veq.s32 v7, v3;
	v13 =	vld [tilespmem:s22+$0x8070]  }
0x93: {  	vm1 =	veq.s32 v15, v3;
	v15 =	vand.u32 $0x7F, v11;
	v16 =	vshrl.u32 v11, $0x7;
	v10 =	vld [tilespmem:s22+$0x8060]  }
0x94: {  	s20 =	sadd.s32 $0x400, s20;
	s21 =	sadd.s32 $0x4, s21;
	v7 =	vand.u32 $0x7F, v18;
	v11 =	vshrl.u32 v18, $0x7;
	v16 =	vand.u32 $0xFFFFFF, v16;
	[tilespmem:v19+s14+$0x0] =	vst.idx.add.s32.msk vm4, v2  }
0x95: {  	_ = 	snop  }
0x96: {  	v17 =	vshrl.u32 v6, $0x7  }
0x97: {  	vm4 =	veq.s32 v16, v3;
	vm5 =	veq.s32 v12, v3;
	v57 =	vadd.s32 v1, v15  }
0x98: {  	v8 =	vadd.s32 v1, v8;
	v5 =	vadd.s32 v1, v5;
	v11 =	vand.u32 $0xFFFFFF, v11  }
0x99: {  	v7 =	vadd.s32 v1, v7;
	v63 =	vand.u32 $0x7F, v6;
	v55 =	vand.u32 $0xFFFFFF, v17  }
0x9a: {  	[tilespmem:v14+s14+$0x0] =	vst.idx.add.s32.msk vm2, v2;
	vm13 =	veq.s32 v11, v3;
	v6 =	vadd.s32 v1, v63;
	v56 =	vshrl.u32 v13, $0x7  }
0x9b: {  	[tilespmem:v4+s14+$0x0] =	vst.idx.add.s32.msk vm0, v2;
	vm15 =	veq.s32 v55, v3;
	v58 =	vand.u32 $0xFFFFFF, v56;
	v60 =	vshrl.u32 v10, $0x7  }
0x9c: {  	[tilespmem:v9+s14+$0x0] =	vst.idx.add.s32.msk vm3, v2;
	v59 =	vand.u32 $0x7F, v13;
	vm6 =	veq.s32 v58, v3;
	v61 =	vand.u32 $0xFFFFFF, v60  }
0x9d: {  	s18 =	sadd.s32 $0x1, s18;
	v4 =	vadd.s32 v1, v59;
	v62 =	vand.u32 $0x7F, v10;
	vm14 =	veq.s32 v61, v3;
	[tilespmem:v5+s14+$0x0] =	vst.idx.add.s32.msk vm1, v2  }
0x9e: {  	p0 =	sne.s32 s18, $0x8;
	v9 =	vadd.s32 v1, v62;
	[tilespmem:v57+s14+$0x0] =	vst.idx.add.s32.msk vm4, v2  }
.Ltmp3:
0x9f: {  	[tilespmem:v8+s14+$0x0] =	vst.idx.add.s32.msk vm5, v2;
	(pc) =	sbr.rel @p0 .LBB2_4-.Ltmp3, $4  }
0xa0: {  	[tilespmem:v7+s14+$0x0] =	vst.idx.add.s32.msk vm13, v2  }
0xa1: {  	[tilespmem:v6+s14+$0x0] =	vst.idx.add.s32.msk vm15, v2  }
0xa2: {  	[tilespmem:v4+s14+$0x0] =	vst.idx.add.s32.msk vm6, v2  }
0xa3: {  	[tilespmem:v9+s14+$0x0] =	vst.idx.add.s32.msk vm14, v2  }
0xa4: {  	s17 =	simm.s32 $0x10397  }
0xa5: {  	v3 =	vld [tilespmem:s17+$0xFFFFFC79]  }
0xa6: {  	v4 =	vld [tilespmem:s17+$0xFFFFFCFA]  }
0xa7: {  	v5 =	vld [tilespmem:s17+$0xFFFFFD7B]  }
0xa8: {  	v6 =	vld [tilespmem:s17+$0xFFFFFDFC]  }
0xa9: {  	v7 =	vld [tilespmem:s17+$0xFFFFFE7D]  }
0xaa: {  	v8 =	vld [tilespmem:s17+$0xFFFFFEFE]  }
0xab: {  	v9 =	vld [tilespmem:s17+$0xFFFFFF7F]  }
0xac: {  	v10 =	vld [tilespmem:s17+$0x0]  }
0xad: {  	v11 =	vld [tilespmem:s17+$0x81]  }
0xae: {  	v12 =	vld [tilespmem:s17+$0x102]  }
0xaf: {  	v13 =	vld [tilespmem:s17+$0x183]  }
0xb0: {  	v14 =	vld [tilespmem:s17+$0x204]  }
0xb1: {  	v15 =	vld [tilespmem:s17+$0x285]  }
0xb2: {  	v16 =	vld [tilespmem:s17+$0x306]  }
0xb3: {  	v17 =	vld [tilespmem:s17+$0x387]  }
0xb4: {  	v3 =	vadd.s32 v3, v4;
	v4 =	vld [tilespmem:s17+$0xFFFFFCEA]  }
0xb5: {  	v3 =	vadd.s32 v5, v3;
	v5 =	vld [tilespmem:s17+$0xFFFFFC69]  }
0xb6: {  	v3 =	vadd.s32 v6, v3;
	v6 =	vld [tilespmem:s17+$0xFFFFFD6B]  }
0xb7: {  	v3 =	vadd.s32 v7, v3;
	v7 =	vld [tilespmem:s17+$0xFFFFFDEC]  }
0xb8: {  	v3 =	vadd.s32 v8, v3;
	v8 =	vld [tilespmem:s17+$0xFFFFFE6D]  }
0xb9: {  	v3 =	vadd.s32 v9, v3;
	v9 =	vld [tilespmem:s17+$0xFFFFFEEE]  }
0xba: {  	v3 =	vadd.s32 v10, v3;
	v4 =	vadd.s32 v5, v4;
	v5 =	vld [tilespmem:s17+$0xFFFFFF6F]  }
0xbb: {  	v3 =	vadd.s32 v11, v3;
	v4 =	vadd.s32 v6, v4;
	v6 =	vld [tilespmem:s17+$0xFFFFFFF0]  }
0xbc: {  	v3 =	vadd.s32 v12, v3;
	v4 =	vadd.s32 v7, v4;
	v7 =	vld [tilespmem:s17+$0x71]  }
0xbd: {  	v3 =	vadd.s32 v13, v3;
	v4 =	vadd.s32 v8, v4;
	v8 =	vld [tilespmem:s17+$0xF2]  }
0xbe: {  	v10 =	vadd.s32 v14, v3;
	v4 =	vadd.s32 v9, v4;
	v3 =	vld [tilespmem:s17+$0x173]  }
0xbf: {  	v9 =	vadd.s32 v15, v10;
	v5 =	vadd.s32 v5, v4;
	v4 =	vld [tilespmem:s17+$0x1F4]  }
0xc0: {  	v9 =	vadd.s32 v16, v9;
	v6 =	vadd.s32 v6, v5;
	v5 =	vld [tilespmem:s17+$0x275]  }
0xc1: {  	v9 =	vadd.s32 v17, v9;
	v7 =	vadd.s32 v7, v6;
	v6 =	vld [tilespmem:s17+$0x2F6]  }
0xc2: {  	s18 =	simm.s32 $0x0;
	s19 =	simm.s32 $0x103B7;
	[tilespmem:s17+$0xFFFFFC79] =	vst v9;
	v8 =	vadd.s32 v8, v7;
	v7 =	vld [tilespmem:s17+$0x377]  }
.LBB2_10:
0xc3: {  	v9 =	vld [tilespmem:s19+$0xFFFFFC79];
	v3 =	vadd.s32 v3, v8  }
0xc4: {  	s18 =	sadd.s32 $0x2, s18;
	v8 =	vld [tilespmem:s19+$0xFFFFFCFA];
	v3 =	vadd.s32 v4, v3  }
0xc5: {  	p0 =	slt.u32 s18, $0x6;
	v4 =	vld [tilespmem:s19+$0xFFFFFD7B];
	v3 =	vadd.s32 v5, v3  }
0xc6: {  	v5 =	vld [tilespmem:s19+$0xFFFFFDFC];
	v3 =	vadd.s32 v6, v3  }
0xc7: {  	v6 =	vld [tilespmem:s19+$0xFFFFFE7D];
	v3 =	vadd.s32 v7, v3  }
0xc8: {  	v7 =	vld [tilespmem:s19+$0xFFFFFEFE];
	[tilespmem:s17+$0xFFFFFC69] =	vst v3;
	s17 =	smov.u32 s19  }
0xc9: {  	v3 =	vadd.s32 v9, v8;
	v8 =	vld [tilespmem:s19+$0xFFFFFF7F]  }
0xca: {  	v3 =	vadd.s32 v4, v3;
	v4 =	vld [tilespmem:s19+$0x0]  }
0xcb: {  	v3 =	vadd.s32 v5, v3;
	v5 =	vld [tilespmem:s19+$0x81]  }
0xcc: {  	v3 =	vadd.s32 v6, v3;
	v6 =	vld [tilespmem:s19+$0x102]  }
0xcd: {  	v3 =	vadd.s32 v7, v3;
	v7 =	vld [tilespmem:s19+$0x183]  }
0xce: {  	v3 =	vadd.s32 v8, v3;
	v8 =	vld [tilespmem:s19+$0x204]  }
0xcf: {  	v3 =	vadd.s32 v4, v3;
	v4 =	vld [tilespmem:s19+$0x285]  }
0xd0: {  	v3 =	vadd.s32 v5, v3;
	v5 =	vld [tilespmem:s19+$0x306]  }
0xd1: {  	v3 =	vadd.s32 v6, v3;
	v6 =	vld [tilespmem:s19+$0x387]  }
0xd2: {  	v9 =	vld [tilespmem:s19+$0xFFFFFCEA];
	v3 =	vadd.s32 v7, v3  }
0xd3: {  	v7 =	vld [tilespmem:s19+$0xFFFFFC69];
	v3 =	vadd.s32 v8, v3  }
0xd4: {  	v8 =	vld [tilespmem:s19+$0xFFFFFD6B];
	v3 =	vadd.s32 v4, v3  }
0xd5: {  	v4 =	vld [tilespmem:s19+$0xFFFFFDEC];
	v3 =	vadd.s32 v5, v3  }
0xd6: {  	v5 =	vld [tilespmem:s19+$0xFFFFFE6D];
	v3 =	vadd.s32 v6, v3  }
0xd7: {  	v6 =	vld [tilespmem:s19+$0xFFFFFEEE];
	[tilespmem:s19+$0xFFFFFC79] =	vst v3  }
0xd8: {  	v3 =	vadd.s32 v7, v9;
	v7 =	vld [tilespmem:s19+$0xFFFFFF6F]  }
0xd9: {  	v3 =	vadd.s32 v8, v3;
	v8 =	vld [tilespmem:s19+$0xFFFFFFF0]  }
0xda: {  	v3 =	vadd.s32 v4, v3;
	v9 =	vld [tilespmem:s19+$0x71]  }
0xdb: {  	v3 =	vadd.s32 v5, v3;
	v10 =	vld [tilespmem:s19+$0xF2]  }
.Ltmp4:
0xdc: {  	v4 =	vadd.s32 v6, v3;
	v3 =	vld [tilespmem:s19+$0x173];
	(pc) =	sbr.rel @p0 .LBB2_10-.Ltmp4, $4  }
0xdd: {  	v5 =	vadd.s32 v7, v4;
	v4 =	vld [tilespmem:s19+$0x1F4]  }
0xde: {  	v6 =	vadd.s32 v8, v5;
	v5 =	vld [tilespmem:s19+$0x275]  }
0xdf: {  	v7 =	vadd.s32 v9, v6;
	v6 =	vld [tilespmem:s19+$0x2F6]  }
0xe0: {  	s19 =	sadd.s32 $0x20, s19;
	v8 =	vadd.s32 v10, v7;
	v7 =	vld [tilespmem:s17+$0x377]  }
0xe1: {  	v3 =	vadd.s32 v3, v8  }
0xe2: {  	v3 =	vadd.s32 v4, v3  }
0xe3: {  	v3 =	vadd.s32 v5, v3  }
0xe4: {  	s16 =	sadd.s32 $0x1, s16;
	v3 =	vadd.s32 v6, v3  }
0xe5: {  	p0 =	sne.s32 s16, s9;
	v3 =	vadd.s32 v7, v3  }
.Ltmp5:
0xe6: {  	[tilespmem:s17+$0xFFFFFC69] =	vst v3;
	(pc) =	sbr.rel @p0 .LBB2_1-.Ltmp5, $4  }
0xe7: {  	[hbm4b:s8+s2] =	stream.linear.scatter [tilespmem:s14], [sflag:$0x3], $0x80, $0x38;
	[tilespmem:$0x10880] =	vst v63  }
0xe8: {  	_ =	swait.ge [sflag:s11], $0x80  }
0xe9: {  	[sflag:s11] =	ssyncset.done $0x0  }
0xea: {  	[sflag:s11] =	ssyncadd.s32 $0xFFFFFF80  }
0xeb: {  	_ =	sfence.sel $0x180000  }
0xec: {  	[bflag:$0x0] =	sbarrier.arrive $0xFFFF  }
0xed: {  	p0 =	sne.s32 s3, $0x0;
	_ =	strace $0x9000004D  }
0xee: {  	s0 =	sadd.s32 @!p0 $0x100000, s1;
	[bflag:$0x2] =	sbarrier.arrive $0xFFFF  }
0xef: {  	[sflag:s0] =	ssyncadd.tile.s32 @!p0 $0x1;
	_ =	shalt  }
.Lfunc_end2:
_tile_overlayer_lowered:
.L_overlay_start_2:
0xf0: {  	(tag) =	ssettag $0x2  }
0xf1: {  	s0 =	rddreg [dreg:$0x0];
	s2 =	stileid.u32  }
0xf2: {  	s1 =	rddreg [dreg:$0x1];
	p0 =	sne.s32 s2, $0x0  }
0xf3: {  	s3 =	rddreg [dreg:$0x2];
	[bflag:$0x3] =	sbarrier.arrive $0xFFFF;
	s2 =	simm.s32 @!p0 $0x1C03  }
0xf4: {  	[timem:s3], [sflag:s2] =	dma.local @!p0 [hbm:s0], s1  }
0xf5: {  	s0 =	simm.s32 @!p0 $0x3  }
0xf6: {  	_ =	swait.ge @!p0 [sflag:s0], s1  }
0xf7: {  	s1 =	ssub.s32 @!p0 $0x0, s1;
	[sflag:s0] =	ssyncset.done @!p0 $0x0  }
0xf8: {  	[sflag:s0] =	ssyncadd.s32 @!p0 s1  }
0xf9: {  	[bflag:$0x3] =	sbarrier.arrive $0xFFFF  }
0xfa: {  	_ =	shalt  }

// kernel: kernel.9.cloned.1.call-start
scs
__scs_entry_jumppad:
0x0: {  	(pc) =	sbr.rel $0x88, $3  }
0x1: {  	(tag) =	ssettag $0x0;
	lr =	simm.s32 $0x1  }
0x2: {  	[smem:$0x3F9F] =	sst lr;
	_ =	strace $0xD0000000  }
0x3: {  	_ = 	snop  }
0x4: {  	_ = 	snop  }
0x5: {  	_ = 	snop  }
0x6: {  	_ = 	snop  }
0x7: {  	_ = 	snop  }
__scs_overlays_trampoline_lowered:
0x8: {  	[smem:$0x3FAE] =	sst s0  }
0x9: {  	[smem:$0x3FAF] =	sst s1  }
0xa: {  	[smem:$0x3FB0] =	sst s2  }
0xb: {  	[smem:$0x3FB1] =	sst s3  }
0xc: {  	[smem:$0x3FB2] =	sst s4  }
0xd: {  	[smem:$0x3FB3] =	sst s5  }
0xe: {  	[smem:$0x3FB4] =	sst s6  }
0xf: {  	[smem:$0x3FB5] =	sst s7  }
0x10: {  	[smem:$0x3FB6] =	sst s8  }
0x11: {  	[smem:$0x3FB7] =	sst s9;
	s0 =	simm.s32 @!p0 $0x0  }
0x12: {  	s1 =	sld [smem:$0x3F9D];
	s0 =	simm.s32 @p0 $0x1  }
0x13: {  	[smem:$0x3FB8] =	sst s0;
	s0 =	simm.s32 @!p1 $0x0  }
0x14: {  	s2 =	sld [smem:$0x3F9C];
	s0 =	simm.s32 @p1 $0x1  }
0x15: {  	[smem:$0x3FB9] =	sst s0;
	s0 =	simm.s32 @!p2 $0x0  }
0x16: {  	s3 =	sld [smem:$0x3FDB];
	s0 =	simm.s32 @p2 $0x1  }
0x17: {  	s4 =	simm.s32 $0x1BF5;
	[smem:$0x3FBB] =	sst s0  }
0x18: {  	s0 =	sld [smem:$0x3F9E];
	_ =	swait.ge [sflag:s4], $0x0  }
0x19: {  	s7 =	sld [smem:$0x3F9F]  }
0x1a: {  	s8 =	sadd.s32 $0xFFFFE003, lr  }
0x1b: {  	s9 =	sadd.s32 $0xFFFFFEF7, lr;
	s5 =	simm.s32 $0xFFFFFFFF;
	p2 =	slt.u32 s8, $0xFFFFF086  }
0x1c: {  	p1 =	slt.u32 s9, $0xF7A;
	s5 =	simm.s32 @!p2 $0x0  }
0x1d: {  	s5 =	simm.s32 @p1 $0x1;
	p0 =	seq.s32 s7, s2  }
0x1e: {  	s7 =	smul.u32 @!p0 $0xF7A, s2;
	p2 =	seq.s32 @!p0 s5, $0x0  }
0x1f: {  	s9 =	smul.u32 $0xF7A, s1;
	s8 =	simm.s32 @!p0 $0x1BF5;
	p2 =	por !p2, p0  }
0x20: {  	[sflag:s8] =	ssyncset.s32 @!p0 $0xFFFFF086;
	s6 =	sadd.s32 @!p0 s3, s7;
	s7 =	simm.s32 @!p0 $0x108  }
0x21: {  	s3 =	sadd.s32 s3, s9;
	s6 =	sadd.s32 @!p0 $0x88, s6;
	s7 =	simm.s32 @p2 $0x1082  }
0x22: {  	[simem:s7], [sflag:s8] =	dma.local @!p0 [hbm:s6], $0xF7A  }
0x23: {  	s9 =	sor.u32 $0xD0000000, s2;
	s6 =	simm.s32 $0x108;
	_ =	swait.ge @!p0 [sflag:s8], $0x0  }
0x24: {  	s3 =	sadd.s32 $0x88, s3;
	s6 =	simm.s32 @!p1 $0x1082;
	[sflag:s4] =	ssyncset.s32 $0xFFFFF086  }
0x25: {  	[simem:s6], [sflag:s4] =	dma.local [hbm:s3], $0xF7A  }
0x26: {  	[smem:$0x3F9F] =	sst s1;
	(tag) =	ssettag s2;
	_ =	strace s9  }
0x27: {  	s1 =	sld [smem:$0x3FAF]  }
0x28: {  	s2 =	sld [smem:$0x3FB0]  }
0x29: {  	s4 =	sld [smem:$0x3FB2]  }
0x2a: {  	p0 =	seq.s32 s5, $0x0;
	s5 =	sld [smem:$0x3FB3]  }
0x2b: {  	s6 =	sld [smem:$0x3FB4]  }
0x2c: {  	s7 =	sld [smem:$0x3FB5]  }
0x2d: {  	s3 =	simm.s32 $0x108;
	s8 =	sld [smem:$0x3FB6]  }
0x2e: {  	s3 =	simm.s32 @!p0 $0x1082;
	s9 =	sld [smem:$0x3FB7]  }
0x2f: {  	lr =	sadd.s32 s0, s3;
	s0 =	sld [smem:$0x3FAE]  }
0x30: {  	s3 =	sld [smem:$0x3FB1]  }
0x31: {  	[smem:$0x3FBA] =	sst s10  }
0x32: {  	s10 =	sld [smem:$0x3FB8];
	_ =	sdelay $0x3  }
0x33: {  	p0 =	seq.s32 s10, $0x1;
	s10 =	sld [smem:$0x3FBA];
	_ =	sdelay $0x3  }
0x34: {  	[smem:$0x3FBA] =	sst s10  }
0x35: {  	s10 =	sld [smem:$0x3FB9];
	_ =	sdelay $0x3  }
0x36: {  	p1 =	seq.s32 s10, $0x1;
	s10 =	sld [smem:$0x3FBA];
	_ =	sdelay $0x3  }
0x37: {  	[smem:$0x3FBA] =	sst s10  }
0x38: {  	s10 =	sld [smem:$0x3FBB]  }
0x39: {  	_ = 	snop;
	(pc) =	sbr.ind lr, $3  }
0x3a: {  	_ = 	snop  }
0x3b: {  	_ = 	snop  }
0x3c: {  	p2 =	seq.s32 s10, $0x1;
	s10 =	sld [smem:$0x3FBA]  }
0x3d: {  	_ =	shalt  }
0x3e: {  	_ =	shalt  }
0x3f: {  	_ =	shalt  }
0x40: {  	_ =	shalt  }
0x41: {  	_ =	shalt  }
0x42: {  	_ =	shalt  }
0x43: {  	_ =	shalt  }
0x44: {  	_ =	shalt  }
0x45: {  	_ =	shalt  }
0x46: {  	_ =	shalt  }
0x47: {  	_ =	shalt  }
0x48: {  	_ =	shalt  }
0x49: {  	_ =	shalt  }
0x4a: {  	_ =	shalt  }
0x4b: {  	_ =	shalt  }
0x4c: {  	_ =	shalt  }
0x4d: {  	_ =	shalt  }
0x4e: {  	_ =	shalt  }
0x4f: {  	_ =	shalt  }
0x50: {  	_ =	shalt  }
0x51: {  	_ =	shalt  }
0x52: {  	_ =	shalt  }
0x53: {  	_ =	shalt  }
0x54: {  	_ =	shalt  }
0x55: {  	_ =	shalt  }
0x56: {  	_ =	shalt  }
0x57: {  	_ =	shalt  }
0x58: {  	_ =	shalt  }
0x59: {  	_ =	shalt  }
0x5a: {  	_ =	shalt  }
0x5b: {  	_ =	shalt  }
0x5c: {  	_ =	shalt  }
0x5d: {  	_ =	shalt  }
0x5e: {  	_ =	shalt  }
0x5f: {  	_ =	shalt  }
0x60: {  	_ =	shalt  }
0x61: {  	_ =	shalt  }
0x62: {  	_ =	shalt  }
0x63: {  	_ =	shalt  }
0x64: {  	_ =	shalt  }
0x65: {  	_ =	shalt  }
0x66: {  	_ =	shalt  }
0x67: {  	_ =	shalt  }
0x68: {  	_ =	shalt  }
0x69: {  	_ =	shalt  }
0x6a: {  	_ =	shalt  }
0x6b: {  	_ =	shalt  }
0x6c: {  	_ =	shalt  }
0x6d: {  	_ =	shalt  }
0x6e: {  	_ =	shalt  }
0x6f: {  	_ =	shalt  }
0x70: {  	_ =	shalt  }
0x71: {  	_ =	shalt  }
0x72: {  	_ =	shalt  }
0x73: {  	_ =	shalt  }
0x74: {  	_ =	shalt  }
0x75: {  	_ =	shalt  }
0x76: {  	_ =	shalt  }
0x77: {  	_ =	shalt  }
0x78: {  	_ =	shalt  }
0x79: {  	_ =	shalt  }
0x7a: {  	_ =	shalt  }
0x7b: {  	_ =	shalt  }
0x7c: {  	_ =	shalt  }
0x7d: {  	_ =	shalt  }
0x7e: {  	_ =	shalt  }
0x7f: {  	_ =	shalt  }
0x80: {  	_ =	shalt  }
0x81: {  	_ =	shalt  }
0x82: {  	_ =	shalt  }
0x83: {  	_ =	shalt  }
0x84: {  	_ =	shalt  }
0x85: {  	_ =	shalt  }
0x86: {  	_ =	shalt  }
0x87: {  	_ =	shalt  }
.Lfunc_end0:
.L_simem_size_0:
called_computation_lowered:
.L_overlay_start_0:
0x88: {  	s2 =	sld [smem:$0x3FD9]  }
0x89: {  	s3 =	sld [smem:$0x3FFE];
	_ =	sdelay $0x1  }
0x8a: {  	s1 =	srdreg.scid  }
0x8b: {  	s0 =	sand.u32 $0x1, s1  }
0x8c: {  	s18 =	sshll.u32 s0, $0xA;
	s2 =	sadd.s32 s3, s2  }
0x8d: {  	s2 =	sadd.s32 s2, s18  }
0x8e: {  	[smem:$0x3FC6] =	sst s2  }
0x8f: {  	_ = 	snop  }
0x90: {  	s2 =	sld [smem:$0x3FC9]  }
0x91: {  	s19 =	sld [smem:$0x3FD0];
	(tm) =	ssettm $0x1  }
0x92: {  	s4 =	sld [smem:$0x3FFB];
	_ =	sdelay $0x3  }
0x93: {  	_ =	strace s4  }
0x94: {  	s4 =	sld [smem:$0x3FFC];
	_ =	sdelay $0x3  }
0x95: {  	_ =	strace s4  }
0x96: {  	s4 =	sld [smem:$0x3FFD];
	_ =	sdelay $0x3  }
0x97: {  	_ =	strace s4  }
0x98: {  	_ =	strace $0x8FFFFFFF  }
0x99: {  	s20 =	sld [smem:$0x3FDB];
	_ =	sdelay $0x1  }
0x9a: {  	s5 =	simm.s32 $_scs_section_size  }
0x9b: {  	s6 =	simm.s32 $_size__tile_overlayer_lowered;
	s7 =	simm.s32 $_tile_overlayer_lowered  }
0x9c: {  	s23 =	simm.s32 $0x1BFF;
	s22 =	sshll.u32 s7, $0x1;
	s4 =	sadd.s32 s5, s20  }
0x9d: {  	s8 =	simm.s32 $0x0;
	s21 =	sshll.u32 s6, $0x1;
	s6 =	sadd.s32 s22, s4  }
0x9e: {  	[timem:s8], [sflag:s23] =	dma.local [hbm:s6], s21  }
0x9f: {  	_ =	swait.ge [sflag:s23], s21  }
0xa0: {  	s5 =	ssub.s32 $0x0, s21;
	[sflag:s23] =	ssyncset.done $0x0  }
0xa1: {  	[sflag:s23] =	ssyncadd.s32 s5;
	_ =	sdelay $0x1  }
0xa2: {  	s24 =	simm.s32 $0x1B8B  }
0xa3: {  	_ =	swait.ge [sflag:s24], $0x1  }
0xa4: {  	[sflag:s24] =	ssyncset.done $0x0  }
0xa5: {  	s25 =	simm.s32 $0x1B8E;
	[sflag:s24] =	ssyncadd.s32 $0xFFFFFFFF  }
0xa6: {  	s26 =	simm.s32 $execute0_lowered;
	[smem:$0x3FD2] =	sst s25  }
0xa7: {  	s5 =	sshll.u32 s26, $0x1;
	_ =	strace $0x80000046;
	[dreg:$0x1] =	wrdreg $0xFFFFFFFF  }
0xa8: {  	s28 =	simm.s32 $_size_execute0_lowered;
	s4 =	sadd.s32 s4, s5;
	[dreg:$0x0] =	wrdreg $0x0  }
0xa9: {  	s5 =	sshll.u32 s28, $0x1;
	[dreg:$0x2] =	wrdreg s4  }
0xaa: {  	[dreg:$0x3] =	wrdreg s5  }
0xab: {  	[dreg:$0x4] =	wrdreg $0xC0  }
0xac: {  	_ =	task [dreg:s8], $0x5FFFF  }
0xad: {  	[dreg:$0x1] =	wrdreg $0xFFFFFFFF  }
0xae: {  	[dreg:$0x0] =	wrdreg $0x60  }
0xaf: {  	[dreg:$0x2] =	wrdreg s2  }
0xb0: {  	[dreg:$0x3] =	wrdreg s19  }
0xb1: {  	[dreg:$0x4] =	wrdreg $0x9  }
0xb2: {  	_ =	task.clear_ibuf [dreg:s8], $0x5FFFF;
	_ =	strace $0x90000046  }
0xb3: {  	s29 =	simm.s32 $0x9;
	_ =	strace $0x80000048  }
0xb4: {  	_ =	swait.ge [sflag:s29], $0x1  }
0xb5: {  	[sflag:s29] =	ssyncadd.s32 $0xFFFFFFFF  }
0xb6: {  	_ =	strace $0x90000048  }
0xb7: {  	_ =	sfence  }
0xb8: {  	s30 =	sld [smem:$0x0];
	_ =	sdelay $0x2  }
0xb9: {  	s31 =	sshll.u32 s1, $0xD;
	s1 =	sshrl.u32 s1, $0x2  }
0xba: {  	s3 =	sand.u32 $0x4000, s31;
	s1 =	sadd.s32 s1, s30  }
0xbb: {  	s0 =	sor.u32 s3, s0;
	s1 =	sshll.u32 s1, $0x11  }
0xbc: {  	s0 =	sor.u32 s1, s0  }
0xbd: {  	s0 =	sadd.s32 $0x8F2B, s0  }
0xbe: {  	[sflag:s0] =	ssyncadd.remote.s32 $0x1  }
0xbf: {  	_ =	sfence.sel $0xFFFF  }
0xc0: {  	[dreg:$0x0] =	wrdreg $0xFFFFFFFF;
	(pc) =	sbr.abs _section_cstart, $3  }
0xc1: {  	[dreg:$0x1] =	wrdreg $0xFFFFFFFF  }
0xc2: {  	_ =	task.clear_ibuf [dreg:s8], $0x2FFFF;
	_ =	strace $0x9FFFFFFF  }
0xc3: {  	(tm) =	ssettm $0x7FFFFFFF  }
tec
execute0_lowered:
.L_overlay_start_1:
0x0: {  	(tag) =	ssettag $0x1  }
0x1: {  	v0 =	vimm.s32 $0xE00E;
	vm0 =	vcmask $0x300  }
0x2: {  	vm15 =	vcmask $0x704;
	v0 =	vsel vm0, $0x0, v0  }
0x3: {  	vm4 =	vcmask $0xB08;
	v0 =	vsel vm15, $0x1001, v0  }
0x4: {  	vm5 =	vcmask $0xF0C;
	v0 =	vsel vm4, $0x2002, v0  }
0x5: {  	s1 =	rddreg [dreg:$0x0];
	s2 =	srdreg.scid;
	vm6 =	vcmask $0x1310;
	v0 =	vsel vm5, $0x3003, v0  }
0x6: {  	s0 =	stileid.u32;
	s7 =	rddreg [dreg:$0x1];
	vm7 =	vcmask $0x1714;
	s10 =	simm.s32 $0x1;
	v0 =	vsel vm6, $0x4004, v0  }
0x7: {  	vm8 =	vcmask $0x1B18;
	s11 =	simm.s32 $0x10000;
	s12 =	simm.s32 $0x2;
	s13 =	simm.s32 $0x80;
	v0 =	vsel vm7, $0x5005, v0  }
0x8: {  	vm9 =	vcmask $0x1F1C;
	s14 =	simm.s32 $0x400;
	s15 =	simm.s32 $0x3;
	s16 =	simm.s32 $0x0;
	v0 =	vsel vm8, $0x6006, v0  }
0x9: {  	vm10 =	vcmask $0x2320;
	s5 =	sand.u32 $0x1, s2;
	s3 =	sshll.u32 s0, $0x1;
	s2 =	rddreg [dreg:$0x2];
	v0 =	vsel vm9, $0x7007, v0  }
0xa: {  	vm11 =	vcmask $0x2724;
	s8 =	sshll.u32 s0, $0xD;
	s6 =	sor.u32 s5, s3;
	s3 =	simm.s32 $0x0;
	v0 =	vsel vm10, $0x8008, v0  }
0xb: {  	vm12 =	vcmask $0x2B28;
	s5 =	ssub.s32 $0x2, s5;
	s4 =	sshll.u32 s6, $0x7;
	[smem:$0x7FF] =	sst s3;
	v0 =	vsel vm11, $0x9009, v0  }
0xc: {  	vm13 =	vcmask $0x2F2C;
	s9 =	sshrl.u32 s5, $0x1;
	s31 =	sshll.u32 s6, $0x10;
	s8 =	sor.u32 s8, s4;
	v0 =	vsel vm12, $0xA00A, v0  }
0xd: {  	vm14 =	vcmask $0x3330;
	_ =	strace $0x80000047;
	s9 =	ssub.s32 s5, s9;
	s8 =	sand.u32 $0x18380, s8;
	v0 =	vsel vm13, $0xB00B, v0  }
0xe: {  	vm15 =	vcmask $0x3734;
	s5 =	sadd.s32 s1, s31;
	s6 =	sor.u32 $0x10, s4;
	s8 =	sshrl.u32 s8, $0x3;
	v1 =	vsel vm14, $0xC00C, v0  }
0xf: {  	v2 =	vimm.s32 $0x1;
	s7 =	sadd.s32 s7, s8;
	s8 =	smax.u32 s9, $0x1;
	s9 =	simm.s32 $0x8000;
	v0 =	vimm.s32 $0x0;
	v1 =	vsel vm15, $0xD00D, v1  }
.LBB2_1:
0x10: {  	[tilespmem:s3], [sflag:$0x1] =	stream.linear.gather [hbm4b:s5+s3], $0x8000, $0x38;
	[tilespmem:$0x1F080] =	vst v63  }
0x11: {  	s17 =	simm.s32 $0x10040  }
0x12: {  	[tilespmem:s17+$0xFFFFFFC0] =	vst v0  }
0x13: {  	[tilespmem:s17+$0x30] =	vst v0  }
0x14: {  	[tilespmem:s17+$0x20] =	vst v0  }
0x15: {  	[tilespmem:s17+$0x10] =	vst v0  }
0x16: {  	[tilespmem:s17+$0x0] =	vst v0  }
0x17: {  	[tilespmem:s17+$0xFFFFFFF0] =	vst v0  }
0x18: {  	s18 =	simm.s32 $0x0;
	[tilespmem:s17+$0xFFFFFFE0] =	vst v0  }
.LBB2_2:
0x19: {  	s18 =	sadd.s32 $0x8, s18;
	[tilespmem:s17+$0xFFFFFFD0] =	vst v0;
	s17 =	sadd.s32 $0x80, s17  }
0x1a: {  	[tilespmem:s17+$0xFFFFFFC0] =	vst v0;
	p0 =	slt.u32 s18, $0xEF8  }
0x1b: {  	[tilespmem:s17+$0x30] =	vst v0  }
.Ltmp0:
0x1c: {  	[tilespmem:s17+$0x20] =	vst v0;
	(pc) =	sbr.rel @p0 .LBB2_2-.Ltmp0, $4  }
0x1d: {  	[tilespmem:s17+$0x10] =	vst v0  }
0x1e: {  	[tilespmem:s17+$0x0] =	vst v0  }
0x1f: {  	[tilespmem:s17+$0xFFFFFFF0] =	vst v0  }
0x20: {  	[tilespmem:s17+$0xFFFFFFE0] =	vst v0  }
0x21: {  	[tilespmem:s17+$0xFFFFFFD0] =	vst v0  }
0x22: {  	s17 =	simm.s32 $0x0;
	s18 =	simm.s32 $0x0;
	[tilespmem:$0x1F000] =	vst v0  }
.LBB2_4:
0x23: {  	s19 =	sshll.u32 s18, $0x4  }
0x24: {  	s20 =	sadd.s32 s19, s4  }
0x25: {  	s20 =	sshll.u32 s20, $0x9  }
0x26: {  	s20 =	sadd.s32 s1, s20  }
0x27: {  	s20 =	sadd.s32 $0x1000, s20  }
0x28: {  	[tilespmem:s9], [sflag:$0x2] =	stream.linear.gather [hbm4b:s20+s17], $0x8000, $0x38;
	[tilespmem:$0x1F080] =	vst v63  }
0x29: {  	_ =	swait.ge [sflag:s10], $0x8000  }
0x2a: {  	s31 =	sand.u32 $0x7C00, s17;
	s21 =	sand.u32 $0x380, s17;
	[sflag:s10] =	ssyncset.done $0x0  }
0x2b: {  	s20 =	sor.u32 s21, s31;
	[sflag:s10] =	ssyncadd.s32 $0xFFFF8000  }
0x2c: {  	v3 =	vld [tilespmem:s20+$0x70]  }
0x2d: {  	v4 =	vld [tilespmem:s20+$0x0]  }
0x2e: {  	v5 =	vld [tilespmem:s20+$0x10]  }
0x2f: {  	v6 =	vld [tilespmem:s20+$0x20]  }
0x30: {  	v7 =	vld [tilespmem:s20+$0x30]  }
0x31: {  	v8 =	vld [tilespmem:s20+$0x40]  }
0x32: {  	v9 =	vld [tilespmem:s20+$0x50];
	v3 =	vshrl.u32 v3, $0x13  }
0x33: {  	v10 =	vld [tilespmem:s20+$0x60];
	v4 =	vshrl.u32 v4, $0x13;
	v3 =	vand.u32 $0xFFF, v3  }
0x34: {  	v4 =	vand.u32 $0xFFF, v4;
	v11 =	vadd.s32 v1, v3;
	v3 =	vshrl.u32 v5, $0x13  }
0x35: {  	v5 =	vadd.s32 v1, v4;
	v4 =	vshrl.u32 v6, $0x13;
	v3 =	vand.u32 $0xFFF, v3  }
0x36: {  	v12 =	vshrl.u32 v7, $0x13;
	v4 =	vand.u32 $0xFFF, v4;
	v7 =	vadd.s32 v1, v3  }
0x37: {  	v6 =	vadd.s32 v1, v4;
	v3 =	vand.u32 $0xFFF, v12  }
0x38: {  	v4 =	vshrl.u32 v8, $0x13;
	v8 =	vshrl.u32 v9, $0x13;
	v9 =	vshrl.u32 v10, $0x13  }
0x39: {  	v3 =	vadd.s32 v1, v3;
	v4 =	vand.u32 $0xFFF, v4;
	v8 =	vand.u32 $0xFFF, v8;
	[tilespmem:v11+s11+$0x0] =	vst.idx.add.s32.msk $0xffff, v2  }
0x3a: {  	s22 =	simm.s32 $0x4;
	s21 =	simm.s32 $0x400;
	s20 =	simm.s32 $0x0;
	v4 =	vadd.s32 v1, v4;
	[tilespmem:v5+s11+$0x0] =	vst.idx.add.s32.msk $0xffff, v2;
	v5 =	vadd.s32 v1, v8;
	v8 =	vand.u32 $0xFFF, v9  }
.LBB2_5:
0x3b: {  	s23 =	sand.u32 $0x7C00, s21;
	s24 =	sand.u32 $0x380, s22;
	s20 =	sadd.s32 $0x8, s20;
	[tilespmem:v7+s11+$0x0] =	vst.idx.add.s32.msk $0xffff, v2;
	v8 =	vadd.s32 v1, v8  }
0x3c: {  	s23 =	sor.u32 s24, s23;
	p0 =	slt.u32 s20, $0x7F8;
	[tilespmem:v6+s11+$0x0] =	vst.idx.add.s32.msk $0xffff, v2  }
0x3d: {  	v6 =	vld [tilespmem:s23+$0x70]  }
0x3e: {  	v7 =	vld [tilespmem:s23+$0x0]  }
0x3f: {  	v9 =	vld [tilespmem:s23+$0x10]  }
0x40: {  	v10 =	vld [tilespmem:s23+$0x20]  }
0x41: {  	v11 =	vld [tilespmem:s23+$0x30]  }
0x42: {  	v12 =	vld [tilespmem:s23+$0x40];
	v6 =	vshrl.u32 v6, $0x13  }
0x43: {  	v7 =	vshrl.u32 v7, $0x13;
	v13 =	vld [tilespmem:s23+$0x50];
	v6 =	vand.u32 $0xFFF, v6  }
0x44: {  	v7 =	vand.u32 $0xFFF, v7;
	v9 =	vshrl.u32 v9, $0x13;
	v14 =	vld [tilespmem:s23+$0x60];
	v15 =	vadd.s32 v1, v6  }
0x45: {  	v16 =	vadd.s32 v1, v7;
	v6 =	vand.u32 $0xFFF, v9;
	v9 =	vshrl.u32 v10, $0x13;
	[tilespmem:v3+s11+$0x0] =	vst.idx.add.s32.msk $0xffff, v2  }
.Ltmp1:
0x46: {  	v7 =	vadd.s32 v1, v6;
	v3 =	vand.u32 $0xFFF, v9;
	v9 =	vshrl.u32 v11, $0x13;
	[tilespmem:v4+s11+$0x0] =	vst.idx.add.s32.msk $0xffff, v2;
	(pc) =	sbr.rel @p0 .LBB2_5-.Ltmp1, $4  }
0x47: {  	v6 =	vadd.s32 v1, v3;
	v3 =	vand.u32 $0xFFF, v9;
	v4 =	vshrl.u32 v12, $0x13;
	[tilespmem:v5+s11+$0x0] =	vst.idx.add.s32.msk $0xffff, v2  }
0x48: {  	v3 =	vadd.s32 v1, v3;
	v4 =	vand.u32 $0xFFF, v4;
	v5 =	vshrl.u32 v13, $0x13;
	[tilespmem:v8+s11+$0x0] =	vst.idx.add.s32.msk $0xffff, v2  }
0x49: {  	v4 =	vadd.s32 v1, v4;
	v5 =	vand.u32 $0xFFF, v5;
	v8 =	vshrl.u32 v14, $0x13;
	[tilespmem:v15+s11+$0x0] =	vst.idx.add.s32.msk $0xffff, v2  }
0x4a: {  	s21 =	sadd.s32 $0x400, s21;
	s22 =	sadd.s32 $0x4, s22;
	[tilespmem:v16+s11+$0x0] =	vst.idx.add.s32.msk $0xffff, v2;
	v5 =	vadd.s32 v1, v5;
	v8 =	vand.u32 $0xFFF, v8  }
0x4b: {  	_ =	sdelay $0x3  }
0x4c: {  	[tilespmem:v7+s11+$0x0] =	vst.idx.add.s32.msk $0xffff, v2;
	v7 =	vadd.s32 v1, v8  }
0x4d: {  	[tilespmem:v6+s11+$0x0] =	vst.idx.add.s32.msk $0xffff, v2  }
0x4e: {  	[tilespmem:v3+s11+$0x0] =	vst.idx.add.s32.msk $0xffff, v2;
	p0 =	seq.s32 s18, $0x7  }
0x4f: {  	[tilespmem:v4+s11+$0x0] =	vst.idx.add.s32.msk $0xffff, v2;
	s19 =	sadd.s32 @!p0 s19, s6  }
0x50: {  	[tilespmem:v5+s11+$0x0] =	vst.idx.add.s32.msk $0xffff, v2;
	s19 =	sshll.u32 @!p0 s19, $0x9  }
0x51: {  	s20 =	simm.s32 @!p0 $0x0;
	s19 =	sadd.s32 @!p0 s1, s19;
	[tilespmem:v7+s11+$0x0] =	vst.idx.add.s32.msk $0xffff, v2  }
0x52: {  	[tilespmem:s20], [sflag:$0x1] =	stream.linear.gather @!p0 [hbm4b:s19+s20], $0x8000, $0x38;
	[tilespmem:$0x1F080] =	vst v63  }
0x53: {  	s30 =	simm.s32 $0x0;
	_ =	swait.ge [sflag:s12], $0x8000  }
0x54: {  	s31 =	sand.u32 $0x7C00, s30;
	s19 =	sand.u32 $0x380, s30;
	[sflag:s12] =	ssyncset.done $0x0  }
0x55: {  	s19 =	sor.u32 s19, s31;
	[sflag:s12] =	ssyncadd.s32 $0xFFFF8000  }
0x56: {  	v3 =	vld [tilespmem:s19+$0x8070]  }
0x57: {  	v4 =	vld [tilespmem:s19+$0x8000]  }
0x58: {  	v5 =	vld [tilespmem:s19+$0x8010]  }
0x59: {  	v6 =	vld [tilespmem:s19+$0x8020]  }
0x5a: {  	v7 =	vld [tilespmem:s19+$0x8030]  }
0x5b: {  	v8 =	vld [tilespmem:s19+$0x8040]  }
0x5c: {  	v9 =	vld [tilespmem:s19+$0x8050];
	v3 =	vshrl.u32 v3, $0x13  }
0x5d: {  	v10 =	vld [tilespmem:s19+$0x8060];
	v4 =	vshrl.u32 v4, $0x13;
	v3 =	vand.u32 $0xFFF, v3  }
0x5e: {  	v4 =	vand.u32 $0xFFF, v4;
	v11 =	vadd.s32 v1, v3;
	v3 =	vshrl.u32 v5, $0x13  }
0x5f: {  	v5 =	vadd.s32 v1, v4;
	v4 =	vshrl.u32 v6, $0x13;
	v3 =	vand.u32 $0xFFF, v3  }
0x60: {  	v12 =	vshrl.u32 v7, $0x13;
	v4 =	vand.u32 $0xFFF, v4;
	v7 =	vadd.s32 v1, v3  }
0x61: {  	v6 =	vadd.s32 v1, v4;
	v3 =	vand.u32 $0xFFF, v12  }
0x62: {  	v4 =	vshrl.u32 v8, $0x13;
	v8 =	vshrl.u32 v9, $0x13;
	v9 =	vshrl.u32 v10, $0x13  }
0x63: {  	v3 =	vadd.s32 v1, v3;
	v4 =	vand.u32 $0xFFF, v4;
	v8 =	vand.u32 $0xFFF, v8;
	[tilespmem:v11+s11+$0x0] =	vst.idx.add.s32.msk $0xffff, v2  }
0x64: {  	s21 =	simm.s32 $0x4;
	s20 =	simm.s32 $0x400;
	s19 =	simm.s32 $0x0;
	v4 =	vadd.s32 v1, v4;
	[tilespmem:v5+s11+$0x0] =	vst.idx.add.s32.msk $0xffff, v2;
	v5 =	vadd.s32 v1, v8;
	v8 =	vand.u32 $0xFFF, v9  }
.LBB2_7:
0x65: {  	s22 =	sand.u32 $0x7C00, s20;
	s23 =	sand.u32 $0x380, s21;
	s19 =	sadd.s32 $0x8, s19;
	[tilespmem:v7+s11+$0x0] =	vst.idx.add.s32.msk $0xffff, v2;
	v8 =	vadd.s32 v1, v8  }
0x66: {  	s22 =	sor.u32 s23, s22;
	p0 =	slt.u32 s19, $0x7F8;
	[tilespmem:v6+s11+$0x0] =	vst.idx.add.s32.msk $0xffff, v2  }
0x67: {  	v6 =	vld [tilespmem:s22+$0x8070]  }
0x68: {  	v7 =	vld [tilespmem:s22+$0x8000]  }
0x69: {  	v9 =	vld [tilespmem:s22+$0x8010]  }
0x6a: {  	v10 =	vld [tilespmem:s22+$0x8020]  }
0x6b: {  	v11 =	vld [tilespmem:s22+$0x8030]  }
0x6c: {  	v12 =	vld [tilespmem:s22+$0x8040];
	v6 =	vshrl.u32 v6, $0x13  }
0x6d: {  	v7 =	vshrl.u32 v7, $0x13;
	v13 =	vld [tilespmem:s22+$0x8050];
	v6 =	vand.u32 $0xFFF, v6  }
0x6e: {  	v7 =	vand.u32 $0xFFF, v7;
	v9 =	vshrl.u32 v9, $0x13;
	v14 =	vld [tilespmem:s22+$0x8060];
	v15 =	vadd.s32 v1, v6  }
0x6f: {  	v16 =	vadd.s32 v1, v7;
	v6 =	vand.u32 $0xFFF, v9;
	v9 =	vshrl.u32 v10, $0x13;
	[tilespmem:v3+s11+$0x0] =	vst.idx.add.s32.msk $0xffff, v2  }
.Ltmp2:
0x70: {  	v7 =	vadd.s32 v1, v6;
	v3 =	vand.u32 $0xFFF, v9;
	v9 =	vshrl.u32 v11, $0x13;
	[tilespmem:v4+s11+$0x0] =	vst.idx.add.s32.msk $0xffff, v2;
	(pc) =	sbr.rel @p0 .LBB2_7-.Ltmp2, $4  }
0x71: {  	v6 =	vadd.s32 v1, v3;
	v3 =	vand.u32 $0xFFF, v9;
	v4 =	vshrl.u32 v12, $0x13;
	[tilespmem:v5+s11+$0x0] =	vst.idx.add.s32.msk $0xffff, v2  }
0x72: {  	v3 =	vadd.s32 v1, v3;
	v4 =	vand.u32 $0xFFF, v4;
	v5 =	vshrl.u32 v13, $0x13;
	[tilespmem:v8+s11+$0x0] =	vst.idx.add.s32.msk $0xffff, v2  }
0x73: {  	v4 =	vadd.s32 v1, v4;
	v5 =	vand.u32 $0xFFF, v5;
	v8 =	vshrl.u32 v14, $0x13;
	[tilespmem:v15+s11+$0x0] =	vst.idx.add.s32.msk $0xffff, v2  }
0x74: {  	s20 =	sadd.s32 $0x400, s20;
	s21 =	sadd.s32 $0x4, s21;
	[tilespmem:v16+s11+$0x0] =	vst.idx.add.s32.msk $0xffff, v2;
	v5 =	vadd.s32 v1, v5;
	v8 =	vand.u32 $0xFFF, v8  }
0x75: {  	_ =	sdelay $0x2  }
0x76: {  	s18 =	sadd.s32 $0x1, s18  }
0x77: {  	[tilespmem:v7+s11+$0x0] =	vst.idx.add.s32.msk $0xffff, v2;
	v63 =	vadd.s32 v1, v8;
	p0 =	sne.s32 s18, $0x8  }
.Ltmp3:
0x78: {  	[tilespmem:v6+s11+$0x0] =	vst.idx.add.s32.msk $0xffff, v2;
	(pc) =	sbr.rel @p0 .LBB2_4-.Ltmp3, $4  }
0x79: {  	[tilespmem:v3+s11+$0x0] =	vst.idx.add.s32.msk $0xffff, v2  }
0x7a: {  	[tilespmem:v4+s11+$0x0] =	vst.idx.add.s32.msk $0xffff, v2  }
0x7b: {  	[tilespmem:v5+s11+$0x0] =	vst.idx.add.s32.msk $0xffff, v2  }
0x7c: {  	[tilespmem:v63+s11+$0x0] =	vst.idx.add.s32.msk $0xffff, v2  }
0x7d: {  	s17 =	simm.s32 $0x10000  }
0x7e: {  	v3 =	vld [tilespmem:s17+$0x10]  }
0x7f: {  	v4 =	vld [tilespmem:s17+$0x1011]  }
0x80: {  	v5 =	vld [tilespmem:s17+$0x2012]  }
0x81: {  	v6 =	vld [tilespmem:s17+$0x3013]  }
0x82: {  	v7 =	vld [tilespmem:s17+$0x4014]  }
0x83: {  	v8 =	vld [tilespmem:s17+$0x5015]  }
0x84: {  	v9 =	vld [tilespmem:s17+$0x6016]  }
0x85: {  	v10 =	vld [tilespmem:s17+$0x7017]  }
0x86: {  	v11 =	vld [tilespmem:s17+$0x8018]  }
0x87: {  	v12 =	vld [tilespmem:s17+$0x9019]  }
0x88: {  	v13 =	vld [tilespmem:s17+$0xA01A]  }
0x89: {  	v14 =	vld [tilespmem:s17+$0xB01B]  }
0x8a: {  	v15 =	vld [tilespmem:s17+$0xC01C]  }
0x8b: {  	v16 =	vld [tilespmem:s17+$0xD01D]  }
0x8c: {  	v17 =	vld [tilespmem:s17+$0xE01E]  }
0x8d: {  	v3 =	vadd.s32 v3, v4;
	v4 =	vld [tilespmem:s17+$0x1001]  }
0x8e: {  	v3 =	vadd.s32 v5, v3;
	v5 =	vld [tilespmem:s17+$0x0]  }
0x8f: {  	v3 =	vadd.s32 v6, v3;
	v6 =	vld [tilespmem:s17+$0x2002]  }
0x90: {  	v3 =	vadd.s32 v7, v3;
	v7 =	vld [tilespmem:s17+$0x3003]  }
0x91: {  	v3 =	vadd.s32 v8, v3;
	v8 =	vld [tilespmem:s17+$0x4004]  }
0x92: {  	v3 =	vadd.s32 v9, v3;
	v9 =	vld [tilespmem:s17+$0x5005]  }
0x93: {  	v3 =	vadd.s32 v10, v3;
	v4 =	vadd.s32 v5, v4;
	v5 =	vld [tilespmem:s17+$0x6006]  }
0x94: {  	v3 =	vadd.s32 v11, v3;
	v4 =	vadd.s32 v6, v4;
	v6 =	vld [tilespmem:s17+$0x7007]  }
0x95: {  	v3 =	vadd.s32 v12, v3;
	v4 =	vadd.s32 v7, v4;
	v7 =	vld [tilespmem:s17+$0x8008]  }
0x96: {  	v3 =	vadd.s32 v13, v3;
	v4 =	vadd.s32 v8, v4;
	v8 =	vld [tilespmem:s17+$0x9009]  }
0x97: {  	v10 =	vadd.s32 v14, v3;
	v4 =	vadd.s32 v9, v4;
	v3 =	vld [tilespmem:s17+$0xA00A]  }
0x98: {  	v9 =	vadd.s32 v15, v10;
	v5 =	vadd.s32 v5, v4;
	v4 =	vld [tilespmem:s17+$0xB00B]  }
0x99: {  	v9 =	vadd.s32 v16, v9;
	v6 =	vadd.s32 v6, v5;
	v5 =	vld [tilespmem:s17+$0xC00C]  }
0x9a: {  	v9 =	vadd.s32 v17, v9;
	v7 =	vadd.s32 v7, v6;
	v6 =	vld [tilespmem:s17+$0xD00D]  }
0x9b: {  	s18 =	simm.s32 $0x0;
	s19 =	simm.s32 $0x10020;
	[tilespmem:s17+$0x10] =	vst v9;
	v8 =	vadd.s32 v8, v7;
	v7 =	vld [tilespmem:s17+$0xE00E]  }
.LBB2_10:
0x9c: {  	v9 =	vld [tilespmem:s19+$0x10];
	v3 =	vadd.s32 v3, v8  }
0x9d: {  	s18 =	sadd.s32 $0x2, s18;
	v8 =	vld [tilespmem:s19+$0x1011];
	v3 =	vadd.s32 v4, v3  }
0x9e: {  	p0 =	slt.u32 s18, $0xFE;
	v4 =	vld [tilespmem:s19+$0x2012];
	v3 =	vadd.s32 v5, v3  }
0x9f: {  	v5 =	vld [tilespmem:s19+$0x3013];
	v3 =	vadd.s32 v6, v3  }
0xa0: {  	v6 =	vld [tilespmem:s19+$0x4014];
	v3 =	vadd.s32 v7, v3  }
0xa1: {  	v7 =	vld [tilespmem:s19+$0x5015];
	[tilespmem:s17+$0x0] =	vst v3;
	s17 =	smov.u32 s19  }
0xa2: {  	v3 =	vadd.s32 v9, v8;
	v8 =	vld [tilespmem:s19+$0x6016]  }
0xa3: {  	v3 =	vadd.s32 v4, v3;
	v4 =	vld [tilespmem:s19+$0x7017]  }
0xa4: {  	v3 =	vadd.s32 v5, v3;
	v5 =	vld [tilespmem:s19+$0x8018]  }
0xa5: {  	v3 =	vadd.s32 v6, v3;
	v6 =	vld [tilespmem:s19+$0x9019]  }
0xa6: {  	v3 =	vadd.s32 v7, v3;
	v7 =	vld [tilespmem:s19+$0xA01A]  }
0xa7: {  	v3 =	vadd.s32 v8, v3;
	v8 =	vld [tilespmem:s19+$0xB01B]  }
0xa8: {  	v3 =	vadd.s32 v4, v3;
	v4 =	vld [tilespmem:s19+$0xC01C]  }
0xa9: {  	v3 =	vadd.s32 v5, v3;
	v5 =	vld [tilespmem:s19+$0xD01D]  }
0xaa: {  	v3 =	vadd.s32 v6, v3;
	v6 =	vld [tilespmem:s19+$0xE01E]  }
0xab: {  	v9 =	vld [tilespmem:s19+$0x1001];
	v3 =	vadd.s32 v7, v3  }
0xac: {  	v7 =	vld [tilespmem:s19+$0x0];
	v3 =	vadd.s32 v8, v3  }
0xad: {  	v8 =	vld [tilespmem:s19+$0x2002];
	v3 =	vadd.s32 v4, v3  }
0xae: {  	v4 =	vld [tilespmem:s19+$0x3003];
	v3 =	vadd.s32 v5, v3  }
0xaf: {  	v5 =	vld [tilespmem:s19+$0x4004];
	v3 =	vadd.s32 v6, v3  }
0xb0: {  	v6 =	vld [tilespmem:s19+$0x5005];
	[tilespmem:s19+$0x10] =	vst v3  }
0xb1: {  	v3 =	vadd.s32 v7, v9;
	v7 =	vld [tilespmem:s19+$0x6006]  }
0xb2: {  	v3 =	vadd.s32 v8, v3;
	v8 =	vld [tilespmem:s19+$0x7007]  }
0xb3: {  	v3 =	vadd.s32 v4, v3;
	v9 =	vld [tilespmem:s19+$0x8008]  }
0xb4: {  	v3 =	vadd.s32 v5, v3;
	v10 =	vld [tilespmem:s19+$0x9009]  }
.Ltmp4:
0xb5: {  	v4 =	vadd.s32 v6, v3;
	v3 =	vld [tilespmem:s19+$0xA00A];
	(pc) =	sbr.rel @p0 .LBB2_10-.Ltmp4, $4  }
0xb6: {  	v5 =	vadd.s32 v7, v4;
	v4 =	vld [tilespmem:s19+$0xB00B]  }
0xb7: {  	v6 =	vadd.s32 v8, v5;
	v5 =	vld [tilespmem:s19+$0xC00C]  }
0xb8: {  	v7 =	vadd.s32 v9, v6;
	v6 =	vld [tilespmem:s19+$0xD00D]  }
0xb9: {  	s19 =	sadd.s32 $0x20, s19;
	v8 =	vadd.s32 v10, v7;
	v7 =	vld [tilespmem:s17+$0xE00E]  }
0xba: {  	v3 =	vadd.s32 v3, v8  }
0xbb: {  	v3 =	vadd.s32 v4, v3  }
0xbc: {  	v3 =	vadd.s32 v5, v3  }
0xbd: {  	s16 =	sadd.s32 $0x1, s16;
	v3 =	vadd.s32 v6, v3  }
0xbe: {  	p0 =	sne.s32 s16, s8;
	v3 =	vadd.s32 v7, v3  }
.Ltmp5:
0xbf: {  	[tilespmem:s17+$0x0] =	vst v3;
	(pc) =	sbr.rel @p0 .LBB2_1-.Ltmp5, $4  }
0xc0: {  	[hbm4b:s7+s13] =	stream.strided.scatter [tilespmem:s11], [sflag:$0x3], $0x1000, s14, s13, $0x38;
	[tilespmem:$0x1F080] =	vst v63  }
0xc1: {  	_ =	swait.ge [sflag:s15], $0x1000  }
0xc2: {  	[sflag:s15] =	ssyncset.done $0x0  }
0xc3: {  	[sflag:s15] =	ssyncadd.s32 $0xFFFFF000  }
0xc4: {  	_ =	sfence.sel $0x180000  }
0xc5: {  	[bflag:$0x0] =	sbarrier.arrive $0xFFFF  }
0xc6: {  	p0 =	sne.s32 s0, $0x0;
	_ =	strace $0x90000047  }
0xc7: {  	s0 =	sadd.s32 @!p0 $0x100000, s2;
	[bflag:$0x2] =	sbarrier.arrive $0xFFFF  }
0xc8: {  	[sflag:s0] =	ssyncadd.tile.s32 @!p0 $0x1;
	_ =	shalt  }
.Lfunc_end2:
_tile_overlayer_lowered:
.L_overlay_start_2:
0xc9: {  	(tag) =	ssettag $0x2  }
0xca: {  	s0 =	rddreg [dreg:$0x0];
	s2 =	stileid.u32  }
0xcb: {  	s1 =	rddreg [dreg:$0x1];
	p0 =	sne.s32 s2, $0x0  }
0xcc: {  	s3 =	rddreg [dreg:$0x2];
	[bflag:$0x3] =	sbarrier.arrive $0xFFFF;
	s2 =	simm.s32 @!p0 $0x1C03  }
0xcd: {  	[timem:s3], [sflag:s2] =	dma.local @!p0 [hbm:s0], s1  }
0xce: {  	s0 =	simm.s32 @!p0 $0x3  }
0xcf: {  	_ =	swait.ge @!p0 [sflag:s0], s1  }
0xd0: {  	s1 =	ssub.s32 @!p0 $0x0, s1;
	[sflag:s0] =	ssyncset.done @!p0 $0x0  }
0xd1: {  	[sflag:s0] =	ssyncadd.s32 @!p0 s1  }
0xd2: {  	[bflag:$0x3] =	sbarrier.arrive $0xFFFF  }
0xd3: {  	_ =	shalt  }

</sc_bundles>
